<compile_context>
chip_gen: v7x
topology: tpu7x:2x2x1
jax: 0.10.2.dev20260603
libtpu: 0.0.44.dev20260713+nightly
codegen_flags: <defaults>
</compile_context>

<pallas_src>
import jax
import jax.numpy as jnp
from jax import lax
from jax.experimental import pallas as pl
from jax.experimental.pallas import tpu as pltpu
from jax.experimental.pallas import tpu_sc as plsc

N = 10000
E = 160000
D = 256
R = 200
T = 4
H = 128
NC = 2
NS = 16
LANES = 16
EPT = E // NS
C = 80
NCH = 126
NCHP = 128
NP = 10240
RPT = NP // NS


def _make_seg():
  mesh = plsc.VectorSubcoreMesh(core_axis_name="c", subcore_axis_name="s",
                                num_cores=NC, num_subcores=NS)

  def body(xcat, relcat, idx_pack, z_agg, agg_out,
           ibuf, xbuf, rbuf, sh_agg, semx0, semx1, semr0, semr1):
    c = lax.axis_index("c")
    s = lax.axis_index("s")

    rs = pl.ds(s * RPT, RPT)
    pltpu.sync_copy(z_agg.at[rs], sh_agg.at[rs])
    plsc.subcore_barrier()

    semx = (semx0, semx1)
    semr = (semr0, semr1)
    ip = idx_pack.at[c].at[s]

    def load(j, b):
      pltpu.sync_copy(ip.at[j], ibuf.at[b])
      pltpu.async_copy(xcat.at[ibuf.at[b].at[0]], xbuf.at[b], semx[b])
      pltpu.async_copy(relcat.at[ibuf.at[b].at[1]], rbuf.at[b], semr[b])

    def wait_slot(b):
      pltpu.make_async_copy(z_agg.at[pl.ds(0, C)], xbuf.at[b], semx[b]).wait()
      pltpu.make_async_copy(z_agg.at[pl.ds(0, C)], rbuf.at[b], semr[b]).wait()

    load(0, 0)
    load(1, 1)

    def step(p, _):
      for b in range(2):
        j = 2 * p + b
        wait_slot(b)

        def mul_row(i, _):
          for k in range(H // LANES):
            sl = pl.ds(k * LANES, LANES)
            xbuf[b, i, sl] = xbuf[b, i, sl] * rbuf[b, i, sl]
          return 0

        lax.fori_loop(0, C, mul_row, 0)
        pltpu.sync_copy(xbuf.at[b], sh_agg.at[ibuf.at[b].at[2]], add=True)
        load(j + 2, b)
      return 0

    lax.fori_loop(0, NCH // 2, step, 0)
    wait_slot(0)
    wait_slot(1)
    plsc.subcore_barrier()
    pltpu.sync_copy(sh_agg.at[rs], agg_out.at[pl.ds(c * NP + s * RPT, RPT)])

  return pl.kernel(
      body,
      out_type=[jax.ShapeDtypeStruct((NC * NP, H), jnp.float32)],
      mesh=mesh,
      scratch_types=[
          pltpu.VMEM((2, 3, C), jnp.int32),
          pltpu.VMEM((2, C, H), jnp.float32),
          pltpu.VMEM((2, C, H), jnp.float32),
          pltpu.VMEM_SHARED((NP, H), jnp.float32),
          pltpu.SemaphoreType.DMA,
          pltpu.SemaphoreType.DMA,
          pltpu.SemaphoreType.DMA,
          pltpu.SemaphoreType.DMA,
      ])


C2 = 40
NCH2 = E // (NC * NS * C2)


def _make_deg():
  mesh = plsc.VectorSubcoreMesh(core_axis_name="c", subcore_axis_name="s",
                                num_cores=NC, num_subcores=NS)

  def body(dst_d, z_agg, ones_in, deg_out, dbuf, onesb, sh_deg, sem0):
    c = lax.axis_index("c")
    s = lax.axis_index("s")
    rs = pl.ds(s * RPT, RPT)
    pltpu.sync_copy(z_agg.at[rs], sh_deg.at[rs])
    pltpu.sync_copy(ones_in, onesb)
    plsc.subcore_barrier()
    w = c * NS + s

    def chunk(j, _):
      pltpu.sync_copy(dst_d.at[w].at[j], dbuf)
      pltpu.sync_copy(onesb, sh_deg.at[dbuf], add=True)
      return 0

    lax.fori_loop(0, NCH2, chunk, 0)
    plsc.subcore_barrier()
    pltpu.sync_copy(sh_deg.at[rs], deg_out.at[pl.ds(c * NP + s * RPT, RPT)])

  return pl.kernel(
      body,
      out_type=[jax.ShapeDtypeStruct((NC * NP, H), jnp.float32)],
      mesh=mesh,
      scratch_types=[
          pltpu.VMEM((C2,), jnp.int32),
          pltpu.VMEM((C2, H), jnp.float32),
          pltpu.VMEM_SHARED((NP, H), jnp.float32),
          pltpu.SemaphoreType.DMA,
      ])


_RB = 1000


def _make_dense(final):
  def body(agg_ref, deg_ref, x_ref, w_ref, wl_ref, res_ref, out_ref):
    aggc = jnp.concatenate([agg_ref[0], agg_ref[1]], axis=1)
    xc = jnp.concatenate([x_ref[0], x_ref[1]], axis=1)
    deg = deg_ref[0, :, 0:1] + deg_ref[1, :, 0:1]
    norm = 1.0 / jnp.maximum(deg, 1.0)
    y = jnp.dot(aggc * norm, w_ref[...], preferred_element_type=jnp.float32)
    y = y + jnp.dot(xc, wl_ref[...], preferred_element_type=jnp.float32)
    h = xc + res_ref[0, 0] * jnp.tanh(y)
    if final:
      out_ref[...] = h
    else:
      out_ref[0] = h[:, :H]
      out_ref[1] = h[:, H:]

  in_specs = [
      pl.BlockSpec((NC, _RB, H), lambda i: (0, i, 0)),
      pl.BlockSpec((NC, _RB, H), lambda i: (0, i, 0)),
      pl.BlockSpec((NC, _RB, H), lambda i: (0, i, 0)),
      pl.BlockSpec((D, D), lambda i: (0, 0)),
      pl.BlockSpec((D, D), lambda i: (0, 0)),
      pl.BlockSpec(memory_space=pltpu.SMEM),
  ]
  if final:
    out_spec = pl.BlockSpec((_RB, D), lambda i: (i, 0))
    out_shape = jax.ShapeDtypeStruct((N, D), jnp.float32)
  else:
    out_spec = pl.BlockSpec((NC, _RB, H), lambda i: (0, i, 0))
    out_shape = jax.ShapeDtypeStruct((NC, N, H), jnp.float32)
  return pl.pallas_call(body, grid=(N // _RB,), in_specs=in_specs,
                        out_specs=out_spec, out_shape=out_shape)


_seg = _make_seg()
_deg = _make_deg()
_dense_mid = _make_dense(False)
_dense_fin = _make_dense(True)


def kernel(t, emb, times, edge_index_list, edge_type_list,
           rel1, W1, Wloop1, rel2, W2, Wloop2, res1, res2):
  idx = jnp.sum((times <= t).astype(jnp.int32)) - 1
  idx = jnp.clip(idx, 0, T - 1)
  edge_index = lax.dynamic_index_in_dim(edge_index_list, idx, 0, keepdims=False)
  edge_type = lax.dynamic_index_in_dim(edge_type_list, idx, 0, keepdims=False)
  pad = NCHP * C - EPT
  src_p = jnp.concatenate(
      [edge_index[0].reshape(NS, EPT), jnp.zeros((NS, pad), jnp.int32)], axis=1)
  dst_p = jnp.concatenate(
      [edge_index[1].reshape(NS, EPT), jnp.full((NS, pad), N, jnp.int32)], axis=1)
  et_p = jnp.concatenate(
      [edge_type.reshape(NS, EPT), jnp.zeros((NS, pad), jnp.int32)], axis=1)
  src_r = src_p.reshape(NS, NCHP, C)
  dst_r = dst_p.reshape(NS, NCHP, C)
  et_r = et_p.reshape(NS, NCHP, C)
  packs = [jnp.stack([src_r + c * N, et_r + c * R, dst_r], axis=2)
           for c in range(NC)]
  idx_pack = jnp.stack(packs)
  dst_d = edge_index[1].reshape(NC * NS, NCH2, C2)
  z_agg = jnp.zeros((NP, H), jnp.float32)
  ones_in = jnp.ones((C2, H), jnp.float32)

  embT = jnp.stack([emb[:, :H], emb[:, H:]])
  rel1c = jnp.concatenate([rel1[:, :H], rel1[:, H:]], axis=0)
  rel2c = jnp.concatenate([rel2[:, :H], rel2[:, H:]], axis=0)

  degp = _deg(dst_d, z_agg, ones_in)
  if isinstance(degp, (list, tuple)):
    degp = degp[0]
  degp = degp.reshape(NC, NP, H)

  agg1 = _seg(embT.reshape(NC * N, H), rel1c, idx_pack, z_agg)
  if isinstance(agg1, (list, tuple)):
    agg1 = agg1[0]
  agg1 = agg1.reshape(NC, NP, H)
  h1T = _dense_mid(agg1, degp, embT, W1, Wloop1, jnp.reshape(res1, (1, 1)))

  agg2 = _seg(h1T.reshape(NC * N, H), rel2c, idx_pack, z_agg)
  if isinstance(agg2, (list, tuple)):
    agg2 = agg2[0]
  agg2 = agg2.reshape(NC, NP, H)
  h = _dense_fin(agg2, degp, h1T, W2, Wloop2, jnp.reshape(res2, (1, 1)))
  return h

# --- scband reference (transcript-rebuilt; emitter-appended) ---
"""Pipeline reference for scband-mgcnlayer-wrapper-53077205844182 (READ-ONLY COPY).

The authoritative reference and input builder live on the scoring server;
editing this copy changes nothing except your own understanding.
"""

import jax, jax.numpy as jnp
import numpy as np

N = 10000   # num_e
E = 160000  # edges per snapshot
D = 256     # initsize = hidsize = embsize
R = 200     # num_rel
T = 4       # input_step (number of temporal snapshots)


def setup_inputs(seed: int = 0) -> dict:
    key = jax.random.key(seed)
    ks = jax.random.split(key, 12)
    emb = jax.random.normal(ks[0], (N, D), dtype=jnp.float32)
    # t chosen inside [0, T) so a valid snapshot index is selected
    t = jnp.float32(2.5)
    times = jnp.arange(T, dtype=jnp.float32)
    edge_index_list = jax.random.randint(ks[1], (T, 2, E), 0, N, dtype=jnp.int32)
    edge_type_list = jax.random.randint(ks[2], (T, E), 0, R, dtype=jnp.int32)
    # MGCNConvLayer parameters (layer 1 and layer 2): relation embeddings,
    # neighbor-message weight, self-loop weight
    rel1 = jax.random.normal(ks[3], (R, D), dtype=jnp.float32) * 0.05
    W1 = jax.random.normal(ks[4], (D, D), dtype=jnp.float32) * (1.0 / np.sqrt(D))
    Wloop1 = jax.random.normal(ks[5], (D, D), dtype=jnp.float32) * (1.0 / np.sqrt(D))
    rel2 = jax.random.normal(ks[6], (R, D), dtype=jnp.float32) * 0.05
    W2 = jax.random.normal(ks[7], (D, D), dtype=jnp.float32) * (1.0 / np.sqrt(D))
    Wloop2 = jax.random.normal(ks[8], (D, D), dtype=jnp.float32) * (1.0 / np.sqrt(D))
    res1 = jnp.float32(0.1)
    res2 = jnp.float32(0.1)
    return {
        "t": t, "emb": emb, "times": times,
        "edge_index_list": edge_index_list, "edge_type_list": edge_type_list,
        "rel1": rel1, "W1": W1, "Wloop1": Wloop1,
        "rel2": rel2, "W2": W2, "Wloop2": Wloop2,
        "res1": res1, "res2": res2,
    }


def _mgcn_conv(x, edge_index, edge_type, rel_emb, W, W_loop):
    # CompGCN/MGCN-style relational conv: compose source features with
    # relation embedding, scatter-add into destination nodes, degree
    # normalize, linear transform + self-loop, tanh activation.
    src = edge_index[0]
    dst = edge_index[1]
    msg = jnp.take(x, src, axis=0) * jnp.take(rel_emb, edge_type, axis=0)
    agg = jax.ops.segment_sum(msg, dst, num_segments=N)
    deg = jax.ops.segment_sum(jnp.ones((msg.shape[0],), dtype=msg.dtype), dst, num_segments=N)
    norm = 1.0 / jnp.clip(deg, 1.0, None)
    out = (agg * norm[:, None]) @ W + x @ W_loop
    return jnp.tanh(out)


def reference(t, emb, times, edge_index_list, edge_type_list,
              rel1, W1, Wloop1, rel2, W2, Wloop2, res1, res2):
    # idx = (times <= t).sum() - 1 clamped to [0, input_step-1]
    idx = jnp.sum((times <= t).astype(jnp.int32)) - 1
    idx = jnp.clip(idx, 0, T - 1)
    edge_index = jnp.take(edge_index_list, idx, axis=0)
    edge_type = jnp.take(edge_type_list, idx, axis=0)
    # res=True, core_layer=2; dropout is identity in eval mode
    h = emb + res1 * _mgcn_conv(emb, edge_index, edge_type, rel1, W1, Wloop1)
    h = h + res2 * _mgcn_conv(h, edge_index, edge_type, rel2, W2, Wloop2)
    return h

if __name__ == "__main__":
    import jax
    _d = setup_inputs()
    print(jax.jit(kernel)(*tuple(_d.values())))

</pallas_src>

<mosaic_0001>
#map = affine_map<(d0, d1) -> (0, 0)>
#map1 = affine_map<(d0, d1) -> (0, 0, 0, 0, 0)>
module attributes {stable_mosaic.version = 14 : i64} {
  func.func @body(%arg0: i32, %arg1: i32, %arg2: memref<20000x128xf32, #tpu.memory_space<hbm>>, %arg3: memref<400x128xf32, #tpu.memory_space<hbm>>, %arg4: memref<2x16x128x3x80xi32, #tpu.memory_space<hbm>>, %arg5: memref<10240x128xf32, #tpu.memory_space<hbm>>, %arg6: memref<20480x128xf32, #tpu.memory_space<hbm>>, %arg7: memref<2x3x80xi32, #tpu.memory_space<vmem>>, %arg8: memref<2x80x128xf32, #tpu.memory_space<vmem>>, %arg9: memref<2x80x128xf32, #tpu.memory_space<vmem>>, %arg10: memref<10240x128xf32, #tpu.memory_space<vmem_shared>>, %arg11: memref<!tpu.dma_semaphore, #tpu.memory_space<semaphore_mem>>, %arg12: memref<!tpu.dma_semaphore, #tpu.memory_space<semaphore_mem>>, %arg13: memref<!tpu.dma_semaphore, #tpu.memory_space<semaphore_mem>>, %arg14: memref<!tpu.dma_semaphore, #tpu.memory_space<semaphore_mem>>) attributes {dimension_semantics = [#tpu.dimension_semantics<core_parallel>, #tpu.dimension_semantics<subcore_parallel>], iteration_bounds = array<i64: 2, 16>, scalar_prefetch = 0 : i64, scratch_operands = 8 : i64, tpu.core_type = #tpu.core_type<sc_vector_subcore>, window_params = [{transform_indices = #map}, {transform_indices = #map}, {transform_indices = #map1}, {transform_indices = #map}, {transform_indices = #map}]} {
    %mul3A = arith.constant 640 : i32
    %mul3A_0 = arith.muli %arg1, %mul3A : i32
    "tpu.region"() ({
      %run_scoped3A_141 = tpu.sem_alloc : memref<!tpu.dma_semaphore, #tpu.memory_space<semaphore_mem>>
      %dma_start3A_142 = arith.constant 0 : i32
      %dma_start3A_143 = tpu.memref_slice %arg10[%mul3A_0, %dma_start3A_142] : memref<10240x128xf32, #tpu.memory_space<vmem_shared>> -> memref<640x128xf32, #tpu.memory_space<vmem_shared>>
      %dma_start3A_144 = arith.constant 0 : i32
      %dma_start3A_145 = tpu.memref_slice %arg5[%mul3A_0, %dma_start3A_144] : memref<10240x128xf32, #tpu.memory_space<hbm>> -> memref<640x128xf32, #tpu.memory_space<hbm>>
      tpu.enqueue_dma source(%dma_start3A_145 : memref<640x128xf32, #tpu.memory_space<hbm>>) target(%dma_start3A_143 : memref<640x128xf32, #tpu.memory_space<vmem_shared>>) target_semaphore(%run_scoped3A_141 : memref<!tpu.dma_semaphore, #tpu.memory_space<semaphore_mem>>)
      %dma_wait3A_146 = arith.constant 0 : i32
      %dma_wait3A_147 = tpu.memref_slice %arg10[%mul3A_0, %dma_wait3A_146] : memref<10240x128xf32, #tpu.memory_space<vmem_shared>> -> memref<640x128xf32, #tpu.memory_space<vmem_shared>>
      %dma_wait3A_148 = arith.constant 0 : i32
      %dma_wait3A_149 = tpu.memref_slice %arg5[%mul3A_0, %dma_wait3A_148] : memref<10240x128xf32, #tpu.memory_space<hbm>> -> memref<640x128xf32, #tpu.memory_space<hbm>>
      tpu.wait_dma2 semaphore(%run_scoped3A_141 : memref<!tpu.dma_semaphore, #tpu.memory_space<semaphore_mem>>) src(%dma_wait3A_149 : memref<640x128xf32, #tpu.memory_space<hbm>>) dst(%dma_wait3A_147 : memref<640x128xf32, #tpu.memory_space<vmem_shared>>)
      tpu.yield
    }) : () -> ()
    %barrier3A = arith.constant 0 : index
    tpu.barrier barrier_id(%barrier3A)
    %run_scoped3A = arith.constant 0 : i32
    %run_scoped3A_1 = arith.constant 0 : i32
    "tpu.region"() ({
      %run_scoped3A_141 = tpu.sem_alloc : memref<!tpu.dma_semaphore, #tpu.memory_space<semaphore_mem>>
      %dma_start3A_142 = arith.constant 0 : i32
      %dma_start3A_143 = arith.constant 0 : i32
      %dma_start3A_144 = tpu.memref_slice %arg7[%run_scoped3A_1, %dma_start3A_142, %dma_start3A_143] : memref<2x3x80xi32, #tpu.memory_space<vmem>> -> memref<1x3x80xi32, #tpu.memory_space<vmem>>
      %dma_start3A_145 = tpu.memref_squeeze %dma_start3A_144 : memref<1x3x80xi32, #tpu.memory_space<vmem>> -> memref<3x80xi32, #tpu.memory_space<vmem>>
      %dma_start3A_146 = arith.constant 0 : i32
      %dma_start3A_147 = arith.constant 0 : i32
      %dma_start3A_148 = arith.constant 0 : i32
      %dma_start3A_149 = arith.constant 0 : i32
      %dma_start3A_150 = tpu.memref_slice %arg4[%arg0, %dma_start3A_146, %dma_start3A_147, %dma_start3A_148, %dma_start3A_149] : memref<2x16x128x3x80xi32, #tpu.memory_space<hbm>> -> memref<1x16x128x3x80xi32, #tpu.memory_space<hbm>>
      %dma_start3A_151 = tpu.memref_squeeze %dma_start3A_150 : memref<1x16x128x3x80xi32, #tpu.memory_space<hbm>> -> memref<16x128x3x80xi32, #tpu.memory_space<hbm>>
      %dma_start3A_152 = arith.constant 0 : i32
      %dma_start3A_153 = arith.constant 0 : i32
      %dma_start3A_154 = arith.constant 0 : i32
      %dma_start3A_155 = tpu.memref_slice %dma_start3A_151[%arg1, %dma_start3A_152, %dma_start3A_153, %dma_start3A_154] : memref<16x128x3x80xi32, #tpu.memory_space<hbm>> -> memref<1x128x3x80xi32, #tpu.memory_space<hbm>>
      %dma_start3A_156 = tpu.memref_squeeze %dma_start3A_155 : memref<1x128x3x80xi32, #tpu.memory_space<hbm>> -> memref<128x3x80xi32, #tpu.memory_space<hbm>>
      %dma_start3A_157 = arith.constant 0 : i32
      %dma_start3A_158 = arith.constant 0 : i32
      %dma_start3A_159 = tpu.memref_slice %dma_start3A_156[%run_scoped3A, %dma_start3A_157, %dma_start3A_158] : memref<128x3x80xi32, #tpu.memory_space<hbm>> -> memref<1x3x80xi32, #tpu.memory_space<hbm>>
      %dma_start3A_160 = tpu.memref_squeeze %dma_start3A_159 : memref<1x3x80xi32, #tpu.memory_space<hbm>> -> memref<3x80xi32, #tpu.memory_space<hbm>>
      %dma_start3A_161 = arith.constant 0 : i32
      %dma_start3A_162 = arith.constant 0 : i32
      %dma_start3A_163 = tpu.memref_slice %arg7[%run_scoped3A_1, %dma_start3A_161, %dma_start3A_162] : memref<2x3x80xi32, #tpu.memory_space<vmem>> -> memref<1x3x80xi32, #tpu.memory_space<vmem>>
      %dma_start3A_164 = tpu.memref_squeeze %dma_start3A_163 : memref<1x3x80xi32, #tpu.memory_space<vmem>> -> memref<3x80xi32, #tpu.memory_space<vmem>>
      %dma_start3A_165 = arith.constant 0 : i32
      %dma_start3A_166 = arith.constant 0 : i32
      %dma_start3A_167 = arith.constant 0 : i32
      %dma_start3A_168 = arith.constant 0 : i32
      %dma_start3A_169 = tpu.memref_slice %arg4[%arg0, %dma_start3A_165, %dma_start3A_166, %dma_start3A_167, %dma_start3A_168] : memref<2x16x128x3x80xi32, #tpu.memory_space<hbm>> -> memref<1x16x128x3x80xi32, #tpu.memory_space<hbm>>
      %dma_start3A_170 = tpu.memref_squeeze %dma_start3A_169 : memref<1x16x128x3x80xi32, #tpu.memory_space<hbm>> -> memref<16x128x3x80xi32, #tpu.memory_space<hbm>>
      %dma_start3A_171 = arith.constant 0 : i32
      %dma_start3A_172 = arith.constant 0 : i32
      %dma_start3A_173 = arith.constant 0 : i32
      %dma_start3A_174 = tpu.memref_slice %dma_start3A_170[%arg1, %dma_start3A_171, %dma_start3A_172, %dma_start3A_173] : memref<16x128x3x80xi32, #tpu.memory_space<hbm>> -> memref<1x128x3x80xi32, #tpu.memory_space<hbm>>
      %dma_start3A_175 = tpu.memref_squeeze %dma_start3A_174 : memref<1x128x3x80xi32, #tpu.memory_space<hbm>> -> memref<128x3x80xi32, #tpu.memory_space<hbm>>
      %dma_start3A_176 = arith.constant 0 : i32
      %dma_start3A_177 = arith.constant 0 : i32
      %dma_start3A_178 = tpu.memref_slice %dma_start3A_175[%run_scoped3A, %dma_start3A_176, %dma_start3A_177] : memref<128x3x80xi32, #tpu.memory_space<hbm>> -> memref<1x3x80xi32, #tpu.memory_space<hbm>>
      %dma_start3A_179 = tpu.memref_squeeze %dma_start3A_178 : memref<1x3x80xi32, #tpu.memory_space<hbm>> -> memref<3x80xi32, #tpu.memory_space<hbm>>
      tpu.enqueue_dma source(%dma_start3A_179 : memref<3x80xi32, #tpu.memory_space<hbm>>) target(%dma_start3A_164 : memref<3x80xi32, #tpu.memory_space<vmem>>) target_semaphore(%run_scoped3A_141 : memref<!tpu.dma_semaphore, #tpu.memory_space<semaphore_mem>>)
      %dma_wait3A_180 = arith.constant 0 : i32
      %dma_wait3A_181 = arith.constant 0 : i32
      %dma_wait3A_182 = tpu.memref_slice %arg7[%run_scoped3A_1, %dma_wait3A_180, %dma_wait3A_181] : memref<2x3x80xi32, #tpu.memory_space<vmem>> -> memref<1x3x80xi32, #tpu.memory_space<vmem>>
      %dma_wait3A_183 = tpu.memref_squeeze %dma_wait3A_182 : memref<1x3x80xi32, #tpu.memory_space<vmem>> -> memref<3x80xi32, #tpu.memory_space<vmem>>
      %dma_wait3A_184 = arith.constant 0 : i32
      %dma_wait3A_185 = arith.constant 0 : i32
      %dma_wait3A_186 = arith.constant 0 : i32
      %dma_wait3A_187 = arith.constant 0 : i32
      %dma_wait3A_188 = tpu.memref_slice %arg4[%arg0, %dma_wait3A_184, %dma_wait3A_185, %dma_wait3A_186, %dma_wait3A_187] : memref<2x16x128x3x80xi32, #tpu.memory_space<hbm>> -> memref<1x16x128x3x80xi32, #tpu.memory_space<hbm>>
      %dma_wait3A_189 = tpu.memref_squeeze %dma_wait3A_188 : memref<1x16x128x3x80xi32, #tpu.memory_space<hbm>> -> memref<16x128x3x80xi32, #tpu.memory_space<hbm>>
      %dma_wait3A_190 = arith.constant 0 : i32
      %dma_wait3A_191 = arith.constant 0 : i32
      %dma_wait3A_192 = arith.constant 0 : i32
      %dma_wait3A_193 = tpu.memref_slice %dma_wait3A_189[%arg1, %dma_wait3A_190, %dma_wait3A_191, %dma_wait3A_192] : memref<16x128x3x80xi32, #tpu.memory_space<hbm>> -> memref<1x128x3x80xi32, #tpu.memory_space<hbm>>
      %dma_wait3A_194 = tpu.memref_squeeze %dma_wait3A_193 : memref<1x128x3x80xi32, #tpu.memory_space<hbm>> -> memref<128x3x80xi32, #tpu.memory_space<hbm>>
      %dma_wait3A_195 = arith.constant 0 : i32
      %dma_wait3A_196 = arith.constant 0 : i32
      %dma_wait3A_197 = tpu.memref_slice %dma_wait3A_194[%run_scoped3A, %dma_wait3A_195, %dma_wait3A_196] : memref<128x3x80xi32, #tpu.memory_space<hbm>> -> memref<1x3x80xi32, #tpu.memory_space<hbm>>
      %dma_wait3A_198 = tpu.memref_squeeze %dma_wait3A_197 : memref<1x3x80xi32, #tpu.memory_space<hbm>> -> memref<3x80xi32, #tpu.memory_space<hbm>>
      %dma_wait3A_199 = arith.constant 0 : i32
      %dma_wait3A_200 = arith.constant 0 : i32
      %dma_wait3A_201 = tpu.memref_slice %arg7[%run_scoped3A_1, %dma_wait3A_199, %dma_wait3A_200] : memref<2x3x80xi32, #tpu.memory_space<vmem>> -> memref<1x3x80xi32, #tpu.memory_space<vmem>>
      %dma_wait3A_202 = tpu.memref_squeeze %dma_wait3A_201 : memref<1x3x80xi32, #tpu.memory_space<vmem>> -> memref<3x80xi32, #tpu.memory_space<vmem>>
      %dma_wait3A_203 = arith.constant 0 : i32
      %dma_wait3A_204 = arith.constant 0 : i32
      %dma_wait3A_205 = arith.constant 0 : i32
      %dma_wait3A_206 = arith.constant 0 : i32
      %dma_wait3A_207 = tpu.memref_slice %arg4[%arg0, %dma_wait3A_203, %dma_wait3A_204, %dma_wait3A_205, %dma_wait3A_206] : memref<2x16x128x3x80xi32, #tpu.memory_space<hbm>> -> memref<1x16x128x3x80xi32, #tpu.memory_space<hbm>>
      %dma_wait3A_208 = tpu.memref_squeeze %dma_wait3A_207 : memref<1x16x128x3x80xi32, #tpu.memory_space<hbm>> -> memref<16x128x3x80xi32, #tpu.memory_space<hbm>>
      %dma_wait3A_209 = arith.constant 0 : i32
      %dma_wait3A_210 = arith.constant 0 : i32
      %dma_wait3A_211 = arith.constant 0 : i32
      %dma_wait3A_212 = tpu.memref_slice %dma_wait3A_208[%arg1, %dma_wait3A_209, %dma_wait3A_210, %dma_wait3A_211] : memref<16x128x3x80xi32, #tpu.memory_space<hbm>> -> memref<1x128x3x80xi32, #tpu.memory_space<hbm>>
      %dma_wait3A_213 = tpu.memref_squeeze %dma_wait3A_212 : memref<1x128x3x80xi32, #tpu.memory_space<hbm>> -> memref<128x3x80xi32, #tpu.memory_space<hbm>>
      %dma_wait3A_214 = arith.constant 0 : i32
      %dma_wait3A_215 = arith.constant 0 : i32
      %dma_wait3A_216 = tpu.memref_slice %dma_wait3A_213[%run_scoped3A, %dma_wait3A_214, %dma_wait3A_215] : memref<128x3x80xi32, #tpu.memory_space<hbm>> -> memref<1x3x80xi32, #tpu.memory_space<hbm>>
      %dma_wait3A_217 = tpu.memref_squeeze %dma_wait3A_216 : memref<1x3x80xi32, #tpu.memory_space<hbm>> -> memref<3x80xi32, #tpu.memory_space<hbm>>
      tpu.wait_dma2 semaphore(%run_scoped3A_141 : memref<!tpu.dma_semaphore, #tpu.memory_space<semaphore_mem>>) src(%dma_wait3A_217 : memref<3x80xi32, #tpu.memory_space<hbm>>) dst(%dma_wait3A_202 : memref<3x80xi32, #tpu.memory_space<vmem>>)
      tpu.yield
    }) : () -> ()
    %dma_start3A = arith.constant 0 : i32
    %dma_start3A_2 = arith.constant 0 : i32
    %dma_start3A_3 = arith.constant 0 : i32
    %dma_start3A_4 = arith.constant 0 : i32
    %dma_start3A_5 = arith.constant 0 : i32
    %dma_start3A_6 = tpu.memref_slice %arg8[%dma_start3A_3, %dma_start3A_4, %dma_start3A_5] : memref<2x80x128xf32, #tpu.memory_space<vmem>> -> memref<1x80x128xf32, #tpu.memory_space<vmem>>
    %dma_start3A_7 = tpu.memref_squeeze %dma_start3A_6 : memref<1x80x128xf32, #tpu.memory_space<vmem>> -> memref<80x128xf32, #tpu.memory_space<vmem>>
    %dma_start3A_8 = arith.constant 0 : i32
    %dma_start3A_9 = arith.constant 0 : i32
    %dma_start3A_10 = tpu.memref_slice %arg7[%dma_start3A, %dma_start3A_8, %dma_start3A_9] : memref<2x3x80xi32, #tpu.memory_space<vmem>> -> memref<1x3x80xi32, #tpu.memory_space<vmem>>
    %dma_start3A_11 = tpu.memref_squeeze %dma_start3A_10 : memref<1x3x80xi32, #tpu.memory_space<vmem>> -> memref<3x80xi32, #tpu.memory_space<vmem>>
    %dma_start3A_12 = arith.constant 0 : i32
    %dma_start3A_13 = tpu.memref_slice %dma_start3A_11[%dma_start3A_2, %dma_start3A_12] : memref<3x80xi32, #tpu.memory_space<vmem>> -> memref<1x80xi32, #tpu.memory_space<vmem>>
    %dma_start3A_14 = tpu.memref_squeeze %dma_start3A_13 : memref<1x80xi32, #tpu.memory_space<vmem>> -> memref<80xi32, #tpu.memory_space<vmem>>
    %dma_start3A_15 = arith.constant 0 : i32
    %dma_start3A_16 = arith.constant 0 : i32
    %dma_start3A_17 = tpu.memref_slice %arg2[%dma_start3A_15, %dma_start3A_16] : memref<20000x128xf32, #tpu.memory_space<hbm>> -> memref<20000x128xf32, #tpu.memory_space<hbm>>
    tpu.enqueue_indirect_dma source(%dma_start3A_17 : memref<20000x128xf32, #tpu.memory_space<hbm>>) target(%dma_start3A_7 : memref<80x128xf32, #tpu.memory_space<vmem>>) offsets(%dma_start3A_14 : memref<80xi32, #tpu.memory_space<vmem>>) semaphore(%arg11 : memref<!tpu.dma_semaphore, #tpu.memory_space<semaphore_mem>>)
    %dma_start3A_18 = arith.constant 0 : i32
    %dma_start3A_19 = arith.constant 1 : i32
    %dma_start3A_20 = arith.constant 0 : i32
    %dma_start3A_21 = arith.constant 0 : i32
    %dma_start3A_22 = arith.constant 0 : i32
    %dma_start3A_23 = tpu.memref_slice %arg9[%dma_start3A_20, %dma_start3A_21, %dma_start3A_22] : memref<2x80x128xf32, #tpu.memory_space<vmem>> -> memref<1x80x128xf32, #tpu.memory_space<vmem>>
    %dma_start3A_24 = tpu.memref_squeeze %dma_start3A_23 : memref<1x80x128xf32, #tpu.memory_space<vmem>> -> memref<80x128xf32, #tpu.memory_space<vmem>>
    %dma_start3A_25 = arith.constant 0 : i32
    %dma_start3A_26 = arith.constant 0 : i32
    %dma_start3A_27 = tpu.memref_slice %arg7[%dma_start3A_18, %dma_start3A_25, %dma_start3A_26] : memref<2x3x80xi32, #tpu.memory_space<vmem>> -> memref<1x3x80xi32, #tpu.memory_space<vmem>>
    %dma_start3A_28 = tpu.memref_squeeze %dma_start3A_27 : memref<1x3x80xi32, #tpu.memory_space<vmem>> -> memref<3x80xi32, #tpu.memory_space<vmem>>
    %dma_start3A_29 = arith.constant 0 : i32
    %dma_start3A_30 = tpu.memref_slice %dma_start3A_28[%dma_start3A_19, %dma_start3A_29] : memref<3x80xi32, #tpu.memory_space<vmem>> -> memref<1x80xi32, #tpu.memory_space<vmem>>
    %dma_start3A_31 = tpu.memref_squeeze %dma_start3A_30 : memref<1x80xi32, #tpu.memory_space<vmem>> -> memref<80xi32, #tpu.memory_space<vmem>>
    %dma_start3A_32 = arith.constant 0 : i32
    %dma_start3A_33 = arith.constant 0 : i32
    %dma_start3A_34 = tpu.memref_slice %arg3[%dma_start3A_32, %dma_start3A_33] : memref<400x128xf32, #tpu.memory_space<hbm>> -> memref<400x128xf32, #tpu.memory_space<hbm>>
    tpu.enqueue_indirect_dma source(%dma_start3A_34 : memref<400x128xf32, #tpu.memory_space<hbm>>) target(%dma_start3A_24 : memref<80x128xf32, #tpu.memory_space<vmem>>) offsets(%dma_start3A_31 : memref<80xi32, #tpu.memory_space<vmem>>) semaphore(%arg13 : memref<!tpu.dma_semaphore, #tpu.memory_space<semaphore_mem>>)
    %run_scoped3A_35 = arith.constant 1 : i32
    %run_scoped3A_36 = arith.constant 1 : i32
    "tpu.region"() ({
      %run_scoped3A_141 = tpu.sem_alloc : memref<!tpu.dma_semaphore, #tpu.memory_space<semaphore_mem>>
      %dma_start3A_142 = arith.constant 0 : i32
      %dma_start3A_143 = arith.constant 0 : i32
      %dma_start3A_144 = tpu.memref_slice %arg7[%run_scoped3A_36, %dma_start3A_142, %dma_start3A_143] : memref<2x3x80xi32, #tpu.memory_space<vmem>> -> memref<1x3x80xi32, #tpu.memory_space<vmem>>
      %dma_start3A_145 = tpu.memref_squeeze %dma_start3A_144 : memref<1x3x80xi32, #tpu.memory_space<vmem>> -> memref<3x80xi32, #tpu.memory_space<vmem>>
      %dma_start3A_146 = arith.constant 0 : i32
      %dma_start3A_147 = arith.constant 0 : i32
      %dma_start3A_148 = arith.constant 0 : i32
      %dma_start3A_149 = arith.constant 0 : i32
      %dma_start3A_150 = tpu.memref_slice %arg4[%arg0, %dma_start3A_146, %dma_start3A_147, %dma_start3A_148, %dma_start3A_149] : memref<2x16x128x3x80xi32, #tpu.memory_space<hbm>> -> memref<1x16x128x3x80xi32, #tpu.memory_space<hbm>>
      %dma_start3A_151 = tpu.memref_squeeze %dma_start3A_150 : memref<1x16x128x3x80xi32, #tpu.memory_space<hbm>> -> memref<16x128x3x80xi32, #tpu.memory_space<hbm>>
      %dma_start3A_152 = arith.constant 0 : i32
      %dma_start3A_153 = arith.constant 0 : i32
      %dma_start3A_154 = arith.constant 0 : i32
      %dma_start3A_155 = tpu.memref_slice %dma_start3A_151[%arg1, %dma_start3A_152, %dma_start3A_153, %dma_start3A_154] : memref<16x128x3x80xi32, #tpu.memory_space<hbm>> -> memref<1x128x3x80xi32, #tpu.memory_space<hbm>>
      %dma_start3A_156 = tpu.memref_squeeze %dma_start3A_155 : memref<1x128x3x80xi32, #tpu.memory_space<hbm>> -> memref<128x3x80xi32, #tpu.memory_space<hbm>>
      %dma_start3A_157 = arith.constant 0 : i32
      %dma_start3A_158 = arith.constant 0 : i32
      %dma_start3A_159 = tpu.memref_slice %dma_start3A_156[%run_scoped3A_35, %dma_start3A_157, %dma_start3A_158] : memref<128x3x80xi32, #tpu.memory_space<hbm>> -> memref<1x3x80xi32, #tpu.memory_space<hbm>>
      %dma_start3A_160 = tpu.memref_squeeze %dma_start3A_159 : memref<1x3x80xi32, #tpu.memory_space<hbm>> -> memref<3x80xi32, #tpu.memory_space<hbm>>
      %dma_start3A_161 = arith.constant 0 : i32
      %dma_start3A_162 = arith.constant 0 : i32
      %dma_start3A_163 = tpu.memref_slice %arg7[%run_scoped3A_36, %dma_start3A_161, %dma_start3A_162] : memref<2x3x80xi32, #tpu.memory_space<vmem>> -> memref<1x3x80xi32, #tpu.memory_space<vmem>>
      %dma_start3A_164 = tpu.memref_squeeze %dma_start3A_163 : memref<1x3x80xi32, #tpu.memory_space<vmem>> -> memref<3x80xi32, #tpu.memory_space<vmem>>
      %dma_start3A_165 = arith.constant 0 : i32
      %dma_start3A_166 = arith.constant 0 : i32
      %dma_start3A_167 = arith.constant 0 : i32
      %dma_start3A_168 = arith.constant 0 : i32
      %dma_start3A_169 = tpu.memref_slice %arg4[%arg0, %dma_start3A_165, %dma_start3A_166, %dma_start3A_167, %dma_start3A_168] : memref<2x16x128x3x80xi32, #tpu.memory_space<hbm>> -> memref<1x16x128x3x80xi32, #tpu.memory_space<hbm>>
      %dma_start3A_170 = tpu.memref_squeeze %dma_start3A_169 : memref<1x16x128x3x80xi32, #tpu.memory_space<hbm>> -> memref<16x128x3x80xi32, #tpu.memory_space<hbm>>
      %dma_start3A_171 = arith.constant 0 : i32
      %dma_start3A_172 = arith.constant 0 : i32
      %dma_start3A_173 = arith.constant 0 : i32
      %dma_start3A_174 = tpu.memref_slice %dma_start3A_170[%arg1, %dma_start3A_171, %dma_start3A_172, %dma_start3A_173] : memref<16x128x3x80xi32, #tpu.memory_space<hbm>> -> memref<1x128x3x80xi32, #tpu.memory_space<hbm>>
      %dma_start3A_175 = tpu.memref_squeeze %dma_start3A_174 : memref<1x128x3x80xi32, #tpu.memory_space<hbm>> -> memref<128x3x80xi32, #tpu.memory_space<hbm>>
      %dma_start3A_176 = arith.constant 0 : i32
      %dma_start3A_177 = arith.constant 0 : i32
      %dma_start3A_178 = tpu.memref_slice %dma_start3A_175[%run_scoped3A_35, %dma_start3A_176, %dma_start3A_177] : memref<128x3x80xi32, #tpu.memory_space<hbm>> -> memref<1x3x80xi32, #tpu.memory_space<hbm>>
      %dma_start3A_179 = tpu.memref_squeeze %dma_start3A_178 : memref<1x3x80xi32, #tpu.memory_space<hbm>> -> memref<3x80xi32, #tpu.memory_space<hbm>>
      tpu.enqueue_dma source(%dma_start3A_179 : memref<3x80xi32, #tpu.memory_space<hbm>>) target(%dma_start3A_164 : memref<3x80xi32, #tpu.memory_space<vmem>>) target_semaphore(%run_scoped3A_141 : memref<!tpu.dma_semaphore, #tpu.memory_space<semaphore_mem>>)
      %dma_wait3A_180 = arith.constant 0 : i32
      %dma_wait3A_181 = arith.constant 0 : i32
      %dma_wait3A_182 = tpu.memref_slice %arg7[%run_scoped3A_36, %dma_wait3A_180, %dma_wait3A_181] : memref<2x3x80xi32, #tpu.memory_space<vmem>> -> memref<1x3x80xi32, #tpu.memory_space<vmem>>
      %dma_wait3A_183 = tpu.memref_squeeze %dma_wait3A_182 : memref<1x3x80xi32, #tpu.memory_space<vmem>> -> memref<3x80xi32, #tpu.memory_space<vmem>>
      %dma_wait3A_184 = arith.constant 0 : i32
      %dma_wait3A_185 = arith.constant 0 : i32
      %dma_wait3A_186 = arith.constant 0 : i32
      %dma_wait3A_187 = arith.constant 0 : i32
      %dma_wait3A_188 = tpu.memref_slice %arg4[%arg0, %dma_wait3A_184, %dma_wait3A_185, %dma_wait3A_186, %dma_wait3A_187] : memref<2x16x128x3x80xi32, #tpu.memory_space<hbm>> -> memref<1x16x128x3x80xi32, #tpu.memory_space<hbm>>
      %dma_wait3A_189 = tpu.memref_squeeze %dma_wait3A_188 : memref<1x16x128x3x80xi32, #tpu.memory_space<hbm>> -> memref<16x128x3x80xi32, #tpu.memory_space<hbm>>
      %dma_wait3A_190 = arith.constant 0 : i32
      %dma_wait3A_191 = arith.constant 0 : i32
      %dma_wait3A_192 = arith.constant 0 : i32
      %dma_wait3A_193 = tpu.memref_slice %dma_wait3A_189[%arg1, %dma_wait3A_190, %dma_wait3A_191, %dma_wait3A_192] : memref<16x128x3x80xi32, #tpu.memory_space<hbm>> -> memref<1x128x3x80xi32, #tpu.memory_space<hbm>>
      %dma_wait3A_194 = tpu.memref_squeeze %dma_wait3A_193 : memref<1x128x3x80xi32, #tpu.memory_space<hbm>> -> memref<128x3x80xi32, #tpu.memory_space<hbm>>
      %dma_wait3A_195 = arith.constant 0 : i32
      %dma_wait3A_196 = arith.constant 0 : i32
      %dma_wait3A_197 = tpu.memref_slice %dma_wait3A_194[%run_scoped3A_35, %dma_wait3A_195, %dma_wait3A_196] : memref<128x3x80xi32, #tpu.memory_space<hbm>> -> memref<1x3x80xi32, #tpu.memory_space<hbm>>
      %dma_wait3A_198 = tpu.memref_squeeze %dma_wait3A_197 : memref<1x3x80xi32, #tpu.memory_space<hbm>> -> memref<3x80xi32, #tpu.memory_space<hbm>>
      %dma_wait3A_199 = arith.constant 0 : i32
      %dma_wait3A_200 = arith.constant 0 : i32
      %dma_wait3A_201 = tpu.memref_slice %arg7[%run_scoped3A_36, %dma_wait3A_199, %dma_wait3A_200] : memref<2x3x80xi32, #tpu.memory_space<vmem>> -> memref<1x3x80xi32, #tpu.memory_space<vmem>>
      %dma_wait3A_202 = tpu.memref_squeeze %dma_wait3A_201 : memref<1x3x80xi32, #tpu.memory_space<vmem>> -> memref<3x80xi32, #tpu.memory_space<vmem>>
      %dma_wait3A_203 = arith.constant 0 : i32
      %dma_wait3A_204 = arith.constant 0 : i32
      %dma_wait3A_205 = arith.constant 0 : i32
      %dma_wait3A_206 = arith.constant 0 : i32
      %dma_wait3A_207 = tpu.memref_slice %arg4[%arg0, %dma_wait3A_203, %dma_wait3A_204, %dma_wait3A_205, %dma_wait3A_206] : memref<2x16x128x3x80xi32, #tpu.memory_space<hbm>> -> memref<1x16x128x3x80xi32, #tpu.memory_space<hbm>>
      %dma_wait3A_208 = tpu.memref_squeeze %dma_wait3A_207 : memref<1x16x128x3x80xi32, #tpu.memory_space<hbm>> -> memref<16x128x3x80xi32, #tpu.memory_space<hbm>>
      %dma_wait3A_209 = arith.constant 0 : i32
      %dma_wait3A_210 = arith.constant 0 : i32
      %dma_wait3A_211 = arith.constant 0 : i32
      %dma_wait3A_212 = tpu.memref_slice %dma_wait3A_208[%arg1, %dma_wait3A_209, %dma_wait3A_210, %dma_wait3A_211] : memref<16x128x3x80xi32, #tpu.memory_space<hbm>> -> memref<1x128x3x80xi32, #tpu.memory_space<hbm>>
      %dma_wait3A_213 = tpu.memref_squeeze %dma_wait3A_212 : memref<1x128x3x80xi32, #tpu.memory_space<hbm>> -> memref<128x3x80xi32, #tpu.memory_space<hbm>>
      %dma_wait3A_214 = arith.constant 0 : i32
      %dma_wait3A_215 = arith.constant 0 : i32
      %dma_wait3A_216 = tpu.memref_slice %dma_wait3A_213[%run_scoped3A_35, %dma_wait3A_214, %dma_wait3A_215] : memref<128x3x80xi32, #tpu.memory_space<hbm>> -> memref<1x3x80xi32, #tpu.memory_space<hbm>>
      %dma_wait3A_217 = tpu.memref_squeeze %dma_wait3A_216 : memref<1x3x80xi32, #tpu.memory_space<hbm>> -> memref<3x80xi32, #tpu.memory_space<hbm>>
      tpu.wait_dma2 semaphore(%run_scoped3A_141 : memref<!tpu.dma_semaphore, #tpu.memory_space<semaphore_mem>>) src(%dma_wait3A_217 : memref<3x80xi32, #tpu.memory_space<hbm>>) dst(%dma_wait3A_202 : memref<3x80xi32, #tpu.memory_space<vmem>>)
      tpu.yield
    }) : () -> ()
    %dma_start3A_37 = arith.constant 1 : i32
    %dma_start3A_38 = arith.constant 0 : i32
    %dma_start3A_39 = arith.constant 1 : i32
    %dma_start3A_40 = arith.constant 0 : i32
    %dma_start3A_41 = arith.constant 0 : i32
    %dma_start3A_42 = tpu.memref_slice %arg8[%dma_start3A_39, %dma_start3A_40, %dma_start3A_41] : memref<2x80x128xf32, #tpu.memory_space<vmem>> -> memref<1x80x128xf32, #tpu.memory_space<vmem>>
    %dma_start3A_43 = tpu.memref_squeeze %dma_start3A_42 : memref<1x80x128xf32, #tpu.memory_space<vmem>> -> memref<80x128xf32, #tpu.memory_space<vmem>>
    %dma_start3A_44 = arith.constant 0 : i32
    %dma_start3A_45 = arith.constant 0 : i32
    %dma_start3A_46 = tpu.memref_slice %arg7[%dma_start3A_37, %dma_start3A_44, %dma_start3A_45] : memref<2x3x80xi32, #tpu.memory_space<vmem>> -> memref<1x3x80xi32, #tpu.memory_space<vmem>>
    %dma_start3A_47 = tpu.memref_squeeze %dma_start3A_46 : memref<1x3x80xi32, #tpu.memory_space<vmem>> -> memref<3x80xi32, #tpu.memory_space<vmem>>
    %dma_start3A_48 = arith.constant 0 : i32
    %dma_start3A_49 = tpu.memref_slice %dma_start3A_47[%dma_start3A_38, %dma_start3A_48] : memref<3x80xi32, #tpu.memory_space<vmem>> -> memref<1x80xi32, #tpu.memory_space<vmem>>
    %dma_start3A_50 = tpu.memref_squeeze %dma_start3A_49 : memref<1x80xi32, #tpu.memory_space<vmem>> -> memref<80xi32, #tpu.memory_space<vmem>>
    %dma_start3A_51 = arith.constant 0 : i32
    %dma_start3A_52 = arith.constant 0 : i32
    %dma_start3A_53 = tpu.memref_slice %arg2[%dma_start3A_51, %dma_start3A_52] : memref<20000x128xf32, #tpu.memory_space<hbm>> -> memref<20000x128xf32, #tpu.memory_space<hbm>>
    tpu.enqueue_indirect_dma source(%dma_start3A_53 : memref<20000x128xf32, #tpu.memory_space<hbm>>) target(%dma_start3A_43 : memref<80x128xf32, #tpu.memory_space<vmem>>) offsets(%dma_start3A_50 : memref<80xi32, #tpu.memory_space<vmem>>) semaphore(%arg12 : memref<!tpu.dma_semaphore, #tpu.memory_space<semaphore_mem>>)
    %dma_start3A_54 = arith.constant 1 : i32
    %dma_start3A_55 = arith.constant 1 : i32
    %dma_start3A_56 = arith.constant 1 : i32
    %dma_start3A_57 = arith.constant 0 : i32
    %dma_start3A_58 = arith.constant 0 : i32
    %dma_start3A_59 = tpu.memref_slice %arg9[%dma_start3A_56, %dma_start3A_57, %dma_start3A_58] : memref<2x80x128xf32, #tpu.memory_space<vmem>> -> memref<1x80x128xf32, #tpu.memory_space<vmem>>
    %dma_start3A_60 = tpu.memref_squeeze %dma_start3A_59 : memref<1x80x128xf32, #tpu.memory_space<vmem>> -> memref<80x128xf32, #tpu.memory_space<vmem>>
    %dma_start3A_61 = arith.constant 0 : i32
    %dma_start3A_62 = arith.constant 0 : i32
    %dma_start3A_63 = tpu.memref_slice %arg7[%dma_start3A_54, %dma_start3A_61, %dma_start3A_62] : memref<2x3x80xi32, #tpu.memory_space<vmem>> -> memref<1x3x80xi32, #tpu.memory_space<vmem>>
    %dma_start3A_64 = tpu.memref_squeeze %dma_start3A_63 : memref<1x3x80xi32, #tpu.memory_space<vmem>> -> memref<3x80xi32, #tpu.memory_space<vmem>>
    %dma_start3A_65 = arith.constant 0 : i32
    %dma_start3A_66 = tpu.memref_slice %dma_start3A_64[%dma_start3A_55, %dma_start3A_65] : memref<3x80xi32, #tpu.memory_space<vmem>> -> memref<1x80xi32, #tpu.memory_space<vmem>>
    %dma_start3A_67 = tpu.memref_squeeze %dma_start3A_66 : memref<1x80xi32, #tpu.memory_space<vmem>> -> memref<80xi32, #tpu.memory_space<vmem>>
    %dma_start3A_68 = arith.constant 0 : i32
    %dma_start3A_69 = arith.constant 0 : i32
    %dma_start3A_70 = tpu.memref_slice %arg3[%dma_start3A_68, %dma_start3A_69] : memref<400x128xf32, #tpu.memory_space<hbm>> -> memref<400x128xf32, #tpu.memory_space<hbm>>
    tpu.enqueue_indirect_dma source(%dma_start3A_70 : memref<400x128xf32, #tpu.memory_space<hbm>>) target(%dma_start3A_60 : memref<80x128xf32, #tpu.memory_space<vmem>>) offsets(%dma_start3A_67 : memref<80xi32, #tpu.memory_space<vmem>>) semaphore(%arg14 : memref<!tpu.dma_semaphore, #tpu.memory_space<semaphore_mem>>)
    %scan3A = arith.constant 0 : i32
    %scan3A_71 = arith.constant 0 : i32
    %scan3A_72 = arith.constant 63 : i32
    %scan3A_73 = arith.addi %scan3A_71, %scan3A_72 : i32
    %scan3A_74 = arith.constant 1 : i32
    %scan3A_75 = scf.for %scan3A_141 = %scan3A_71 to %scan3A_73 step %scan3A_74 iter_args(%scan3A_142 = %scan3A) -> (i32)  : i32 {
      %mul3A_143 = arith.constant 2 : i32
      %mul3A_144 = arith.muli %mul3A_143, %scan3A_141 : i32
      %add3A_145 = arith.constant 0 : i32
      %add3A_146 = arith.addi %mul3A_144, %add3A_145 : i32
      %dma_wait3A_147 = arith.constant 0 : i32
      %dma_wait3A_148 = arith.constant 0 : i32
      %dma_wait3A_149 = arith.constant 0 : i32
      %dma_wait3A_150 = tpu.memref_slice %arg8[%dma_wait3A_147, %dma_wait3A_148, %dma_wait3A_149] : memref<2x80x128xf32, #tpu.memory_space<vmem>> -> memref<1x80x128xf32, #tpu.memory_space<vmem>>
      %dma_wait3A_151 = tpu.memref_squeeze %dma_wait3A_150 : memref<1x80x128xf32, #tpu.memory_space<vmem>> -> memref<80x128xf32, #tpu.memory_space<vmem>>
      %dma_wait3A_152 = arith.constant 0 : i32
      %dma_wait3A_153 = arith.constant 0 : i32
      %dma_wait3A_154 = tpu.memref_slice %arg5[%dma_wait3A_152, %dma_wait3A_153] : memref<10240x128xf32, #tpu.memory_space<hbm>> -> memref<80x128xf32, #tpu.memory_space<hbm>>
      %dma_wait3A_155 = arith.constant 0 : i32
      %dma_wait3A_156 = arith.constant 0 : i32
      %dma_wait3A_157 = tpu.memref_slice %arg8[%dma_wait3A_147, %dma_wait3A_155, %dma_wait3A_156] : memref<2x80x128xf32, #tpu.memory_space<vmem>> -> memref<1x80x128xf32, #tpu.memory_space<vmem>>
      %dma_wait3A_158 = tpu.memref_squeeze %dma_wait3A_157 : memref<1x80x128xf32, #tpu.memory_space<vmem>> -> memref<80x128xf32, #tpu.memory_space<vmem>>
      %dma_wait3A_159 = arith.constant 0 : i32
      %dma_wait3A_160 = arith.constant 0 : i32
      %dma_wait3A_161 = tpu.memref_slice %arg5[%dma_wait3A_159, %dma_wait3A_160] : memref<10240x128xf32, #tpu.memory_space<hbm>> -> memref<80x128xf32, #tpu.memory_space<hbm>>
      tpu.wait_dma2 semaphore(%arg11 : memref<!tpu.dma_semaphore, #tpu.memory_space<semaphore_mem>>) src(%dma_wait3A_161 : memref<80x128xf32, #tpu.memory_space<hbm>>) dst(%dma_wait3A_158 : memref<80x128xf32, #tpu.memory_space<vmem>>)
      %dma_wait3A_162 = arith.constant 0 : i32
      %dma_wait3A_163 = arith.constant 0 : i32
      %dma_wait3A_164 = arith.constant 0 : i32
      %dma_wait3A_165 = tpu.memref_slice %arg9[%dma_wait3A_162, %dma_wait3A_163, %dma_wait3A_164] : memref<2x80x128xf32, #tpu.memory_space<vmem>> -> memref<1x80x128xf32, #tpu.memory_space<vmem>>
      %dma_wait3A_166 = tpu.memref_squeeze %dma_wait3A_165 : memref<1x80x128xf32, #tpu.memory_space<vmem>> -> memref<80x128xf32, #tpu.memory_space<vmem>>
      %dma_wait3A_167 = arith.constant 0 : i32
      %dma_wait3A_168 = arith.constant 0 : i32
      %dma_wait3A_169 = tpu.memref_slice %arg5[%dma_wait3A_167, %dma_wait3A_168] : memref<10240x128xf32, #tpu.memory_space<hbm>> -> memref<80x128xf32, #tpu.memory_space<hbm>>
      %dma_wait3A_170 = arith.constant 0 : i32
      %dma_wait3A_171 = arith.constant 0 : i32
      %dma_wait3A_172 = tpu.memref_slice %arg9[%dma_wait3A_162, %dma_wait3A_170, %dma_wait3A_171] : memref<2x80x128xf32, #tpu.memory_space<vmem>> -> memref<1x80x128xf32, #tpu.memory_space<vmem>>
      %dma_wait3A_173 = tpu.memref_squeeze %dma_wait3A_172 : memref<1x80x128xf32, #tpu.memory_space<vmem>> -> memref<80x128xf32, #tpu.memory_space<vmem>>
      %dma_wait3A_174 = arith.constant 0 : i32
      %dma_wait3A_175 = arith.constant 0 : i32
      %dma_wait3A_176 = tpu.memref_slice %arg5[%dma_wait3A_174, %dma_wait3A_175] : memref<10240x128xf32, #tpu.memory_space<hbm>> -> memref<80x128xf32, #tpu.memory_space<hbm>>
      tpu.wait_dma2 semaphore(%arg13 : memref<!tpu.dma_semaphore, #tpu.memory_space<semaphore_mem>>) src(%dma_wait3A_176 : memref<80x128xf32, #tpu.memory_space<hbm>>) dst(%dma_wait3A_173 : memref<80x128xf32, #tpu.memory_space<vmem>>)
      %scan3A_177 = arith.constant 0 : i32
      %scan3A_178 = arith.constant 0 : i32
      %scan3A_179 = arith.constant 80 : i32
      %scan3A_180 = arith.addi %scan3A_178, %scan3A_179 : i32
      %scan3A_181 = arith.constant 1 : i32
      %scan3A_182 = scf.for %scan3A_306 = %scan3A_178 to %scan3A_180 step %scan3A_181 iter_args(%scan3A_307 = %scan3A_177) -> (i32)  : i32 {
        %get3A = arith.constant 0 : i32
        %get3A_308 = arith.index_cast %get3A : i32 to index
        %get3A_309 = arith.index_cast %scan3A_306 : i32 to index
        %get3A_310 = arith.constant 0 : index
        %get3A_311 = tpu.vector_load %arg8[%get3A_308, %get3A_309, %get3A_310] {strides = array<i32>} : memref<2x80x128xf32, #tpu.memory_space<vmem>>, vector<1x1x16xf32>,
        %get3A_312 = vector.shape_cast %get3A_311 : vector<1x1x16xf32> to vector<16xf32>
        %get3A_313 = arith.constant 0 : i32
        %get3A_314 = arith.index_cast %get3A_313 : i32 to index
        %get3A_315 = arith.index_cast %scan3A_306 : i32 to index
        %get3A_316 = arith.constant 0 : index
        %get3A_317 = tpu.vector_load %arg9[%get3A_314, %get3A_315, %get3A_316] {strides = array<i32>} : memref<2x80x128xf32, #tpu.memory_space<vmem>>, vector<1x1x16xf32>,
        %get3A_318 = vector.shape_cast %get3A_317 : vector<1x1x16xf32> to vector<16xf32>
        %mul3A_319 = arith.mulf %get3A_312, %get3A_318 : vector<16xf32>
        %swap3A = arith.constant 0 : i32
        %swap3A_320 = arith.index_cast %swap3A : i32 to index
        %swap3A_321 = arith.index_cast %scan3A_306 : i32 to index
        %swap3A_322 = arith.constant 0 : index
        %swap3A_323 = tpu.vector_load %arg8[%swap3A_320, %swap3A_321, %swap3A_322] {strides = array<i32>} : memref<2x80x128xf32, #tpu.memory_space<vmem>>, vector<1x1x16xf32>,
        %swap3A_324 = vector.shape_cast %swap3A_323 : vector<1x1x16xf32> to vector<16xf32>
        %swap3A_325 = vector.shape_cast %mul3A_319 : vector<16xf32> to vector<1x1x16xf32>
        tpu.vector_store %arg8[%swap3A_320, %swap3A_321, %swap3A_322], %swap3A_325 {strides = array<i32>} : memref<2x80x128xf32, #tpu.memory_space<vmem>>, vector<1x1x16xf32>,
        %get3A_326 = arith.constant 0 : i32
        %get3A_327 = arith.index_cast %get3A_326 : i32 to index
        %get3A_328 = arith.index_cast %scan3A_306 : i32 to index
        %get3A_329 = arith.constant 16 : index
        %get3A_330 = tpu.vector_load %arg8[%get3A_327, %get3A_328, %get3A_329] {strides = array<i32>} : memref<2x80x128xf32, #tpu.memory_space<vmem>>, vector<1x1x16xf32>,
        %get3A_331 = vector.shape_cast %get3A_330 : vector<1x1x16xf32> to vector<16xf32>
        %get3A_332 = arith.constant 0 : i32
        %get3A_333 = arith.index_cast %get3A_332 : i32 to index
        %get3A_334 = arith.index_cast %scan3A_306 : i32 to index
        %get3A_335 = arith.constant 16 : index
        %get3A_336 = tpu.vector_load %arg9[%get3A_333, %get3A_334, %get3A_335] {strides = array<i32>} : memref<2x80x128xf32, #tpu.memory_space<vmem>>, vector<1x1x16xf32>,
        %get3A_337 = vector.shape_cast %get3A_336 : vector<1x1x16xf32> to vector<16xf32>
        %mul3A_338 = arith.mulf %get3A_331, %get3A_337 : vector<16xf32>
        %swap3A_339 = arith.constant 0 : i32
        %swap3A_340 = arith.index_cast %swap3A_339 : i32 to index
        %swap3A_341 = arith.index_cast %scan3A_306 : i32 to index
        %swap3A_342 = arith.constant 16 : index
        %swap3A_343 = tpu.vector_load %arg8[%swap3A_340, %swap3A_341, %swap3A_342] {strides = array<i32>} : memref<2x80x128xf32, #tpu.memory_space<vmem>>, vector<1x1x16xf32>,
        %swap3A_344 = vector.shape_cast %swap3A_343 : vector<1x1x16xf32> to vector<16xf32>
        %swap3A_345 = vector.shape_cast %mul3A_338 : vector<16xf32> to vector<1x1x16xf32>
        tpu.vector_store %arg8[%swap3A_340, %swap3A_341, %swap3A_342], %swap3A_345 {strides = array<i32>} : memref<2x80x128xf32, #tpu.memory_space<vmem>>, vector<1x1x16xf32>,
        %get3A_346 = arith.constant 0 : i32
        %get3A_347 = arith.index_cast %get3A_346 : i32 to index
        %get3A_348 = arith.index_cast %scan3A_306 : i32 to index
        %get3A_349 = arith.constant 32 : index
        %get3A_350 = tpu.vector_load %arg8[%get3A_347, %get3A_348, %get3A_349] {strides = array<i32>} : memref<2x80x128xf32, #tpu.memory_space<vmem>>, vector<1x1x16xf32>,
        %get3A_351 = vector.shape_cast %get3A_350 : vector<1x1x16xf32> to vector<16xf32>
        %get3A_352 = arith.constant 0 : i32
        %get3A_353 = arith.index_cast %get3A_352 : i32 to index
        %get3A_354 = arith.index_cast %scan3A_306 : i32 to index
        %get3A_355 = arith.constant 32 : index
        %get3A_356 = tpu.vector_load %arg9[%get3A_353, %get3A_354, %get3A_355] {strides = array<i32>} : memref<2x80x128xf32, #tpu.memory_space<vmem>>, vector<1x1x16xf32>,
        %get3A_357 = vector.shape_cast %get3A_356 : vector<1x1x16xf32> to vector<16xf32>
        %mul3A_358 = arith.mulf %get3A_351, %get3A_357 : vector<16xf32>
        %swap3A_359 = arith.constant 0 : i32
        %swap3A_360 = arith.index_cast %swap3A_359 : i32 to index
        %swap3A_361 = arith.index_cast %scan3A_306 : i32 to index
        %swap3A_362 = arith.constant 32 : index
        %swap3A_363 = tpu.vector_load %arg8[%swap3A_360, %swap3A_361, %swap3A_362] {strides = array<i32>} : memref<2x80x128xf32, #tpu.memory_space<vmem>>, vector<1x1x16xf32>,
        %swap3A_364 = vector.shape_cast %swap3A_363 : vector<1x1x16xf32> to vector<16xf32>
        %swap3A_365 = vector.shape_cast %mul3A_358 : vector<16xf32> to vector<1x1x16xf32>
        tpu.vector_store %arg8[%swap3A_360, %swap3A_361, %swap3A_362], %swap3A_365 {strides = array<i32>} : memref<2x80x128xf32, #tpu.memory_space<vmem>>, vector<1x1x16xf32>,
        %get3A_366 = arith.constant 0 : i32
        %get3A_367 = arith.index_cast %get3A_366 : i32 to index
        %get3A_368 = arith.index_cast %scan3A_306 : i32 to index
        %get3A_369 = arith.constant 48 : index
        %get3A_370 = tpu.vector_load %arg8[%get3A_367, %get3A_368, %get3A_369] {strides = array<i32>} : memref<2x80x128xf32, #tpu.memory_space<vmem>>, vector<1x1x16xf32>,
        %get3A_371 = vector.shape_cast %get3A_370 : vector<1x1x16xf32> to vector<16xf32>
        %get3A_372 = arith.constant 0 : i32
        %get3A_373 = arith.index_cast %get3A_372 : i32 to index
        %get3A_374 = arith.index_cast %scan3A_306 : i32 to index
        %get3A_375 = arith.constant 48 : index
        %get3A_376 = tpu.vector_load %arg9[%get3A_373, %get3A_374, %get3A_375] {strides = array<i32>} : memref<2x80x128xf32, #tpu.memory_space<vmem>>, vector<1x1x16xf32>,
        %get3A_377 = vector.shape_cast %get3A_376 : vector<1x1x16xf32> to vector<16xf32>
        %mul3A_378 = arith.mulf %get3A_371, %get3A_377 : vector<16xf32>
        %swap3A_379 = arith.constant 0 : i32
        %swap3A_380 = arith.index_cast %swap3A_379 : i32 to index
        %swap3A_381 = arith.index_cast %scan3A_306 : i32 to index
        %swap3A_382 = arith.constant 48 : index
        %swap3A_383 = tpu.vector_load %arg8[%swap3A_380, %swap3A_381, %swap3A_382] {strides = array<i32>} : memref<2x80x128xf32, #tpu.memory_space<vmem>>, vector<1x1x16xf32>,
        %swap3A_384 = vector.shape_cast %swap3A_383 : vector<1x1x16xf32> to vector<16xf32>
        %swap3A_385 = vector.shape_cast %mul3A_378 : vector<16xf32> to vector<1x1x16xf32>
        tpu.vector_store %arg8[%swap3A_380, %swap3A_381, %swap3A_382], %swap3A_385 {strides = array<i32>} : memref<2x80x128xf32, #tpu.memory_space<vmem>>, vector<1x1x16xf32>,
        %get3A_386 = arith.constant 0 : i32
        %get3A_387 = arith.index_cast %get3A_386 : i32 to index
        %get3A_388 = arith.index_cast %scan3A_306 : i32 to index
        %get3A_389 = arith.constant 64 : index
        %get3A_390 = tpu.vector_load %arg8[%get3A_387, %get3A_388, %get3A_389] {strides = array<i32>} : memref<2x80x128xf32, #tpu.memory_space<vmem>>, vector<1x1x16xf32>,
        %get3A_391 = vector.shape_cast %get3A_390 : vector<1x1x16xf32> to vector<16xf32>
        %get3A_392 = arith.constant 0 : i32
        %get3A_393 = arith.index_cast %get3A_392 : i32 to index
        %get3A_394 = arith.index_cast %scan3A_306 : i32 to index
        %get3A_395 = arith.constant 64 : index
        %get3A_396 = tpu.vector_load %arg9[%get3A_393, %get3A_394, %get3A_395] {strides = array<i32>} : memref<2x80x128xf32, #tpu.memory_space<vmem>>, vector<1x1x16xf32>,
        %get3A_397 = vector.shape_cast %get3A_396 : vector<1x1x16xf32> to vector<16xf32>
        %mul3A_398 = arith.mulf %get3A_391, %get3A_397 : vector<16xf32>
        %swap3A_399 = arith.constant 0 : i32
        %swap3A_400 = arith.index_cast %swap3A_399 : i32 to index
        %swap3A_401 = arith.index_cast %scan3A_306 : i32 to index
        %swap3A_402 = arith.constant 64 : index
        %swap3A_403 = tpu.vector_load %arg8[%swap3A_400, %swap3A_401, %swap3A_402] {strides = array<i32>} : memref<2x80x128xf32, #tpu.memory_space<vmem>>, vector<1x1x16xf32>,
        %swap3A_404 = vector.shape_cast %swap3A_403 : vector<1x1x16xf32> to vector<16xf32>
        %swap3A_405 = vector.shape_cast %mul3A_398 : vector<16xf32> to vector<1x1x16xf32>
        tpu.vector_store %arg8[%swap3A_400, %swap3A_401, %swap3A_402], %swap3A_405 {strides = array<i32>} : memref<2x80x128xf32, #tpu.memory_space<vmem>>, vector<1x1x16xf32>,
        %get3A_406 = arith.constant 0 : i32
        %get3A_407 = arith.index_cast %get3A_406 : i32 to index
        %get3A_408 = arith.index_cast %scan3A_306 : i32 to index
        %get3A_409 = arith.constant 80 : index
        %get3A_410 = tpu.vector_load %arg8[%get3A_407, %get3A_408, %get3A_409] {strides = array<i32>} : memref<2x80x128xf32, #tpu.memory_space<vmem>>, vector<1x1x16xf32>,
        %get3A_411 = vector.shape_cast %get3A_410 : vector<1x1x16xf32> to vector<16xf32>
        %get3A_412 = arith.constant 0 : i32
        %get3A_413 = arith.index_cast %get3A_412 : i32 to index
        %get3A_414 = arith.index_cast %scan3A_306 : i32 to index
        %get3A_415 = arith.constant 80 : index
        %get3A_416 = tpu.vector_load %arg9[%get3A_413, %get3A_414, %get3A_415] {strides = array<i32>} : memref<2x80x128xf32, #tpu.memory_space<vmem>>, vector<1x1x16xf32>,
        %get3A_417 = vector.shape_cast %get3A_416 : vector<1x1x16xf32> to vector<16xf32>
        %mul3A_418 = arith.mulf %get3A_411, %get3A_417 : vector<16xf32>
        %swap3A_419 = arith.constant 0 : i32
        %swap3A_420 = arith.index_cast %swap3A_419 : i32 to index
        %swap3A_421 = arith.index_cast %scan3A_306 : i32 to index
        %swap3A_422 = arith.constant 80 : index
        %swap3A_423 = tpu.vector_load %arg8[%swap3A_420, %swap3A_421, %swap3A_422] {strides = array<i32>} : memref<2x80x128xf32, #tpu.memory_space<vmem>>, vector<1x1x16xf32>,
        %swap3A_424 = vector.shape_cast %swap3A_423 : vector<1x1x16xf32> to vector<16xf32>
        %swap3A_425 = vector.shape_cast %mul3A_418 : vector<16xf32> to vector<1x1x16xf32>
        tpu.vector_store %arg8[%swap3A_420, %swap3A_421, %swap3A_422], %swap3A_425 {strides = array<i32>} : memref<2x80x128xf32, #tpu.memory_space<vmem>>, vector<1x1x16xf32>,
        %get3A_426 = arith.constant 0 : i32
        %get3A_427 = arith.index_cast %get3A_426 : i32 to index
        %get3A_428 = arith.index_cast %scan3A_306 : i32 to index
        %get3A_429 = arith.constant 96 : index
        %get3A_430 = tpu.vector_load %arg8[%get3A_427, %get3A_428, %get3A_429] {strides = array<i32>} : memref<2x80x128xf32, #tpu.memory_space<vmem>>, vector<1x1x16xf32>,
        %get3A_431 = vector.shape_cast %get3A_430 : vector<1x1x16xf32> to vector<16xf32>
        %get3A_432 = arith.constant 0 : i32
        %get3A_433 = arith.index_cast %get3A_432 : i32 to index
        %get3A_434 = arith.index_cast %scan3A_306 : i32 to index
        %get3A_435 = arith.constant 96 : index
        %get3A_436 = tpu.vector_load %arg9[%get3A_433, %get3A_434, %get3A_435] {strides = array<i32>} : memref<2x80x128xf32, #tpu.memory_space<vmem>>, vector<1x1x16xf32>,
        %get3A_437 = vector.shape_cast %get3A_436 : vector<1x1x16xf32> to vector<16xf32>
        %mul3A_438 = arith.mulf %get3A_431, %get3A_437 : vector<16xf32>
        %swap3A_439 = arith.constant 0 : i32
        %swap3A_440 = arith.index_cast %swap3A_439 : i32 to index
        %swap3A_441 = arith.index_cast %scan3A_306 : i32 to index
        %swap3A_442 = arith.constant 96 : index
        %swap3A_443 = tpu.vector_load %arg8[%swap3A_440, %swap3A_441, %swap3A_442] {strides = array<i32>} : memref<2x80x128xf32, #tpu.memory_space<vmem>>, vector<1x1x16xf32>,
        %swap3A_444 = vector.shape_cast %swap3A_443 : vector<1x1x16xf32> to vector<16xf32>
        %swap3A_445 = vector.shape_cast %mul3A_438 : vector<16xf32> to vector<1x1x16xf32>
        tpu.vector_store %arg8[%swap3A_440, %swap3A_441, %swap3A_442], %swap3A_445 {strides = array<i32>} : memref<2x80x128xf32, #tpu.memory_space<vmem>>, vector<1x1x16xf32>,
        %get3A_446 = arith.constant 0 : i32
        %get3A_447 = arith.index_cast %get3A_446 : i32 to index
        %get3A_448 = arith.index_cast %scan3A_306 : i32 to index
        %get3A_449 = arith.constant 112 : index
        %get3A_450 = tpu.vector_load %arg8[%get3A_447, %get3A_448, %get3A_449] {strides = array<i32>} : memref<2x80x128xf32, #tpu.memory_space<vmem>>, vector<1x1x16xf32>,
        %get3A_451 = vector.shape_cast %get3A_450 : vector<1x1x16xf32> to vector<16xf32>
        %get3A_452 = arith.constant 0 : i32
        %get3A_453 = arith.index_cast %get3A_452 : i32 to index
        %get3A_454 = arith.index_cast %scan3A_306 : i32 to index
        %get3A_455 = arith.constant 112 : index
        %get3A_456 = tpu.vector_load %arg9[%get3A_453, %get3A_454, %get3A_455] {strides = array<i32>} : memref<2x80x128xf32, #tpu.memory_space<vmem>>, vector<1x1x16xf32>,
        %get3A_457 = vector.shape_cast %get3A_456 : vector<1x1x16xf32> to vector<16xf32>
        %mul3A_458 = arith.mulf %get3A_451, %get3A_457 : vector<16xf32>
        %swap3A_459 = arith.constant 0 : i32
        %swap3A_460 = arith.index_cast %swap3A_459 : i32 to index
        %swap3A_461 = arith.index_cast %scan3A_306 : i32 to index
        %swap3A_462 = arith.constant 112 : index
        %swap3A_463 = tpu.vector_load %arg8[%swap3A_460, %swap3A_461, %swap3A_462] {strides = array<i32>} : memref<2x80x128xf32, #tpu.memory_space<vmem>>, vector<1x1x16xf32>,
        %swap3A_464 = vector.shape_cast %swap3A_463 : vector<1x1x16xf32> to vector<16xf32>
        %swap3A_465 = vector.shape_cast %mul3A_458 : vector<16xf32> to vector<1x1x16xf32>
        tpu.vector_store %arg8[%swap3A_460, %swap3A_461, %swap3A_462], %swap3A_465 {strides = array<i32>} : memref<2x80x128xf32, #tpu.memory_space<vmem>>, vector<1x1x16xf32>,
        %scan3A_466 = arith.constant 0 : i32
        scf.yield %scan3A_466 : i32
      }
      %scan3A_183 = arith.constant 80 : i32
      %run_scoped3A_184 = arith.constant 0 : i32
      %run_scoped3A_185 = arith.constant 0 : i32
      %run_scoped3A_186 = arith.constant 2 : i32
      "tpu.region"() ({
        %run_scoped3A_306 = tpu.sem_alloc : memref<!tpu.dma_semaphore, #tpu.memory_space<semaphore_mem>>
        %dma_start3A_307 = arith.constant 0 : i32
        %dma_start3A_308 = arith.constant 0 : i32
        %dma_start3A_309 = tpu.memref_slice %arg8[%run_scoped3A_184, %dma_start3A_307, %dma_start3A_308] : memref<2x80x128xf32, #tpu.memory_space<vmem>> -> memref<1x80x128xf32, #tpu.memory_space<vmem>>
        %dma_start3A_310 = tpu.memref_squeeze %dma_start3A_309 : memref<1x80x128xf32, #tpu.memory_space<vmem>> -> memref<80x128xf32, #tpu.memory_space<vmem>>
        %dma_start3A_311 = arith.constant 0 : i32
        %dma_start3A_312 = arith.constant 0 : i32
        %dma_start3A_313 = tpu.memref_slice %arg7[%run_scoped3A_185, %dma_start3A_311, %dma_start3A_312] : memref<2x3x80xi32, #tpu.memory_space<vmem>> -> memref<1x3x80xi32, #tpu.memory_space<vmem>>
        %dma_start3A_314 = tpu.memref_squeeze %dma_start3A_313 : memref<1x3x80xi32, #tpu.memory_space<vmem>> -> memref<3x80xi32, #tpu.memory_space<vmem>>
        %dma_start3A_315 = arith.constant 0 : i32
        %dma_start3A_316 = tpu.memref_slice %dma_start3A_314[%run_scoped3A_186, %dma_start3A_315] : memref<3x80xi32, #tpu.memory_space<vmem>> -> memref<1x80xi32, #tpu.memory_space<vmem>>
        %dma_start3A_317 = tpu.memref_squeeze %dma_start3A_316 : memref<1x80xi32, #tpu.memory_space<vmem>> -> memref<80xi32, #tpu.memory_space<vmem>>
        %dma_start3A_318 = arith.constant 0 : i32
        %dma_start3A_319 = arith.constant 0 : i32
        %dma_start3A_320 = tpu.memref_slice %arg10[%dma_start3A_318, %dma_start3A_319] : memref<10240x128xf32, #tpu.memory_space<vmem_shared>> -> memref<10240x128xf32, #tpu.memory_space<vmem_shared>>
        tpu.enqueue_indirect_dma source(%dma_start3A_310 : memref<80x128xf32, #tpu.memory_space<vmem>>) target(%dma_start3A_320 : memref<10240x128xf32, #tpu.memory_space<vmem_shared>>) offsets(%dma_start3A_317 : memref<80xi32, #tpu.memory_space<vmem>>) semaphore(%run_scoped3A_306 : memref<!tpu.dma_semaphore, #tpu.memory_space<semaphore_mem>>) {add = true}
        %dma_wait3A_321 = arith.constant 0 : i32
        %dma_wait3A_322 = arith.constant 0 : i32
        %dma_wait3A_323 = tpu.memref_slice %arg8[%run_scoped3A_184, %dma_wait3A_321, %dma_wait3A_322] : memref<2x80x128xf32, #tpu.memory_space<vmem>> -> memref<1x80x128xf32, #tpu.memory_space<vmem>>
        %dma_wait3A_324 = tpu.memref_squeeze %dma_wait3A_323 : memref<1x80x128xf32, #tpu.memory_space<vmem>> -> memref<80x128xf32, #tpu.memory_space<vmem>>
        %dma_wait3A_325 = arith.constant 0 : i32
        %dma_wait3A_326 = arith.constant 0 : i32
        %dma_wait3A_327 = tpu.memref_slice %arg7[%run_scoped3A_185, %dma_wait3A_325, %dma_wait3A_326] : memref<2x3x80xi32, #tpu.memory_space<vmem>> -> memref<1x3x80xi32, #tpu.memory_space<vmem>>
        %dma_wait3A_328 = tpu.memref_squeeze %dma_wait3A_327 : memref<1x3x80xi32, #tpu.memory_space<vmem>> -> memref<3x80xi32, #tpu.memory_space<vmem>>
        %dma_wait3A_329 = arith.constant 0 : i32
        %dma_wait3A_330 = tpu.memref_slice %dma_wait3A_328[%run_scoped3A_186, %dma_wait3A_329] : memref<3x80xi32, #tpu.memory_space<vmem>> -> memref<1x80xi32, #tpu.memory_space<vmem>>
        %dma_wait3A_331 = tpu.memref_squeeze %dma_wait3A_330 : memref<1x80xi32, #tpu.memory_space<vmem>> -> memref<80xi32, #tpu.memory_space<vmem>>
        %dma_wait3A_332 = arith.constant 0 : i32
        %dma_wait3A_333 = arith.constant 0 : i32
        %dma_wait3A_334 = tpu.memref_slice %arg10[%dma_wait3A_332, %dma_wait3A_333] : memref<10240x128xf32, #tpu.memory_space<vmem_shared>> -> memref<10240x128xf32, #tpu.memory_space<vmem_shared>>
        tpu.wait_indirect_dma semaphore(%run_scoped3A_306 : memref<!tpu.dma_semaphore, #tpu.memory_space<semaphore_mem>>) src(%dma_wait3A_324 : memref<80x128xf32, #tpu.memory_space<vmem>>) dst(%dma_wait3A_334 : memref<10240x128xf32, #tpu.memory_space<vmem_shared>>)
        tpu.yield
      }) : () -> ()
      %add3A_187 = arith.constant 2 : i32
      %add3A_188 = arith.addi %add3A_146, %add3A_187 : i32
      %run_scoped3A_189 = arith.constant 0 : i32
      "tpu.region"() ({
        %run_scoped3A_306 = tpu.sem_alloc : memref<!tpu.dma_semaphore, #tpu.memory_space<semaphore_mem>>
        %dma_start3A_307 = arith.constant 0 : i32
        %dma_start3A_308 = arith.constant 0 : i32
        %dma_start3A_309 = tpu.memref_slice %arg7[%run_scoped3A_189, %dma_start3A_307, %dma_start3A_308] : memref<2x3x80xi32, #tpu.memory_space<vmem>> -> memref<1x3x80xi32, #tpu.memory_space<vmem>>
        %dma_start3A_310 = tpu.memref_squeeze %dma_start3A_309 : memref<1x3x80xi32, #tpu.memory_space<vmem>> -> memref<3x80xi32, #tpu.memory_space<vmem>>
        %dma_start3A_311 = arith.constant 0 : i32
        %dma_start3A_312 = arith.constant 0 : i32
        %dma_start3A_313 = arith.constant 0 : i32
        %dma_start3A_314 = arith.constant 0 : i32
        %dma_start3A_315 = tpu.memref_slice %arg4[%arg0, %dma_start3A_311, %dma_start3A_312, %dma_start3A_313, %dma_start3A_314] : memref<2x16x128x3x80xi32, #tpu.memory_space<hbm>> -> memref<1x16x128x3x80xi32, #tpu.memory_space<hbm>>
        %dma_start3A_316 = tpu.memref_squeeze %dma_start3A_315 : memref<1x16x128x3x80xi32, #tpu.memory_space<hbm>> -> memref<16x128x3x80xi32, #tpu.memory_space<hbm>>
        %dma_start3A_317 = arith.constant 0 : i32
        %dma_start3A_318 = arith.constant 0 : i32
        %dma_start3A_319 = arith.constant 0 : i32
        %dma_start3A_320 = tpu.memref_slice %dma_start3A_316[%arg1, %dma_start3A_317, %dma_start3A_318, %dma_start3A_319] : memref<16x128x3x80xi32, #tpu.memory_space<hbm>> -> memref<1x128x3x80xi32, #tpu.memory_space<hbm>>
        %dma_start3A_321 = tpu.memref_squeeze %dma_start3A_320 : memref<1x128x3x80xi32, #tpu.memory_space<hbm>> -> memref<128x3x80xi32, #tpu.memory_space<hbm>>
        %dma_start3A_322 = arith.constant 0 : i32
        %dma_start3A_323 = arith.constant 0 : i32
        %dma_start3A_324 = tpu.memref_slice %dma_start3A_321[%add3A_188, %dma_start3A_322, %dma_start3A_323] : memref<128x3x80xi32, #tpu.memory_space<hbm>> -> memref<1x3x80xi32, #tpu.memory_space<hbm>>
        %dma_start3A_325 = tpu.memref_squeeze %dma_start3A_324 : memref<1x3x80xi32, #tpu.memory_space<hbm>> -> memref<3x80xi32, #tpu.memory_space<hbm>>
        %dma_start3A_326 = arith.constant 0 : i32
        %dma_start3A_327 = arith.constant 0 : i32
        %dma_start3A_328 = tpu.memref_slice %arg7[%run_scoped3A_189, %dma_start3A_326, %dma_start3A_327] : memref<2x3x80xi32, #tpu.memory_space<vmem>> -> memref<1x3x80xi32, #tpu.memory_space<vmem>>
        %dma_start3A_329 = tpu.memref_squeeze %dma_start3A_328 : memref<1x3x80xi32, #tpu.memory_space<vmem>> -> memref<3x80xi32, #tpu.memory_space<vmem>>
        %dma_start3A_330 = arith.constant 0 : i32
        %dma_start3A_331 = arith.constant 0 : i32
        %dma_start3A_332 = arith.constant 0 : i32
        %dma_start3A_333 = arith.constant 0 : i32
        %dma_start3A_334 = tpu.memref_slice %arg4[%arg0, %dma_start3A_330, %dma_start3A_331, %dma_start3A_332, %dma_start3A_333] : memref<2x16x128x3x80xi32, #tpu.memory_space<hbm>> -> memref<1x16x128x3x80xi32, #tpu.memory_space<hbm>>
        %dma_start3A_335 = tpu.memref_squeeze %dma_start3A_334 : memref<1x16x128x3x80xi32, #tpu.memory_space<hbm>> -> memref<16x128x3x80xi32, #tpu.memory_space<hbm>>
        %dma_start3A_336 = arith.constant 0 : i32
        %dma_start3A_337 = arith.constant 0 : i32
        %dma_start3A_338 = arith.constant 0 : i32
        %dma_start3A_339 = tpu.memref_slice %dma_start3A_335[%arg1, %dma_start3A_336, %dma_start3A_337, %dma_start3A_338] : memref<16x128x3x80xi32, #tpu.memory_space<hbm>> -> memref<1x128x3x80xi32, #tpu.memory_space<hbm>>
        %dma_start3A_340 = tpu.memref_squeeze %dma_start3A_339 : memref<1x128x3x80xi32, #tpu.memory_space<hbm>> -> memref<128x3x80xi32, #tpu.memory_space<hbm>>
        %dma_start3A_341 = arith.constant 0 : i32
        %dma_start3A_342 = arith.constant 0 : i32
        %dma_start3A_343 = tpu.memref_slice %dma_start3A_340[%add3A_188, %dma_start3A_341, %dma_start3A_342] : memref<128x3x80xi32, #tpu.memory_space<hbm>> -> memref<1x3x80xi32, #tpu.memory_space<hbm>>
        %dma_start3A_344 = tpu.memref_squeeze %dma_start3A_343 : memref<1x3x80xi32, #tpu.memory_space<hbm>> -> memref<3x80xi32, #tpu.memory_space<hbm>>
        tpu.enqueue_dma source(%dma_start3A_344 : memref<3x80xi32, #tpu.memory_space<hbm>>) target(%dma_start3A_329 : memref<3x80xi32, #tpu.memory_space<vmem>>) target_semaphore(%run_scoped3A_306 : memref<!tpu.dma_semaphore, #tpu.memory_space<semaphore_mem>>)
        %dma_wait3A_345 = arith.constant 0 : i32
        %dma_wait3A_346 = arith.constant 0 : i32
        %dma_wait3A_347 = tpu.memref_slice %arg7[%run_scoped3A_189, %dma_wait3A_345, %dma_wait3A_346] : memref<2x3x80xi32, #tpu.memory_space<vmem>> -> memref<1x3x80xi32, #tpu.memory_space<vmem>>
        %dma_wait3A_348 = tpu.memref_squeeze %dma_wait3A_347 : memref<1x3x80xi32, #tpu.memory_space<vmem>> -> memref<3x80xi32, #tpu.memory_space<vmem>>
        %dma_wait3A_349 = arith.constant 0 : i32
        %dma_wait3A_350 = arith.constant 0 : i32
        %dma_wait3A_351 = arith.constant 0 : i32
        %dma_wait3A_352 = arith.constant 0 : i32
        %dma_wait3A_353 = tpu.memref_slice %arg4[%arg0, %dma_wait3A_349, %dma_wait3A_350, %dma_wait3A_351, %dma_wait3A_352] : memref<2x16x128x3x80xi32, #tpu.memory_space<hbm>> -> memref<1x16x128x3x80xi32, #tpu.memory_space<hbm>>
        %dma_wait3A_354 = tpu.memref_squeeze %dma_wait3A_353 : memref<1x16x128x3x80xi32, #tpu.memory_space<hbm>> -> memref<16x128x3x80xi32, #tpu.memory_space<hbm>>
        %dma_wait3A_355 = arith.constant 0 : i32
        %dma_wait3A_356 = arith.constant 0 : i32
        %dma_wait3A_357 = arith.constant 0 : i32
        %dma_wait3A_358 = tpu.memref_slice %dma_wait3A_354[%arg1, %dma_wait3A_355, %dma_wait3A_356, %dma_wait3A_357] : memref<16x128x3x80xi32, #tpu.memory_space<hbm>> -> memref<1x128x3x80xi32, #tpu.memory_space<hbm>>
        %dma_wait3A_359 = tpu.memref_squeeze %dma_wait3A_358 : memref<1x128x3x80xi32, #tpu.memory_space<hbm>> -> memref<128x3x80xi32, #tpu.memory_space<hbm>>
        %dma_wait3A_360 = arith.constant 0 : i32
        %dma_wait3A_361 = arith.constant 0 : i32
        %dma_wait3A_362 = tpu.memref_slice %dma_wait3A_359[%add3A_188, %dma_wait3A_360, %dma_wait3A_361] : memref<128x3x80xi32, #tpu.memory_space<hbm>> -> memref<1x3x80xi32, #tpu.memory_space<hbm>>
        %dma_wait3A_363 = tpu.memref_squeeze %dma_wait3A_362 : memref<1x3x80xi32, #tpu.memory_space<hbm>> -> memref<3x80xi32, #tpu.memory_space<hbm>>
        %dma_wait3A_364 = arith.constant 0 : i32
        %dma_wait3A_365 = arith.constant 0 : i32
        %dma_wait3A_366 = tpu.memref_slice %arg7[%run_scoped3A_189, %dma_wait3A_364, %dma_wait3A_365] : memref<2x3x80xi32, #tpu.memory_space<vmem>> -> memref<1x3x80xi32, #tpu.memory_space<vmem>>
        %dma_wait3A_367 = tpu.memref_squeeze %dma_wait3A_366 : memref<1x3x80xi32, #tpu.memory_space<vmem>> -> memref<3x80xi32, #tpu.memory_space<vmem>>
        %dma_wait3A_368 = arith.constant 0 : i32
        %dma_wait3A_369 = arith.constant 0 : i32
        %dma_wait3A_370 = arith.constant 0 : i32
        %dma_wait3A_371 = arith.constant 0 : i32
        %dma_wait3A_372 = tpu.memref_slice %arg4[%arg0, %dma_wait3A_368, %dma_wait3A_369, %dma_wait3A_370, %dma_wait3A_371] : memref<2x16x128x3x80xi32, #tpu.memory_space<hbm>> -> memref<1x16x128x3x80xi32, #tpu.memory_space<hbm>>
        %dma_wait3A_373 = tpu.memref_squeeze %dma_wait3A_372 : memref<1x16x128x3x80xi32, #tpu.memory_space<hbm>> -> memref<16x128x3x80xi32, #tpu.memory_space<hbm>>
        %dma_wait3A_374 = arith.constant 0 : i32
        %dma_wait3A_375 = arith.constant 0 : i32
        %dma_wait3A_376 = arith.constant 0 : i32
        %dma_wait3A_377 = tpu.memref_slice %dma_wait3A_373[%arg1, %dma_wait3A_374, %dma_wait3A_375, %dma_wait3A_376] : memref<16x128x3x80xi32, #tpu.memory_space<hbm>> -> memref<1x128x3x80xi32, #tpu.memory_space<hbm>>
        %dma_wait3A_378 = tpu.memref_squeeze %dma_wait3A_377 : memref<1x128x3x80xi32, #tpu.memory_space<hbm>> -> memref<128x3x80xi32, #tpu.memory_space<hbm>>
        %dma_wait3A_379 = arith.constant 0 : i32
        %dma_wait3A_380 = arith.constant 0 : i32
        %dma_wait3A_381 = tpu.memref_slice %dma_wait3A_378[%add3A_188, %dma_wait3A_379, %dma_wait3A_380] : memref<128x3x80xi32, #tpu.memory_space<hbm>> -> memref<1x3x80xi32, #tpu.memory_space<hbm>>
        %dma_wait3A_382 = tpu.memref_squeeze %dma_wait3A_381 : memref<1x3x80xi32, #tpu.memory_space<hbm>> -> memref<3x80xi32, #tpu.memory_space<hbm>>
        tpu.wait_dma2 semaphore(%run_scoped3A_306 : memref<!tpu.dma_semaphore, #tpu.memory_space<semaphore_mem>>) src(%dma_wait3A_382 : memref<3x80xi32, #tpu.memory_space<hbm>>) dst(%dma_wait3A_367 : memref<3x80xi32, #tpu.memory_space<vmem>>)
        tpu.yield
      }) : () -> ()
      %dma_start3A_190 = arith.constant 0 : i32
      %dma_start3A_191 = arith.constant 0 : i32
      %dma_start3A_192 = arith.constant 0 : i32
      %dma_start3A_193 = arith.constant 0 : i32
      %dma_start3A_194 = arith.constant 0 : i32
      %dma_start3A_195 = tpu.memref_slice %arg8[%dma_start3A_192, %dma_start3A_193, %dma_start3A_194] : memref<2x80x128xf32, #tpu.memory_space<vmem>> -> memref<1x80x128xf32, #tpu.memory_space<vmem>>
      %dma_start3A_196 = tpu.memref_squeeze %dma_start3A_195 : memref<1x80x128xf32, #tpu.memory_space<vmem>> -> memref<80x128xf32, #tpu.memory_space<vmem>>
      %dma_start3A_197 = arith.constant 0 : i32
      %dma_start3A_198 = arith.constant 0 : i32
      %dma_start3A_199 = tpu.memref_slice %arg7[%dma_start3A_190, %dma_start3A_197, %dma_start3A_198] : memref<2x3x80xi32, #tpu.memory_space<vmem>> -> memref<1x3x80xi32, #tpu.memory_space<vmem>>
      %dma_start3A_200 = tpu.memref_squeeze %dma_start3A_199 : memref<1x3x80xi32, #tpu.memory_space<vmem>> -> memref<3x80xi32, #tpu.memory_space<vmem>>
      %dma_start3A_201 = arith.constant 0 : i32
      %dma_start3A_202 = tpu.memref_slice %dma_start3A_200[%dma_start3A_191, %dma_start3A_201] : memref<3x80xi32, #tpu.memory_space<vmem>> -> memref<1x80xi32, #tpu.memory_space<vmem>>
      %dma_start3A_203 = tpu.memref_squeeze %dma_start3A_202 : memref<1x80xi32, #tpu.memory_space<vmem>> -> memref<80xi32, #tpu.memory_space<vmem>>
      %dma_start3A_204 = arith.constant 0 : i32
      %dma_start3A_205 = arith.constant 0 : i32
      %dma_start3A_206 = tpu.memref_slice %arg2[%dma_start3A_204, %dma_start3A_205] : memref<20000x128xf32, #tpu.memory_space<hbm>> -> memref<20000x128xf32, #tpu.memory_space<hbm>>
      tpu.enqueue_indirect_dma source(%dma_start3A_206 : memref<20000x128xf32, #tpu.memory_space<hbm>>) target(%dma_start3A_196 : memref<80x128xf32, #tpu.memory_space<vmem>>) offsets(%dma_start3A_203 : memref<80xi32, #tpu.memory_space<vmem>>) semaphore(%arg11 : memref<!tpu.dma_semaphore, #tpu.memory_space<semaphore_mem>>)
      %dma_start3A_207 = arith.constant 0 : i32
      %dma_start3A_208 = arith.constant 1 : i32
      %dma_start3A_209 = arith.constant 0 : i32
      %dma_start3A_210 = arith.constant 0 : i32
      %dma_start3A_211 = arith.constant 0 : i32
      %dma_start3A_212 = tpu.memref_slice %arg9[%dma_start3A_209, %dma_start3A_210, %dma_start3A_211] : memref<2x80x128xf32, #tpu.memory_space<vmem>> -> memref<1x80x128xf32, #tpu.memory_space<vmem>>
      %dma_start3A_213 = tpu.memref_squeeze %dma_start3A_212 : memref<1x80x128xf32, #tpu.memory_space<vmem>> -> memref<80x128xf32, #tpu.memory_space<vmem>>
      %dma_start3A_214 = arith.constant 0 : i32
      %dma_start3A_215 = arith.constant 0 : i32
      %dma_start3A_216 = tpu.memref_slice %arg7[%dma_start3A_207, %dma_start3A_214, %dma_start3A_215] : memref<2x3x80xi32, #tpu.memory_space<vmem>> -> memref<1x3x80xi32, #tpu.memory_space<vmem>>
      %dma_start3A_217 = tpu.memref_squeeze %dma_start3A_216 : memref<1x3x80xi32, #tpu.memory_space<vmem>> -> memref<3x80xi32, #tpu.memory_space<vmem>>
      %dma_start3A_218 = arith.constant 0 : i32
      %dma_start3A_219 = tpu.memref_slice %dma_start3A_217[%dma_start3A_208, %dma_start3A_218] : memref<3x80xi32, #tpu.memory_space<vmem>> -> memref<1x80xi32, #tpu.memory_space<vmem>>
      %dma_start3A_220 = tpu.memref_squeeze %dma_start3A_219 : memref<1x80xi32, #tpu.memory_space<vmem>> -> memref<80xi32, #tpu.memory_space<vmem>>
      %dma_start3A_221 = arith.constant 0 : i32
      %dma_start3A_222 = arith.constant 0 : i32
      %dma_start3A_223 = tpu.memref_slice %arg3[%dma_start3A_221, %dma_start3A_222] : memref<400x128xf32, #tpu.memory_space<hbm>> -> memref<400x128xf32, #tpu.memory_space<hbm>>
      tpu.enqueue_indirect_dma source(%dma_start3A_223 : memref<400x128xf32, #tpu.memory_space<hbm>>) target(%dma_start3A_213 : memref<80x128xf32, #tpu.memory_space<vmem>>) offsets(%dma_start3A_220 : memref<80xi32, #tpu.memory_space<vmem>>) semaphore(%arg13 : memref<!tpu.dma_semaphore, #tpu.memory_space<semaphore_mem>>)
      %mul3A_224 = arith.constant 2 : i32
      %mul3A_225 = arith.muli %mul3A_224, %scan3A_141 : i32
      %add3A_226 = arith.constant 1 : i32
      %add3A_227 = arith.addi %mul3A_225, %add3A_226 : i32
      %dma_wait3A_228 = arith.constant 1 : i32
      %dma_wait3A_229 = arith.constant 0 : i32
      %dma_wait3A_230 = arith.constant 0 : i32
      %dma_wait3A_231 = tpu.memref_slice %arg8[%dma_wait3A_228, %dma_wait3A_229, %dma_wait3A_230] : memref<2x80x128xf32, #tpu.memory_space<vmem>> -> memref<1x80x128xf32, #tpu.memory_space<vmem>>
      %dma_wait3A_232 = tpu.memref_squeeze %dma_wait3A_231 : memref<1x80x128xf32, #tpu.memory_space<vmem>> -> memref<80x128xf32, #tpu.memory_space<vmem>>
      %dma_wait3A_233 = arith.constant 0 : i32
      %dma_wait3A_234 = arith.constant 0 : i32
      %dma_wait3A_235 = tpu.memref_slice %arg5[%dma_wait3A_233, %dma_wait3A_234] : memref<10240x128xf32, #tpu.memory_space<hbm>> -> memref<80x128xf32, #tpu.memory_space<hbm>>
      %dma_wait3A_236 = arith.constant 0 : i32
      %dma_wait3A_237 = arith.constant 0 : i32
      %dma_wait3A_238 = tpu.memref_slice %arg8[%dma_wait3A_228, %dma_wait3A_236, %dma_wait3A_237] : memref<2x80x128xf32, #tpu.memory_space<vmem>> -> memref<1x80x128xf32, #tpu.memory_space<vmem>>
      %dma_wait3A_239 = tpu.memref_squeeze %dma_wait3A_238 : memref<1x80x128xf32, #tpu.memory_space<vmem>> -> memref<80x128xf32, #tpu.memory_space<vmem>>
      %dma_wait3A_240 = arith.constant 0 : i32
      %dma_wait3A_241 = arith.constant 0 : i32
      %dma_wait3A_242 = tpu.memref_slice %arg5[%dma_wait3A_240, %dma_wait3A_241] : memref<10240x128xf32, #tpu.memory_space<hbm>> -> memref<80x128xf32, #tpu.memory_space<hbm>>
      tpu.wait_dma2 semaphore(%arg12 : memref<!tpu.dma_semaphore, #tpu.memory_space<semaphore_mem>>) src(%dma_wait3A_242 : memref<80x128xf32, #tpu.memory_space<hbm>>) dst(%dma_wait3A_239 : memref<80x128xf32, #tpu.memory_space<vmem>>)
      %dma_wait3A_243 = arith.constant 1 : i32
      %dma_wait3A_244 = arith.constant 0 : i32
      %dma_wait3A_245 = arith.constant 0 : i32
      %dma_wait3A_246 = tpu.memref_slice %arg9[%dma_wait3A_243, %dma_wait3A_244, %dma_wait3A_245] : memref<2x80x128xf32, #tpu.memory_space<vmem>> -> memref<1x80x128xf32, #tpu.memory_space<vmem>>
      %dma_wait3A_247 = tpu.memref_squeeze %dma_wait3A_246 : memref<1x80x128xf32, #tpu.memory_space<vmem>> -> memref<80x128xf32, #tpu.memory_space<vmem>>
      %dma_wait3A_248 = arith.constant 0 : i32
      %dma_wait3A_249 = arith.constant 0 : i32
      %dma_wait3A_250 = tpu.memref_slice %arg5[%dma_wait3A_248, %dma_wait3A_249] : memref<10240x128xf32, #tpu.memory_space<hbm>> -> memref<80x128xf32, #tpu.memory_space<hbm>>
      %dma_wait3A_251 = arith.constant 0 : i32
      %dma_wait3A_252 = arith.constant 0 : i32
      %dma_wait3A_253 = tpu.memref_slice %arg9[%dma_wait3A_243, %dma_wait3A_251, %dma_wait3A_252] : memref<2x80x128xf32, #tpu.memory_space<vmem>> -> memref<1x80x128xf32, #tpu.memory_space<vmem>>
      %dma_wait3A_254 = tpu.memref_squeeze %dma_wait3A_253 : memref<1x80x128xf32, #tpu.memory_space<vmem>> -> memref<80x128xf32, #tpu.memory_space<vmem>>
      %dma_wait3A_255 = arith.constant 0 : i32
      %dma_wait3A_256 = arith.constant 0 : i32
      %dma_wait3A_257 = tpu.memref_slice %arg5[%dma_wait3A_255, %dma_wait3A_256] : memref<10240x128xf32, #tpu.memory_space<hbm>> -> memref<80x128xf32, #tpu.memory_space<hbm>>
      tpu.wait_dma2 semaphore(%arg14 : memref<!tpu.dma_semaphore, #tpu.memory_space<semaphore_mem>>) src(%dma_wait3A_257 : memref<80x128xf32, #tpu.memory_space<hbm>>) dst(%dma_wait3A_254 : memref<80x128xf32, #tpu.memory_space<vmem>>)
      %scan3A_258 = arith.constant 0 : i32
      %scan3A_259 = arith.constant 0 : i32
      %scan3A_260 = arith.constant 80 : i32
      %scan3A_261 = arith.addi %scan3A_259, %scan3A_260 : i32
      %scan3A_262 = arith.constant 1 : i32
      %scan3A_263 = scf.for %scan3A_306 = %scan3A_259 to %scan3A_261 step %scan3A_262 iter_args(%scan3A_307 = %scan3A_258) -> (i32)  : i32 {
        %get3A = arith.constant 1 : i32
        %get3A_308 = arith.index_cast %get3A : i32 to index
        %get3A_309 = arith.index_cast %scan3A_306 : i32 to index
        %get3A_310 = arith.constant 0 : index
        %get3A_311 = tpu.vector_load %arg8[%get3A_308, %get3A_309, %get3A_310] {strides = array<i32>} : memref<2x80x128xf32, #tpu.memory_space<vmem>>, vector<1x1x16xf32>,
        %get3A_312 = vector.shape_cast %get3A_311 : vector<1x1x16xf32> to vector<16xf32>
        %get3A_313 = arith.constant 1 : i32
        %get3A_314 = arith.index_cast %get3A_313 : i32 to index
        %get3A_315 = arith.index_cast %scan3A_306 : i32 to index
        %get3A_316 = arith.constant 0 : index
        %get3A_317 = tpu.vector_load %arg9[%get3A_314, %get3A_315, %get3A_316] {strides = array<i32>} : memref<2x80x128xf32, #tpu.memory_space<vmem>>, vector<1x1x16xf32>,
        %get3A_318 = vector.shape_cast %get3A_317 : vector<1x1x16xf32> to vector<16xf32>
        %mul3A_319 = arith.mulf %get3A_312, %get3A_318 : vector<16xf32>
        %swap3A = arith.constant 1 : i32
        %swap3A_320 = arith.index_cast %swap3A : i32 to index
        %swap3A_321 = arith.index_cast %scan3A_306 : i32 to index
        %swap3A_322 = arith.constant 0 : index
        %swap3A_323 = tpu.vector_load %arg8[%swap3A_320, %swap3A_321, %swap3A_322] {strides = array<i32>} : memref<2x80x128xf32, #tpu.memory_space<vmem>>, vector<1x1x16xf32>,
        %swap3A_324 = vector.shape_cast %swap3A_323 : vector<1x1x16xf32> to vector<16xf32>
        %swap3A_325 = vector.shape_cast %mul3A_319 : vector<16xf32> to vector<1x1x16xf32>
        tpu.vector_store %arg8[%swap3A_320, %swap3A_321, %swap3A_322], %swap3A_325 {strides = array<i32>} : memref<2x80x128xf32, #tpu.memory_space<vmem>>, vector<1x1x16xf32>,
        %get3A_326 = arith.constant 1 : i32
        %get3A_327 = arith.index_cast %get3A_326 : i32 to index
        %get3A_328 = arith.index_cast %scan3A_306 : i32 to index
        %get3A_329 = arith.constant 16 : index
        %get3A_330 = tpu.vector_load %arg8[%get3A_327, %get3A_328, %get3A_329] {strides = array<i32>} : memref<2x80x128xf32, #tpu.memory_space<vmem>>, vector<1x1x16xf32>,
        %get3A_331 = vector.shape_cast %get3A_330 : vector<1x1x16xf32> to vector<16xf32>
        %get3A_332 = arith.constant 1 : i32
        %get3A_333 = arith.index_cast %get3A_332 : i32 to index
        %get3A_334 = arith.index_cast %scan3A_306 : i32 to index
        %get3A_335 = arith.constant 16 : index
        %get3A_336 = tpu.vector_load %arg9[%get3A_333, %get3A_334, %get3A_335] {strides = array<i32>} : memref<2x80x128xf32, #tpu.memory_space<vmem>>, vector<1x1x16xf32>,
        %get3A_337 = vector.shape_cast %get3A_336 : vector<1x1x16xf32> to vector<16xf32>
        %mul3A_338 = arith.mulf %get3A_331, %get3A_337 : vector<16xf32>
        %swap3A_339 = arith.constant 1 : i32
        %swap3A_340 = arith.index_cast %swap3A_339 : i32 to index
        %swap3A_341 = arith.index_cast %scan3A_306 : i32 to index
        %swap3A_342 = arith.constant 16 : index
        %swap3A_343 = tpu.vector_load %arg8[%swap3A_340, %swap3A_341, %swap3A_342] {strides = array<i32>} : memref<2x80x128xf32, #tpu.memory_space<vmem>>, vector<1x1x16xf32>,
        %swap3A_344 = vector.shape_cast %swap3A_343 : vector<1x1x16xf32> to vector<16xf32>
        %swap3A_345 = vector.shape_cast %mul3A_338 : vector<16xf32> to vector<1x1x16xf32>
        tpu.vector_store %arg8[%swap3A_340, %swap3A_341, %swap3A_342], %swap3A_345 {strides = array<i32>} : memref<2x80x128xf32, #tpu.memory_space<vmem>>, vector<1x1x16xf32>,
        %get3A_346 = arith.constant 1 : i32
        %get3A_347 = arith.index_cast %get3A_346 : i32 to index
        %get3A_348 = arith.index_cast %scan3A_306 : i32 to index
        %get3A_349 = arith.constant 32 : index
        %get3A_350 = tpu.vector_load %arg8[%get3A_347, %get3A_348, %get3A_349] {strides = array<i32>} : memref<2x80x128xf32, #tpu.memory_space<vmem>>, vector<1x1x16xf32>,
        %get3A_351 = vector.shape_cast %get3A_350 : vector<1x1x16xf32> to vector<16xf32>
        %get3A_352 = arith.constant 1 : i32
        %get3A_353 = arith.index_cast %get3A_352 : i32 to index
        %get3A_354 = arith.index_cast %scan3A_306 : i32 to index
        %get3A_355 = arith.constant 32 : index
        %get3A_356 = tpu.vector_load %arg9[%get3A_353, %get3A_354, %get3A_355] {strides = array<i32>} : memref<2x80x128xf32, #tpu.memory_space<vmem>>, vector<1x1x16xf32>,
        %get3A_357 = vector.shape_cast %get3A_356 : vector<1x1x16xf32> to vector<16xf32>
        %mul3A_358 = arith.mulf %get3A_351, %get3A_357 : vector<16xf32>
        %swap3A_359 = arith.constant 1 : i32
        %swap3A_360 = arith.index_cast %swap3A_359 : i32 to index
        %swap3A_361 = arith.index_cast %scan3A_306 : i32 to index
        %swap3A_362 = arith.constant 32 : index
        %swap3A_363 = tpu.vector_load %arg8[%swap3A_360, %swap3A_361, %swap3A_362] {strides = array<i32>} : memref<2x80x128xf32, #tpu.memory_space<vmem>>, vector<1x1x16xf32>,
        %swap3A_364 = vector.shape_cast %swap3A_363 : vector<1x1x16xf32> to vector<16xf32>
        %swap3A_365 = vector.shape_cast %mul3A_358 : vector<16xf32> to vector<1x1x16xf32>
        tpu.vector_store %arg8[%swap3A_360, %swap3A_361, %swap3A_362], %swap3A_365 {strides = array<i32>} : memref<2x80x128xf32, #tpu.memory_space<vmem>>, vector<1x1x16xf32>,
        %get3A_366 = arith.constant 1 : i32
        %get3A_367 = arith.index_cast %get3A_366 : i32 to index
        %get3A_368 = arith.index_cast %scan3A_306 : i32 to index
        %get3A_369 = arith.constant 48 : index
        %get3A_370 = tpu.vector_load %arg8[%get3A_367, %get3A_368, %get3A_369] {strides = array<i32>} : memref<2x80x128xf32, #tpu.memory_space<vmem>>, vector<1x1x16xf32>,
        %get3A_371 = vector.shape_cast %get3A_370 : vector<1x1x16xf32> to vector<16xf32>
        %get3A_372 = arith.constant 1 : i32
        %get3A_373 = arith.index_cast %get3A_372 : i32 to index
        %get3A_374 = arith.index_cast %scan3A_306 : i32 to index
        %get3A_375 = arith.constant 48 : index
        %get3A_376 = tpu.vector_load %arg9[%get3A_373, %get3A_374, %get3A_375] {strides = array<i32>} : memref<2x80x128xf32, #tpu.memory_space<vmem>>, vector<1x1x16xf32>,
        %get3A_377 = vector.shape_cast %get3A_376 : vector<1x1x16xf32> to vector<16xf32>
        %mul3A_378 = arith.mulf %get3A_371, %get3A_377 : vector<16xf32>
        %swap3A_379 = arith.constant 1 : i32
        %swap3A_380 = arith.index_cast %swap3A_379 : i32 to index
        %swap3A_381 = arith.index_cast %scan3A_306 : i32 to index
        %swap3A_382 = arith.constant 48 : index
        %swap3A_383 = tpu.vector_load %arg8[%swap3A_380, %swap3A_381, %swap3A_382] {strides = array<i32>} : memref<2x80x128xf32, #tpu.memory_space<vmem>>, vector<1x1x16xf32>,
        %swap3A_384 = vector.shape_cast %swap3A_383 : vector<1x1x16xf32> to vector<16xf32>
        %swap3A_385 = vector.shape_cast %mul3A_378 : vector<16xf32> to vector<1x1x16xf32>
        tpu.vector_store %arg8[%swap3A_380, %swap3A_381, %swap3A_382], %swap3A_385 {strides = array<i32>} : memref<2x80x128xf32, #tpu.memory_space<vmem>>, vector<1x1x16xf32>,
        %get3A_386 = arith.constant 1 : i32
        %get3A_387 = arith.index_cast %get3A_386 : i32 to index
        %get3A_388 = arith.index_cast %scan3A_306 : i32 to index
        %get3A_389 = arith.constant 64 : index
        %get3A_390 = tpu.vector_load %arg8[%get3A_387, %get3A_388, %get3A_389] {strides = array<i32>} : memref<2x80x128xf32, #tpu.memory_space<vmem>>, vector<1x1x16xf32>,
        %get3A_391 = vector.shape_cast %get3A_390 : vector<1x1x16xf32> to vector<16xf32>
        %get3A_392 = arith.constant 1 : i32
        %get3A_393 = arith.index_cast %get3A_392 : i32 to index
        %get3A_394 = arith.index_cast %scan3A_306 : i32 to index
        %get3A_395 = arith.constant 64 : index
        %get3A_396 = tpu.vector_load %arg9[%get3A_393, %get3A_394, %get3A_395] {strides = array<i32>} : memref<2x80x128xf32, #tpu.memory_space<vmem>>, vector<1x1x16xf32>,
        %get3A_397 = vector.shape_cast %get3A_396 : vector<1x1x16xf32> to vector<16xf32>
        %mul3A_398 = arith.mulf %get3A_391, %get3A_397 : vector<16xf32>
        %swap3A_399 = arith.constant 1 : i32
        %swap3A_400 = arith.index_cast %swap3A_399 : i32 to index
        %swap3A_401 = arith.index_cast %scan3A_306 : i32 to index
        %swap3A_402 = arith.constant 64 : index
        %swap3A_403 = tpu.vector_load %arg8[%swap3A_400, %swap3A_401, %swap3A_402] {strides = array<i32>} : memref<2x80x128xf32, #tpu.memory_space<vmem>>, vector<1x1x16xf32>,
        %swap3A_404 = vector.shape_cast %swap3A_403 : vector<1x1x16xf32> to vector<16xf32>
        %swap3A_405 = vector.shape_cast %mul3A_398 : vector<16xf32> to vector<1x1x16xf32>
        tpu.vector_store %arg8[%swap3A_400, %swap3A_401, %swap3A_402], %swap3A_405 {strides = array<i32>} : memref<2x80x128xf32, #tpu.memory_space<vmem>>, vector<1x1x16xf32>,
        %get3A_406 = arith.constant 1 : i32
        %get3A_407 = arith.index_cast %get3A_406 : i32 to index
        %get3A_408 = arith.index_cast %scan3A_306 : i32 to index
        %get3A_409 = arith.constant 80 : index
        %get3A_410 = tpu.vector_load %arg8[%get3A_407, %get3A_408, %get3A_409] {strides = array<i32>} : memref<2x80x128xf32, #tpu.memory_space<vmem>>, vector<1x1x16xf32>,
        %get3A_411 = vector.shape_cast %get3A_410 : vector<1x1x16xf32> to vector<16xf32>
        %get3A_412 = arith.constant 1 : i32
        %get3A_413 = arith.index_cast %get3A_412 : i32 to index
        %get3A_414 = arith.index_cast %scan3A_306 : i32 to index
        %get3A_415 = arith.constant 80 : index
        %get3A_416 = tpu.vector_load %arg9[%get3A_413, %get3A_414, %get3A_415] {strides = array<i32>} : memref<2x80x128xf32, #tpu.memory_space<vmem>>, vector<1x1x16xf32>,
        %get3A_417 = vector.shape_cast %get3A_416 : vector<1x1x16xf32> to vector<16xf32>
        %mul3A_418 = arith.mulf %get3A_411, %get3A_417 : vector<16xf32>
        %swap3A_419 = arith.constant 1 : i32
        %swap3A_420 = arith.index_cast %swap3A_419 : i32 to index
        %swap3A_421 = arith.index_cast %scan3A_306 : i32 to index
        %swap3A_422 = arith.constant 80 : index
        %swap3A_423 = tpu.vector_load %arg8[%swap3A_420, %swap3A_421, %swap3A_422] {strides = array<i32>} : memref<2x80x128xf32, #tpu.memory_space<vmem>>, vector<1x1x16xf32>,
        %swap3A_424 = vector.shape_cast %swap3A_423 : vector<1x1x16xf32> to vector<16xf32>
        %swap3A_425 = vector.shape_cast %mul3A_418 : vector<16xf32> to vector<1x1x16xf32>
        tpu.vector_store %arg8[%swap3A_420, %swap3A_421, %swap3A_422], %swap3A_425 {strides = array<i32>} : memref<2x80x128xf32, #tpu.memory_space<vmem>>, vector<1x1x16xf32>,
        %get3A_426 = arith.constant 1 : i32
        %get3A_427 = arith.index_cast %get3A_426 : i32 to index
        %get3A_428 = arith.index_cast %scan3A_306 : i32 to index
        %get3A_429 = arith.constant 96 : index
        %get3A_430 = tpu.vector_load %arg8[%get3A_427, %get3A_428, %get3A_429] {strides = array<i32>} : memref<2x80x128xf32, #tpu.memory_space<vmem>>, vector<1x1x16xf32>,
        %get3A_431 = vector.shape_cast %get3A_430 : vector<1x1x16xf32> to vector<16xf32>
        %get3A_432 = arith.constant 1 : i32
        %get3A_433 = arith.index_cast %get3A_432 : i32 to index
        %get3A_434 = arith.index_cast %scan3A_306 : i32 to index
        %get3A_435 = arith.constant 96 : index
        %get3A_436 = tpu.vector_load %arg9[%get3A_433, %get3A_434, %get3A_435] {strides = array<i32>} : memref<2x80x128xf32, #tpu.memory_space<vmem>>, vector<1x1x16xf32>,
        %get3A_437 = vector.shape_cast %get3A_436 : vector<1x1x16xf32> to vector<16xf32>
        %mul3A_438 = arith.mulf %get3A_431, %get3A_437 : vector<16xf32>
        %swap3A_439 = arith.constant 1 : i32
        %swap3A_440 = arith.index_cast %swap3A_439 : i32 to index
        %swap3A_441 = arith.index_cast %scan3A_306 : i32 to index
        %swap3A_442 = arith.constant 96 : index
        %swap3A_443 = tpu.vector_load %arg8[%swap3A_440, %swap3A_441, %swap3A_442] {strides = array<i32>} : memref<2x80x128xf32, #tpu.memory_space<vmem>>, vector<1x1x16xf32>,
        %swap3A_444 = vector.shape_cast %swap3A_443 : vector<1x1x16xf32> to vector<16xf32>
        %swap3A_445 = vector.shape_cast %mul3A_438 : vector<16xf32> to vector<1x1x16xf32>
        tpu.vector_store %arg8[%swap3A_440, %swap3A_441, %swap3A_442], %swap3A_445 {strides = array<i32>} : memref<2x80x128xf32, #tpu.memory_space<vmem>>, vector<1x1x16xf32>,
        %get3A_446 = arith.constant 1 : i32
        %get3A_447 = arith.index_cast %get3A_446 : i32 to index
        %get3A_448 = arith.index_cast %scan3A_306 : i32 to index
        %get3A_449 = arith.constant 112 : index
        %get3A_450 = tpu.vector_load %arg8[%get3A_447, %get3A_448, %get3A_449] {strides = array<i32>} : memref<2x80x128xf32, #tpu.memory_space<vmem>>, vector<1x1x16xf32>,
        %get3A_451 = vector.shape_cast %get3A_450 : vector<1x1x16xf32> to vector<16xf32>
        %get3A_452 = arith.constant 1 : i32
        %get3A_453 = arith.index_cast %get3A_452 : i32 to index
        %get3A_454 = arith.index_cast %scan3A_306 : i32 to index
        %get3A_455 = arith.constant 112 : index
        %get3A_456 = tpu.vector_load %arg9[%get3A_453, %get3A_454, %get3A_455] {strides = array<i32>} : memref<2x80x128xf32, #tpu.memory_space<vmem>>, vector<1x1x16xf32>,
        %get3A_457 = vector.shape_cast %get3A_456 : vector<1x1x16xf32> to vector<16xf32>
        %mul3A_458 = arith.mulf %get3A_451, %get3A_457 : vector<16xf32>
        %swap3A_459 = arith.constant 1 : i32
        %swap3A_460 = arith.index_cast %swap3A_459 : i32 to index
        %swap3A_461 = arith.index_cast %scan3A_306 : i32 to index
        %swap3A_462 = arith.constant 112 : index
        %swap3A_463 = tpu.vector_load %arg8[%swap3A_460, %swap3A_461, %swap3A_462] {strides = array<i32>} : memref<2x80x128xf32, #tpu.memory_space<vmem>>, vector<1x1x16xf32>,
        %swap3A_464 = vector.shape_cast %swap3A_463 : vector<1x1x16xf32> to vector<16xf32>
        %swap3A_465 = vector.shape_cast %mul3A_458 : vector<16xf32> to vector<1x1x16xf32>
        tpu.vector_store %arg8[%swap3A_460, %swap3A_461, %swap3A_462], %swap3A_465 {strides = array<i32>} : memref<2x80x128xf32, #tpu.memory_space<vmem>>, vector<1x1x16xf32>,
        %scan3A_466 = arith.constant 0 : i32
        scf.yield %scan3A_466 : i32
      }
      %scan3A_264 = arith.constant 80 : i32
      %run_scoped3A_265 = arith.constant 1 : i32
      %run_scoped3A_266 = arith.constant 1 : i32
      %run_scoped3A_267 = arith.constant 2 : i32
      "tpu.region"() ({
        %run_scoped3A_306 = tpu.sem_alloc : memref<!tpu.dma_semaphore, #tpu.memory_space<semaphore_mem>>
        %dma_start3A_307 = arith.constant 0 : i32
        %dma_start3A_308 = arith.constant 0 : i32
        %dma_start3A_309 = tpu.memref_slice %arg8[%run_scoped3A_265, %dma_start3A_307, %dma_start3A_308] : memref<2x80x128xf32, #tpu.memory_space<vmem>> -> memref<1x80x128xf32, #tpu.memory_space<vmem>>
        %dma_start3A_310 = tpu.memref_squeeze %dma_start3A_309 : memref<1x80x128xf32, #tpu.memory_space<vmem>> -> memref<80x128xf32, #tpu.memory_space<vmem>>
        %dma_start3A_311 = arith.constant 0 : i32
        %dma_start3A_312 = arith.constant 0 : i32
        %dma_start3A_313 = tpu.memref_slice %arg7[%run_scoped3A_266, %dma_start3A_311, %dma_start3A_312] : memref<2x3x80xi32, #tpu.memory_space<vmem>> -> memref<1x3x80xi32, #tpu.memory_space<vmem>>
        %dma_start3A_314 = tpu.memref_squeeze %dma_start3A_313 : memref<1x3x80xi32, #tpu.memory_space<vmem>> -> memref<3x80xi32, #tpu.memory_space<vmem>>
        %dma_start3A_315 = arith.constant 0 : i32
        %dma_start3A_316 = tpu.memref_slice %dma_start3A_314[%run_scoped3A_267, %dma_start3A_315] : memref<3x80xi32, #tpu.memory_space<vmem>> -> memref<1x80xi32, #tpu.memory_space<vmem>>
        %dma_start3A_317 = tpu.memref_squeeze %dma_start3A_316 : memref<1x80xi32, #tpu.memory_space<vmem>> -> memref<80xi32, #tpu.memory_space<vmem>>
        %dma_start3A_318 = arith.constant 0 : i32
        %dma_start3A_319 = arith.constant 0 : i32
        %dma_start3A_320 = tpu.memref_slice %arg10[%dma_start3A_318, %dma_start3A_319] : memref<10240x128xf32, #tpu.memory_space<vmem_shared>> -> memref<10240x128xf32, #tpu.memory_space<vmem_shared>>
        tpu.enqueue_indirect_dma source(%dma_start3A_310 : memref<80x128xf32, #tpu.memory_space<vmem>>) target(%dma_start3A_320 : memref<10240x128xf32, #tpu.memory_space<vmem_shared>>) offsets(%dma_start3A_317 : memref<80xi32, #tpu.memory_space<vmem>>) semaphore(%run_scoped3A_306 : memref<!tpu.dma_semaphore, #tpu.memory_space<semaphore_mem>>) {add = true}
        %dma_wait3A_321 = arith.constant 0 : i32
        %dma_wait3A_322 = arith.constant 0 : i32
        %dma_wait3A_323 = tpu.memref_slice %arg8[%run_scoped3A_265, %dma_wait3A_321, %dma_wait3A_322] : memref<2x80x128xf32, #tpu.memory_space<vmem>> -> memref<1x80x128xf32, #tpu.memory_space<vmem>>
        %dma_wait3A_324 = tpu.memref_squeeze %dma_wait3A_323 : memref<1x80x128xf32, #tpu.memory_space<vmem>> -> memref<80x128xf32, #tpu.memory_space<vmem>>
        %dma_wait3A_325 = arith.constant 0 : i32
        %dma_wait3A_326 = arith.constant 0 : i32
        %dma_wait3A_327 = tpu.memref_slice %arg7[%run_scoped3A_266, %dma_wait3A_325, %dma_wait3A_326] : memref<2x3x80xi32, #tpu.memory_space<vmem>> -> memref<1x3x80xi32, #tpu.memory_space<vmem>>
        %dma_wait3A_328 = tpu.memref_squeeze %dma_wait3A_327 : memref<1x3x80xi32, #tpu.memory_space<vmem>> -> memref<3x80xi32, #tpu.memory_space<vmem>>
        %dma_wait3A_329 = arith.constant 0 : i32
        %dma_wait3A_330 = tpu.memref_slice %dma_wait3A_328[%run_scoped3A_267, %dma_wait3A_329] : memref<3x80xi32, #tpu.memory_space<vmem>> -> memref<1x80xi32, #tpu.memory_space<vmem>>
        %dma_wait3A_331 = tpu.memref_squeeze %dma_wait3A_330 : memref<1x80xi32, #tpu.memory_space<vmem>> -> memref<80xi32, #tpu.memory_space<vmem>>
        %dma_wait3A_332 = arith.constant 0 : i32
        %dma_wait3A_333 = arith.constant 0 : i32
        %dma_wait3A_334 = tpu.memref_slice %arg10[%dma_wait3A_332, %dma_wait3A_333] : memref<10240x128xf32, #tpu.memory_space<vmem_shared>> -> memref<10240x128xf32, #tpu.memory_space<vmem_shared>>
        tpu.wait_indirect_dma semaphore(%run_scoped3A_306 : memref<!tpu.dma_semaphore, #tpu.memory_space<semaphore_mem>>) src(%dma_wait3A_324 : memref<80x128xf32, #tpu.memory_space<vmem>>) dst(%dma_wait3A_334 : memref<10240x128xf32, #tpu.memory_space<vmem_shared>>)
        tpu.yield
      }) : () -> ()
      %add3A_268 = arith.constant 2 : i32
      %add3A_269 = arith.addi %add3A_227, %add3A_268 : i32
      %run_scoped3A_270 = arith.constant 1 : i32
      "tpu.region"() ({
        %run_scoped3A_306 = tpu.sem_alloc : memref<!tpu.dma_semaphore, #tpu.memory_space<semaphore_mem>>
        %dma_start3A_307 = arith.constant 0 : i32
        %dma_start3A_308 = arith.constant 0 : i32
        %dma_start3A_309 = tpu.memref_slice %arg7[%run_scoped3A_270, %dma_start3A_307, %dma_start3A_308] : memref<2x3x80xi32, #tpu.memory_space<vmem>> -> memref<1x3x80xi32, #tpu.memory_space<vmem>>
        %dma_start3A_310 = tpu.memref_squeeze %dma_start3A_309 : memref<1x3x80xi32, #tpu.memory_space<vmem>> -> memref<3x80xi32, #tpu.memory_space<vmem>>
        %dma_start3A_311 = arith.constant 0 : i32
        %dma_start3A_312 = arith.constant 0 : i32
        %dma_start3A_313 = arith.constant 0 : i32
        %dma_start3A_314 = arith.constant 0 : i32
        %dma_start3A_315 = tpu.memref_slice %arg4[%arg0, %dma_start3A_311, %dma_start3A_312, %dma_start3A_313, %dma_start3A_314] : memref<2x16x128x3x80xi32, #tpu.memory_space<hbm>> -> memref<1x16x128x3x80xi32, #tpu.memory_space<hbm>>
        %dma_start3A_316 = tpu.memref_squeeze %dma_start3A_315 : memref<1x16x128x3x80xi32, #tpu.memory_space<hbm>> -> memref<16x128x3x80xi32, #tpu.memory_space<hbm>>
        %dma_start3A_317 = arith.constant 0 : i32
        %dma_start3A_318 = arith.constant 0 : i32
        %dma_start3A_319 = arith.constant 0 : i32
        %dma_start3A_320 = tpu.memref_slice %dma_start3A_316[%arg1, %dma_start3A_317, %dma_start3A_318, %dma_start3A_319] : memref<16x128x3x80xi32, #tpu.memory_space<hbm>> -> memref<1x128x3x80xi32, #tpu.memory_space<hbm>>
        %dma_start3A_321 = tpu.memref_squeeze %dma_start3A_320 : memref<1x128x3x80xi32, #tpu.memory_space<hbm>> -> memref<128x3x80xi32, #tpu.memory_space<hbm>>
        %dma_start3A_322 = arith.constant 0 : i32
        %dma_start3A_323 = arith.constant 0 : i32
        %dma_start3A_324 = tpu.memref_slice %dma_start3A_321[%add3A_269, %dma_start3A_322, %dma_start3A_323] : memref<128x3x80xi32, #tpu.memory_space<hbm>> -> memref<1x3x80xi32, #tpu.memory_space<hbm>>
        %dma_start3A_325 = tpu.memref_squeeze %dma_start3A_324 : memref<1x3x80xi32, #tpu.memory_space<hbm>> -> memref<3x80xi32, #tpu.memory_space<hbm>>
        %dma_start3A_326 = arith.constant 0 : i32
        %dma_start3A_327 = arith.constant 0 : i32
        %dma_start3A_328 = tpu.memref_slice %arg7[%run_scoped3A_270, %dma_start3A_326, %dma_start3A_327] : memref<2x3x80xi32, #tpu.memory_space<vmem>> -> memref<1x3x80xi32, #tpu.memory_space<vmem>>
        %dma_start3A_329 = tpu.memref_squeeze %dma_start3A_328 : memref<1x3x80xi32, #tpu.memory_space<vmem>> -> memref<3x80xi32, #tpu.memory_space<vmem>>
        %dma_start3A_330 = arith.constant 0 : i32
        %dma_start3A_331 = arith.constant 0 : i32
        %dma_start3A_332 = arith.constant 0 : i32
        %dma_start3A_333 = arith.constant 0 : i32
        %dma_start3A_334 = tpu.memref_slice %arg4[%arg0, %dma_start3A_330, %dma_start3A_331, %dma_start3A_332, %dma_start3A_333] : memref<2x16x128x3x80xi32, #tpu.memory_space<hbm>> -> memref<1x16x128x3x80xi32, #tpu.memory_space<hbm>>
        %dma_start3A_335 = tpu.memref_squeeze %dma_start3A_334 : memref<1x16x128x3x80xi32, #tpu.memory_space<hbm>> -> memref<16x128x3x80xi32, #tpu.memory_space<hbm>>
        %dma_start3A_336 = arith.constant 0 : i32
        %dma_start3A_337 = arith.constant 0 : i32
        %dma_start3A_338 = arith.constant 0 : i32
        %dma_start3A_339 = tpu.memref_slice %dma_start3A_335[%arg1, %dma_start3A_336, %dma_start3A_337, %dma_start3A_338] : memref<16x128x3x80xi32, #tpu.memory_space<hbm>> -> memref<1x128x3x80xi32, #tpu.memory_space<hbm>>
        %dma_start3A_340 = tpu.memref_squeeze %dma_start3A_339 : memref<1x128x3x80xi32, #tpu.memory_space<hbm>> -> memref<128x3x80xi32, #tpu.memory_space<hbm>>
        %dma_start3A_341 = arith.constant 0 : i32
        %dma_start3A_342 = arith.constant 0 : i32
        %dma_start3A_343 = tpu.memref_slice %dma_start3A_340[%add3A_269, %dma_start3A_341, %dma_start3A_342] : memref<128x3x80xi32, #tpu.memory_space<hbm>> -> memref<1x3x80xi32, #tpu.memory_space<hbm>>
        %dma_start3A_344 = tpu.memref_squeeze %dma_start3A_343 : memref<1x3x80xi32, #tpu.memory_space<hbm>> -> memref<3x80xi32, #tpu.memory_space<hbm>>
        tpu.enqueue_dma source(%dma_start3A_344 : memref<3x80xi32, #tpu.memory_space<hbm>>) target(%dma_start3A_329 : memref<3x80xi32, #tpu.memory_space<vmem>>) target_semaphore(%run_scoped3A_306 : memref<!tpu.dma_semaphore, #tpu.memory_space<semaphore_mem>>)
        %dma_wait3A_345 = arith.constant 0 : i32
        %dma_wait3A_346 = arith.constant 0 : i32
        %dma_wait3A_347 = tpu.memref_slice %arg7[%run_scoped3A_270, %dma_wait3A_345, %dma_wait3A_346] : memref<2x3x80xi32, #tpu.memory_space<vmem>> -> memref<1x3x80xi32, #tpu.memory_space<vmem>>
        %dma_wait3A_348 = tpu.memref_squeeze %dma_wait3A_347 : memref<1x3x80xi32, #tpu.memory_space<vmem>> -> memref<3x80xi32, #tpu.memory_space<vmem>>
        %dma_wait3A_349 = arith.constant 0 : i32
        %dma_wait3A_350 = arith.constant 0 : i32
        %dma_wait3A_351 = arith.constant 0 : i32
        %dma_wait3A_352 = arith.constant 0 : i32
        %dma_wait3A_353 = tpu.memref_slice %arg4[%arg0, %dma_wait3A_349, %dma_wait3A_350, %dma_wait3A_351, %dma_wait3A_352] : memref<2x16x128x3x80xi32, #tpu.memory_space<hbm>> -> memref<1x16x128x3x80xi32, #tpu.memory_space<hbm>>
        %dma_wait3A_354 = tpu.memref_squeeze %dma_wait3A_353 : memref<1x16x128x3x80xi32, #tpu.memory_space<hbm>> -> memref<16x128x3x80xi32, #tpu.memory_space<hbm>>
        %dma_wait3A_355 = arith.constant 0 : i32
        %dma_wait3A_356 = arith.constant 0 : i32
        %dma_wait3A_357 = arith.constant 0 : i32
        %dma_wait3A_358 = tpu.memref_slice %dma_wait3A_354[%arg1, %dma_wait3A_355, %dma_wait3A_356, %dma_wait3A_357] : memref<16x128x3x80xi32, #tpu.memory_space<hbm>> -> memref<1x128x3x80xi32, #tpu.memory_space<hbm>>
        %dma_wait3A_359 = tpu.memref_squeeze %dma_wait3A_358 : memref<1x128x3x80xi32, #tpu.memory_space<hbm>> -> memref<128x3x80xi32, #tpu.memory_space<hbm>>
        %dma_wait3A_360 = arith.constant 0 : i32
        %dma_wait3A_361 = arith.constant 0 : i32
        %dma_wait3A_362 = tpu.memref_slice %dma_wait3A_359[%add3A_269, %dma_wait3A_360, %dma_wait3A_361] : memref<128x3x80xi32, #tpu.memory_space<hbm>> -> memref<1x3x80xi32, #tpu.memory_space<hbm>>
        %dma_wait3A_363 = tpu.memref_squeeze %dma_wait3A_362 : memref<1x3x80xi32, #tpu.memory_space<hbm>> -> memref<3x80xi32, #tpu.memory_space<hbm>>
        %dma_wait3A_364 = arith.constant 0 : i32
        %dma_wait3A_365 = arith.constant 0 : i32
        %dma_wait3A_366 = tpu.memref_slice %arg7[%run_scoped3A_270, %dma_wait3A_364, %dma_wait3A_365] : memref<2x3x80xi32, #tpu.memory_space<vmem>> -> memref<1x3x80xi32, #tpu.memory_space<vmem>>
        %dma_wait3A_367 = tpu.memref_squeeze %dma_wait3A_366 : memref<1x3x80xi32, #tpu.memory_space<vmem>> -> memref<3x80xi32, #tpu.memory_space<vmem>>
        %dma_wait3A_368 = arith.constant 0 : i32
        %dma_wait3A_369 = arith.constant 0 : i32
        %dma_wait3A_370 = arith.constant 0 : i32
        %dma_wait3A_371 = arith.constant 0 : i32
        %dma_wait3A_372 = tpu.memref_slice %arg4[%arg0, %dma_wait3A_368, %dma_wait3A_369, %dma_wait3A_370, %dma_wait3A_371] : memref<2x16x128x3x80xi32, #tpu.memory_space<hbm>> -> memref<1x16x128x3x80xi32, #tpu.memory_space<hbm>>
        %dma_wait3A_373 = tpu.memref_squeeze %dma_wait3A_372 : memref<1x16x128x3x80xi32, #tpu.memory_space<hbm>> -> memref<16x128x3x80xi32, #tpu.memory_space<hbm>>
        %dma_wait3A_374 = arith.constant 0 : i32
        %dma_wait3A_375 = arith.constant 0 : i32
        %dma_wait3A_376 = arith.constant 0 : i32
        %dma_wait3A_377 = tpu.memref_slice %dma_wait3A_373[%arg1, %dma_wait3A_374, %dma_wait3A_375, %dma_wait3A_376] : memref<16x128x3x80xi32, #tpu.memory_space<hbm>> -> memref<1x128x3x80xi32, #tpu.memory_space<hbm>>
        %dma_wait3A_378 = tpu.memref_squeeze %dma_wait3A_377 : memref<1x128x3x80xi32, #tpu.memory_space<hbm>> -> memref<128x3x80xi32, #tpu.memory_space<hbm>>
        %dma_wait3A_379 = arith.constant 0 : i32
        %dma_wait3A_380 = arith.constant 0 : i32
        %dma_wait3A_381 = tpu.memref_slice %dma_wait3A_378[%add3A_269, %dma_wait3A_379, %dma_wait3A_380] : memref<128x3x80xi32, #tpu.memory_space<hbm>> -> memref<1x3x80xi32, #tpu.memory_space<hbm>>
        %dma_wait3A_382 = tpu.memref_squeeze %dma_wait3A_381 : memref<1x3x80xi32, #tpu.memory_space<hbm>> -> memref<3x80xi32, #tpu.memory_space<hbm>>
        tpu.wait_dma2 semaphore(%run_scoped3A_306 : memref<!tpu.dma_semaphore, #tpu.memory_space<semaphore_mem>>) src(%dma_wait3A_382 : memref<3x80xi32, #tpu.memory_space<hbm>>) dst(%dma_wait3A_367 : memref<3x80xi32, #tpu.memory_space<vmem>>)
        tpu.yield
      }) : () -> ()
      %dma_start3A_271 = arith.constant 1 : i32
      %dma_start3A_272 = arith.constant 0 : i32
      %dma_start3A_273 = arith.constant 1 : i32
      %dma_start3A_274 = arith.constant 0 : i32
      %dma_start3A_275 = arith.constant 0 : i32
      %dma_start3A_276 = tpu.memref_slice %arg8[%dma_start3A_273, %dma_start3A_274, %dma_start3A_275] : memref<2x80x128xf32, #tpu.memory_space<vmem>> -> memref<1x80x128xf32, #tpu.memory_space<vmem>>
      %dma_start3A_277 = tpu.memref_squeeze %dma_start3A_276 : memref<1x80x128xf32, #tpu.memory_space<vmem>> -> memref<80x128xf32, #tpu.memory_space<vmem>>
      %dma_start3A_278 = arith.constant 0 : i32
      %dma_start3A_279 = arith.constant 0 : i32
      %dma_start3A_280 = tpu.memref_slice %arg7[%dma_start3A_271, %dma_start3A_278, %dma_start3A_279] : memref<2x3x80xi32, #tpu.memory_space<vmem>> -> memref<1x3x80xi32, #tpu.memory_space<vmem>>
      %dma_start3A_281 = tpu.memref_squeeze %dma_start3A_280 : memref<1x3x80xi32, #tpu.memory_space<vmem>> -> memref<3x80xi32, #tpu.memory_space<vmem>>
      %dma_start3A_282 = arith.constant 0 : i32
      %dma_start3A_283 = tpu.memref_slice %dma_start3A_281[%dma_start3A_272, %dma_start3A_282] : memref<3x80xi32, #tpu.memory_space<vmem>> -> memref<1x80xi32, #tpu.memory_space<vmem>>
      %dma_start3A_284 = tpu.memref_squeeze %dma_start3A_283 : memref<1x80xi32, #tpu.memory_space<vmem>> -> memref<80xi32, #tpu.memory_space<vmem>>
      %dma_start3A_285 = arith.constant 0 : i32
      %dma_start3A_286 = arith.constant 0 : i32
      %dma_start3A_287 = tpu.memref_slice %arg2[%dma_start3A_285, %dma_start3A_286] : memref<20000x128xf32, #tpu.memory_space<hbm>> -> memref<20000x128xf32, #tpu.memory_space<hbm>>
      tpu.enqueue_indirect_dma source(%dma_start3A_287 : memref<20000x128xf32, #tpu.memory_space<hbm>>) target(%dma_start3A_277 : memref<80x128xf32, #tpu.memory_space<vmem>>) offsets(%dma_start3A_284 : memref<80xi32, #tpu.memory_space<vmem>>) semaphore(%arg12 : memref<!tpu.dma_semaphore, #tpu.memory_space<semaphore_mem>>)
      %dma_start3A_288 = arith.constant 1 : i32
      %dma_start3A_289 = arith.constant 1 : i32
      %dma_start3A_290 = arith.constant 1 : i32
      %dma_start3A_291 = arith.constant 0 : i32
      %dma_start3A_292 = arith.constant 0 : i32
      %dma_start3A_293 = tpu.memref_slice %arg9[%dma_start3A_290, %dma_start3A_291, %dma_start3A_292] : memref<2x80x128xf32, #tpu.memory_space<vmem>> -> memref<1x80x128xf32, #tpu.memory_space<vmem>>
      %dma_start3A_294 = tpu.memref_squeeze %dma_start3A_293 : memref<1x80x128xf32, #tpu.memory_space<vmem>> -> memref<80x128xf32, #tpu.memory_space<vmem>>
      %dma_start3A_295 = arith.constant 0 : i32
      %dma_start3A_296 = arith.constant 0 : i32
      %dma_start3A_297 = tpu.memref_slice %arg7[%dma_start3A_288, %dma_start3A_295, %dma_start3A_296] : memref<2x3x80xi32, #tpu.memory_space<vmem>> -> memref<1x3x80xi32, #tpu.memory_space<vmem>>
      %dma_start3A_298 = tpu.memref_squeeze %dma_start3A_297 : memref<1x3x80xi32, #tpu.memory_space<vmem>> -> memref<3x80xi32, #tpu.memory_space<vmem>>
      %dma_start3A_299 = arith.constant 0 : i32
      %dma_start3A_300 = tpu.memref_slice %dma_start3A_298[%dma_start3A_289, %dma_start3A_299] : memref<3x80xi32, #tpu.memory_space<vmem>> -> memref<1x80xi32, #tpu.memory_space<vmem>>
      %dma_start3A_301 = tpu.memref_squeeze %dma_start3A_300 : memref<1x80xi32, #tpu.memory_space<vmem>> -> memref<80xi32, #tpu.memory_space<vmem>>
      %dma_start3A_302 = arith.constant 0 : i32
      %dma_start3A_303 = arith.constant 0 : i32
      %dma_start3A_304 = tpu.memref_slice %arg3[%dma_start3A_302, %dma_start3A_303] : memref<400x128xf32, #tpu.memory_space<hbm>> -> memref<400x128xf32, #tpu.memory_space<hbm>>
      tpu.enqueue_indirect_dma source(%dma_start3A_304 : memref<400x128xf32, #tpu.memory_space<hbm>>) target(%dma_start3A_294 : memref<80x128xf32, #tpu.memory_space<vmem>>) offsets(%dma_start3A_301 : memref<80xi32, #tpu.memory_space<vmem>>) semaphore(%arg14 : memref<!tpu.dma_semaphore, #tpu.memory_space<semaphore_mem>>)
      %scan3A_305 = arith.constant 0 : i32
      scf.yield %scan3A_305 : i32
    }
    %scan3A_76 = arith.constant 63 : i32
    %dma_wait3A = arith.constant 0 : i32
    %dma_wait3A_77 = arith.constant 0 : i32
    %dma_wait3A_78 = arith.constant 0 : i32
    %dma_wait3A_79 = tpu.memref_slice %arg8[%dma_wait3A, %dma_wait3A_77, %dma_wait3A_78] : memref<2x80x128xf32, #tpu.memory_space<vmem>> -> memref<1x80x128xf32, #tpu.memory_space<vmem>>
    %dma_wait3A_80 = tpu.memref_squeeze %dma_wait3A_79 : memref<1x80x128xf32, #tpu.memory_space<vmem>> -> memref<80x128xf32, #tpu.memory_space<vmem>>
    %dma_wait3A_81 = arith.constant 0 : i32
    %dma_wait3A_82 = arith.constant 0 : i32
    %dma_wait3A_83 = tpu.memref_slice %arg5[%dma_wait3A_81, %dma_wait3A_82] : memref<10240x128xf32, #tpu.memory_space<hbm>> -> memref<80x128xf32, #tpu.memory_space<hbm>>
    %dma_wait3A_84 = arith.constant 0 : i32
    %dma_wait3A_85 = arith.constant 0 : i32
    %dma_wait3A_86 = tpu.memref_slice %arg8[%dma_wait3A, %dma_wait3A_84, %dma_wait3A_85] : memref<2x80x128xf32, #tpu.memory_space<vmem>> -> memref<1x80x128xf32, #tpu.memory_space<vmem>>
    %dma_wait3A_87 = tpu.memref_squeeze %dma_wait3A_86 : memref<1x80x128xf32, #tpu.memory_space<vmem>> -> memref<80x128xf32, #tpu.memory_space<vmem>>
    %dma_wait3A_88 = arith.constant 0 : i32
    %dma_wait3A_89 = arith.constant 0 : i32
    %dma_wait3A_90 = tpu.memref_slice %arg5[%dma_wait3A_88, %dma_wait3A_89] : memref<10240x128xf32, #tpu.memory_space<hbm>> -> memref<80x128xf32, #tpu.memory_space<hbm>>
    tpu.wait_dma2 semaphore(%arg11 : memref<!tpu.dma_semaphore, #tpu.memory_space<semaphore_mem>>) src(%dma_wait3A_90 : memref<80x128xf32, #tpu.memory_space<hbm>>) dst(%dma_wait3A_87 : memref<80x128xf32, #tpu.memory_space<vmem>>)
    %dma_wait3A_91 = arith.constant 0 : i32
    %dma_wait3A_92 = arith.constant 0 : i32
    %dma_wait3A_93 = arith.constant 0 : i32
    %dma_wait3A_94 = tpu.memref_slice %arg9[%dma_wait3A_91, %dma_wait3A_92, %dma_wait3A_93] : memref<2x80x128xf32, #tpu.memory_space<vmem>> -> memref<1x80x128xf32, #tpu.memory_space<vmem>>
    %dma_wait3A_95 = tpu.memref_squeeze %dma_wait3A_94 : memref<1x80x128xf32, #tpu.memory_space<vmem>> -> memref<80x128xf32, #tpu.memory_space<vmem>>
    %dma_wait3A_96 = arith.constant 0 : i32
    %dma_wait3A_97 = arith.constant 0 : i32
    %dma_wait3A_98 = tpu.memref_slice %arg5[%dma_wait3A_96, %dma_wait3A_97] : memref<10240x128xf32, #tpu.memory_space<hbm>> -> memref<80x128xf32, #tpu.memory_space<hbm>>
    %dma_wait3A_99 = arith.constant 0 : i32
    %dma_wait3A_100 = arith.constant 0 : i32
    %dma_wait3A_101 = tpu.memref_slice %arg9[%dma_wait3A_91, %dma_wait3A_99, %dma_wait3A_100] : memref<2x80x128xf32, #tpu.memory_space<vmem>> -> memref<1x80x128xf32, #tpu.memory_space<vmem>>
    %dma_wait3A_102 = tpu.memref_squeeze %dma_wait3A_101 : memref<1x80x128xf32, #tpu.memory_space<vmem>> -> memref<80x128xf32, #tpu.memory_space<vmem>>
    %dma_wait3A_103 = arith.constant 0 : i32
    %dma_wait3A_104 = arith.constant 0 : i32
    %dma_wait3A_105 = tpu.memref_slice %arg5[%dma_wait3A_103, %dma_wait3A_104] : memref<10240x128xf32, #tpu.memory_space<hbm>> -> memref<80x128xf32, #tpu.memory_space<hbm>>
    tpu.wait_dma2 semaphore(%arg13 : memref<!tpu.dma_semaphore, #tpu.memory_space<semaphore_mem>>) src(%dma_wait3A_105 : memref<80x128xf32, #tpu.memory_space<hbm>>) dst(%dma_wait3A_102 : memref<80x128xf32, #tpu.memory_space<vmem>>)
    %dma_wait3A_106 = arith.constant 1 : i32
    %dma_wait3A_107 = arith.constant 0 : i32
    %dma_wait3A_108 = arith.constant 0 : i32
    %dma_wait3A_109 = tpu.memref_slice %arg8[%dma_wait3A_106, %dma_wait3A_107, %dma_wait3A_108] : memref<2x80x128xf32, #tpu.memory_space<vmem>> -> memref<1x80x128xf32, #tpu.memory_space<vmem>>
    %dma_wait3A_110 = tpu.memref_squeeze %dma_wait3A_109 : memref<1x80x128xf32, #tpu.memory_space<vmem>> -> memref<80x128xf32, #tpu.memory_space<vmem>>
    %dma_wait3A_111 = arith.constant 0 : i32
    %dma_wait3A_112 = arith.constant 0 : i32
    %dma_wait3A_113 = tpu.memref_slice %arg5[%dma_wait3A_111, %dma_wait3A_112] : memref<10240x128xf32, #tpu.memory_space<hbm>> -> memref<80x128xf32, #tpu.memory_space<hbm>>
    %dma_wait3A_114 = arith.constant 0 : i32
    %dma_wait3A_115 = arith.constant 0 : i32
    %dma_wait3A_116 = tpu.memref_slice %arg8[%dma_wait3A_106, %dma_wait3A_114, %dma_wait3A_115] : memref<2x80x128xf32, #tpu.memory_space<vmem>> -> memref<1x80x128xf32, #tpu.memory_space<vmem>>
    %dma_wait3A_117 = tpu.memref_squeeze %dma_wait3A_116 : memref<1x80x128xf32, #tpu.memory_space<vmem>> -> memref<80x128xf32, #tpu.memory_space<vmem>>
    %dma_wait3A_118 = arith.constant 0 : i32
    %dma_wait3A_119 = arith.constant 0 : i32
    %dma_wait3A_120 = tpu.memref_slice %arg5[%dma_wait3A_118, %dma_wait3A_119] : memref<10240x128xf32, #tpu.memory_space<hbm>> -> memref<80x128xf32, #tpu.memory_space<hbm>>
    tpu.wait_dma2 semaphore(%arg12 : memref<!tpu.dma_semaphore, #tpu.memory_space<semaphore_mem>>) src(%dma_wait3A_120 : memref<80x128xf32, #tpu.memory_space<hbm>>) dst(%dma_wait3A_117 : memref<80x128xf32, #tpu.memory_space<vmem>>)
    %dma_wait3A_121 = arith.constant 1 : i32
    %dma_wait3A_122 = arith.constant 0 : i32
    %dma_wait3A_123 = arith.constant 0 : i32
    %dma_wait3A_124 = tpu.memref_slice %arg9[%dma_wait3A_121, %dma_wait3A_122, %dma_wait3A_123] : memref<2x80x128xf32, #tpu.memory_space<vmem>> -> memref<1x80x128xf32, #tpu.memory_space<vmem>>
    %dma_wait3A_125 = tpu.memref_squeeze %dma_wait3A_124 : memref<1x80x128xf32, #tpu.memory_space<vmem>> -> memref<80x128xf32, #tpu.memory_space<vmem>>
    %dma_wait3A_126 = arith.constant 0 : i32
    %dma_wait3A_127 = arith.constant 0 : i32
    %dma_wait3A_128 = tpu.memref_slice %arg5[%dma_wait3A_126, %dma_wait3A_127] : memref<10240x128xf32, #tpu.memory_space<hbm>> -> memref<80x128xf32, #tpu.memory_space<hbm>>
    %dma_wait3A_129 = arith.constant 0 : i32
    %dma_wait3A_130 = arith.constant 0 : i32
    %dma_wait3A_131 = tpu.memref_slice %arg9[%dma_wait3A_121, %dma_wait3A_129, %dma_wait3A_130] : memref<2x80x128xf32, #tpu.memory_space<vmem>> -> memref<1x80x128xf32, #tpu.memory_space<vmem>>
    %dma_wait3A_132 = tpu.memref_squeeze %dma_wait3A_131 : memref<1x80x128xf32, #tpu.memory_space<vmem>> -> memref<80x128xf32, #tpu.memory_space<vmem>>
    %dma_wait3A_133 = arith.constant 0 : i32
    %dma_wait3A_134 = arith.constant 0 : i32
    %dma_wait3A_135 = tpu.memref_slice %arg5[%dma_wait3A_133, %dma_wait3A_134] : memref<10240x128xf32, #tpu.memory_space<hbm>> -> memref<80x128xf32, #tpu.memory_space<hbm>>
    tpu.wait_dma2 semaphore(%arg14 : memref<!tpu.dma_semaphore, #tpu.memory_space<semaphore_mem>>) src(%dma_wait3A_135 : memref<80x128xf32, #tpu.memory_space<hbm>>) dst(%dma_wait3A_132 : memref<80x128xf32, #tpu.memory_space<vmem>>)
    %barrier3A_136 = arith.constant 0 : index
    tpu.barrier barrier_id(%barrier3A_136)
    %mul3A_137 = arith.constant 10240 : i32
    %mul3A_138 = arith.muli %arg0, %mul3A_137 : i32
    %mul3A_139 = arith.constant 640 : i32
    %mul3A_140 = arith.muli %arg1, %mul3A_139 : i32
    %add3A = arith.addi %mul3A_138, %mul3A_140 : i32
    "tpu.region"() ({
      %run_scoped3A_141 = tpu.sem_alloc : memref<!tpu.dma_semaphore, #tpu.memory_space<semaphore_mem>>
      %dma_start3A_142 = arith.constant 0 : i32
      %dma_start3A_143 = tpu.memref_slice %arg6[%add3A, %dma_start3A_142] : memref<20480x128xf32, #tpu.memory_space<hbm>> -> memref<640x128xf32, #tpu.memory_space<hbm>>
      %dma_start3A_144 = arith.constant 0 : i32
      %dma_start3A_145 = tpu.memref_slice %arg10[%mul3A_0, %dma_start3A_144] : memref<10240x128xf32, #tpu.memory_space<vmem_shared>> -> memref<640x128xf32, #tpu.memory_space<vmem_shared>>
      tpu.enqueue_dma source(%dma_start3A_145 : memref<640x128xf32, #tpu.memory_space<vmem_shared>>) target(%dma_start3A_143 : memref<640x128xf32, #tpu.memory_space<hbm>>) target_semaphore(%run_scoped3A_141 : memref<!tpu.dma_semaphore, #tpu.memory_space<semaphore_mem>>)
      %dma_wait3A_146 = arith.constant 0 : i32
      %dma_wait3A_147 = tpu.memref_slice %arg6[%add3A, %dma_wait3A_146] : memref<20480x128xf32, #tpu.memory_space<hbm>> -> memref<640x128xf32, #tpu.memory_space<hbm>>
      %dma_wait3A_148 = arith.constant 0 : i32
      %dma_wait3A_149 = tpu.memref_slice %arg10[%mul3A_0, %dma_wait3A_148] : memref<10240x128xf32, #tpu.memory_space<vmem_shared>> -> memref<640x128xf32, #tpu.memory_space<vmem_shared>>
      tpu.wait_dma2 semaphore(%run_scoped3A_141 : memref<!tpu.dma_semaphore, #tpu.memory_space<semaphore_mem>>) src(%dma_wait3A_149 : memref<640x128xf32, #tpu.memory_space<vmem_shared>>) dst(%dma_wait3A_147 : memref<640x128xf32, #tpu.memory_space<hbm>>)
      tpu.yield
    }) : () -> ()
    return
  }
}

#map = affine_map<(d0, d1) -> (0, 0, 0)>
#map1 = affine_map<(d0, d1) -> (0, 0)>
module attributes {stable_mosaic.version = 14 : i64} {
  func.func @body(%arg0: i32, %arg1: i32, %arg2: memref<32x125x40xi32, #tpu.memory_space<hbm>>, %arg3: memref<10240x128xf32, #tpu.memory_space<hbm>>, %arg4: memref<40x128xf32, #tpu.memory_space<hbm>>, %arg5: memref<20480x128xf32, #tpu.memory_space<hbm>>, %arg6: memref<40xi32, #tpu.memory_space<vmem>>, %arg7: memref<40x128xf32, #tpu.memory_space<vmem>>, %arg8: memref<10240x128xf32, #tpu.memory_space<vmem_shared>>, %arg9: memref<!tpu.dma_semaphore, #tpu.memory_space<semaphore_mem>>) attributes {dimension_semantics = [#tpu.dimension_semantics<core_parallel>, #tpu.dimension_semantics<subcore_parallel>], iteration_bounds = array<i64: 2, 16>, scalar_prefetch = 0 : i64, scratch_operands = 4 : i64, tpu.core_type = #tpu.core_type<sc_vector_subcore>, window_params = [{transform_indices = #map}, {transform_indices = #map1}, {transform_indices = #map1}, {transform_indices = #map1}]} {
    %mul3A = arith.constant 640 : i32
    %mul3A_0 = arith.muli %arg1, %mul3A : i32
    "tpu.region"() ({
      %run_scoped3A = tpu.sem_alloc : memref<!tpu.dma_semaphore, #tpu.memory_space<semaphore_mem>>
      %dma_start3A = arith.constant 0 : i32
      %dma_start3A_15 = tpu.memref_slice %arg8[%mul3A_0, %dma_start3A] : memref<10240x128xf32, #tpu.memory_space<vmem_shared>> -> memref<640x128xf32, #tpu.memory_space<vmem_shared>>
      %dma_start3A_16 = arith.constant 0 : i32
      %dma_start3A_17 = tpu.memref_slice %arg3[%mul3A_0, %dma_start3A_16] : memref<10240x128xf32, #tpu.memory_space<hbm>> -> memref<640x128xf32, #tpu.memory_space<hbm>>
      tpu.enqueue_dma source(%dma_start3A_17 : memref<640x128xf32, #tpu.memory_space<hbm>>) target(%dma_start3A_15 : memref<640x128xf32, #tpu.memory_space<vmem_shared>>) target_semaphore(%run_scoped3A : memref<!tpu.dma_semaphore, #tpu.memory_space<semaphore_mem>>)
      %dma_wait3A = arith.constant 0 : i32
      %dma_wait3A_18 = tpu.memref_slice %arg8[%mul3A_0, %dma_wait3A] : memref<10240x128xf32, #tpu.memory_space<vmem_shared>> -> memref<640x128xf32, #tpu.memory_space<vmem_shared>>
      %dma_wait3A_19 = arith.constant 0 : i32
      %dma_wait3A_20 = tpu.memref_slice %arg3[%mul3A_0, %dma_wait3A_19] : memref<10240x128xf32, #tpu.memory_space<hbm>> -> memref<640x128xf32, #tpu.memory_space<hbm>>
      tpu.wait_dma2 semaphore(%run_scoped3A : memref<!tpu.dma_semaphore, #tpu.memory_space<semaphore_mem>>) src(%dma_wait3A_20 : memref<640x128xf32, #tpu.memory_space<hbm>>) dst(%dma_wait3A_18 : memref<640x128xf32, #tpu.memory_space<vmem_shared>>)
      tpu.yield
    }) : () -> ()
    "tpu.region"() ({
      %run_scoped3A = tpu.sem_alloc : memref<!tpu.dma_semaphore, #tpu.memory_space<semaphore_mem>>
      tpu.enqueue_dma source(%arg4 : memref<40x128xf32, #tpu.memory_space<hbm>>) target(%arg7 : memref<40x128xf32, #tpu.memory_space<vmem>>) target_semaphore(%run_scoped3A : memref<!tpu.dma_semaphore, #tpu.memory_space<semaphore_mem>>)
      tpu.wait_dma2 semaphore(%run_scoped3A : memref<!tpu.dma_semaphore, #tpu.memory_space<semaphore_mem>>) src(%arg4 : memref<40x128xf32, #tpu.memory_space<hbm>>) dst(%arg7 : memref<40x128xf32, #tpu.memory_space<vmem>>)
      tpu.yield
    }) : () -> ()
    %barrier3A = arith.constant 0 : index
    tpu.barrier barrier_id(%barrier3A)
    %mul3A_1 = arith.constant 16 : i32
    %mul3A_2 = arith.muli %arg0, %mul3A_1 : i32
    %add3A = arith.addi %mul3A_2, %arg1 : i32
    %scan3A = arith.constant 0 : i32
    %scan3A_3 = arith.constant 0 : i32
    %scan3A_4 = arith.constant 125 : i32
    %scan3A_5 = arith.addi %scan3A_3, %scan3A_4 : i32
    %scan3A_6 = arith.constant 1 : i32
    %scan3A_7 = scf.for %scan3A_15 = %scan3A_3 to %scan3A_5 step %scan3A_6 iter_args(%scan3A_16 = %scan3A) -> (i32)  : i32 {
      "tpu.region"() ({
        %run_scoped3A = tpu.sem_alloc : memref<!tpu.dma_semaphore, #tpu.memory_space<semaphore_mem>>
        %dma_start3A = arith.constant 0 : i32
        %dma_start3A_18 = arith.constant 0 : i32
        %dma_start3A_19 = tpu.memref_slice %arg2[%add3A, %dma_start3A, %dma_start3A_18] : memref<32x125x40xi32, #tpu.memory_space<hbm>> -> memref<1x125x40xi32, #tpu.memory_space<hbm>>
        %dma_start3A_20 = tpu.memref_squeeze %dma_start3A_19 : memref<1x125x40xi32, #tpu.memory_space<hbm>> -> memref<125x40xi32, #tpu.memory_space<hbm>>
        %dma_start3A_21 = arith.constant 0 : i32
        %dma_start3A_22 = tpu.memref_slice %dma_start3A_20[%scan3A_15, %dma_start3A_21] : memref<125x40xi32, #tpu.memory_space<hbm>> -> memref<1x40xi32, #tpu.memory_space<hbm>>
        %dma_start3A_23 = tpu.memref_squeeze %dma_start3A_22 : memref<1x40xi32, #tpu.memory_space<hbm>> -> memref<40xi32, #tpu.memory_space<hbm>>
        %dma_start3A_24 = arith.constant 0 : i32
        %dma_start3A_25 = arith.constant 0 : i32
        %dma_start3A_26 = tpu.memref_slice %arg2[%add3A, %dma_start3A_24, %dma_start3A_25] : memref<32x125x40xi32, #tpu.memory_space<hbm>> -> memref<1x125x40xi32, #tpu.memory_space<hbm>>
        %dma_start3A_27 = tpu.memref_squeeze %dma_start3A_26 : memref<1x125x40xi32, #tpu.memory_space<hbm>> -> memref<125x40xi32, #tpu.memory_space<hbm>>
        %dma_start3A_28 = arith.constant 0 : i32
        %dma_start3A_29 = tpu.memref_slice %dma_start3A_27[%scan3A_15, %dma_start3A_28] : memref<125x40xi32, #tpu.memory_space<hbm>> -> memref<1x40xi32, #tpu.memory_space<hbm>>
        %dma_start3A_30 = tpu.memref_squeeze %dma_start3A_29 : memref<1x40xi32, #tpu.memory_space<hbm>> -> memref<40xi32, #tpu.memory_space<hbm>>
        tpu.enqueue_dma source(%dma_start3A_30 : memref<40xi32, #tpu.memory_space<hbm>>) target(%arg6 : memref<40xi32, #tpu.memory_space<vmem>>) target_semaphore(%run_scoped3A : memref<!tpu.dma_semaphore, #tpu.memory_space<semaphore_mem>>)
        %dma_wait3A = arith.constant 0 : i32
        %dma_wait3A_31 = arith.constant 0 : i32
        %dma_wait3A_32 = tpu.memref_slice %arg2[%add3A, %dma_wait3A, %dma_wait3A_31] : memref<32x125x40xi32, #tpu.memory_space<hbm>> -> memref<1x125x40xi32, #tpu.memory_space<hbm>>
        %dma_wait3A_33 = tpu.memref_squeeze %dma_wait3A_32 : memref<1x125x40xi32, #tpu.memory_space<hbm>> -> memref<125x40xi32, #tpu.memory_space<hbm>>
        %dma_wait3A_34 = arith.constant 0 : i32
        %dma_wait3A_35 = tpu.memref_slice %dma_wait3A_33[%scan3A_15, %dma_wait3A_34] : memref<125x40xi32, #tpu.memory_space<hbm>> -> memref<1x40xi32, #tpu.memory_space<hbm>>
        %dma_wait3A_36 = tpu.memref_squeeze %dma_wait3A_35 : memref<1x40xi32, #tpu.memory_space<hbm>> -> memref<40xi32, #tpu.memory_space<hbm>>
        %dma_wait3A_37 = arith.constant 0 : i32
        %dma_wait3A_38 = arith.constant 0 : i32
        %dma_wait3A_39 = tpu.memref_slice %arg2[%add3A, %dma_wait3A_37, %dma_wait3A_38] : memref<32x125x40xi32, #tpu.memory_space<hbm>> -> memref<1x125x40xi32, #tpu.memory_space<hbm>>
        %dma_wait3A_40 = tpu.memref_squeeze %dma_wait3A_39 : memref<1x125x40xi32, #tpu.memory_space<hbm>> -> memref<125x40xi32, #tpu.memory_space<hbm>>
        %dma_wait3A_41 = arith.constant 0 : i32
        %dma_wait3A_42 = tpu.memref_slice %dma_wait3A_40[%scan3A_15, %dma_wait3A_41] : memref<125x40xi32, #tpu.memory_space<hbm>> -> memref<1x40xi32, #tpu.memory_space<hbm>>
        %dma_wait3A_43 = tpu.memref_squeeze %dma_wait3A_42 : memref<1x40xi32, #tpu.memory_space<hbm>> -> memref<40xi32, #tpu.memory_space<hbm>>
        tpu.wait_dma2 semaphore(%run_scoped3A : memref<!tpu.dma_semaphore, #tpu.memory_space<semaphore_mem>>) src(%dma_wait3A_43 : memref<40xi32, #tpu.memory_space<hbm>>) dst(%arg6 : memref<40xi32, #tpu.memory_space<vmem>>)
        tpu.yield
      }) : () -> ()
      "tpu.region"() ({
        %run_scoped3A = tpu.sem_alloc : memref<!tpu.dma_semaphore, #tpu.memory_space<semaphore_mem>>
        %dma_start3A = arith.constant 0 : i32
        %dma_start3A_18 = arith.constant 0 : i32
        %dma_start3A_19 = tpu.memref_slice %arg8[%dma_start3A, %dma_start3A_18] : memref<10240x128xf32, #tpu.memory_space<vmem_shared>> -> memref<10240x128xf32, #tpu.memory_space<vmem_shared>>
        tpu.enqueue_indirect_dma source(%arg7 : memref<40x128xf32, #tpu.memory_space<vmem>>) target(%dma_start3A_19 : memref<10240x128xf32, #tpu.memory_space<vmem_shared>>) offsets(%arg6 : memref<40xi32, #tpu.memory_space<vmem>>) semaphore(%run_scoped3A : memref<!tpu.dma_semaphore, #tpu.memory_space<semaphore_mem>>) {add = true}
        %dma_wait3A = arith.constant 0 : i32
        %dma_wait3A_20 = arith.constant 0 : i32
        %dma_wait3A_21 = tpu.memref_slice %arg8[%dma_wait3A, %dma_wait3A_20] : memref<10240x128xf32, #tpu.memory_space<vmem_shared>> -> memref<10240x128xf32, #tpu.memory_space<vmem_shared>>
        tpu.wait_indirect_dma semaphore(%run_scoped3A : memref<!tpu.dma_semaphore, #tpu.memory_space<semaphore_mem>>) src(%arg7 : memref<40x128xf32, #tpu.memory_space<vmem>>) dst(%dma_wait3A_21 : memref<10240x128xf32, #tpu.memory_space<vmem_shared>>)
        tpu.yield
      }) : () -> ()
      %scan3A_17 = arith.constant 0 : i32
      scf.yield %scan3A_17 : i32
    }
    %scan3A_8 = arith.constant 125 : i32
    %barrier3A_9 = arith.constant 0 : index
    tpu.barrier barrier_id(%barrier3A_9)
    %mul3A_10 = arith.constant 10240 : i32
    %mul3A_11 = arith.muli %arg0, %mul3A_10 : i32
    %mul3A_12 = arith.constant 640 : i32
    %mul3A_13 = arith.muli %arg1, %mul3A_12 : i32
    %add3A_14 = arith.addi %mul3A_11, %mul3A_13 : i32
    "tpu.region"() ({
      %run_scoped3A = tpu.sem_alloc : memref<!tpu.dma_semaphore, #tpu.memory_space<semaphore_mem>>
      %dma_start3A = arith.constant 0 : i32
      %dma_start3A_15 = tpu.memref_slice %arg5[%add3A_14, %dma_start3A] : memref<20480x128xf32, #tpu.memory_space<hbm>> -> memref<640x128xf32, #tpu.memory_space<hbm>>
      %dma_start3A_16 = arith.constant 0 : i32
      %dma_start3A_17 = tpu.memref_slice %arg8[%mul3A_0, %dma_start3A_16] : memref<10240x128xf32, #tpu.memory_space<vmem_shared>> -> memref<640x128xf32, #tpu.memory_space<vmem_shared>>
      tpu.enqueue_dma source(%dma_start3A_17 : memref<640x128xf32, #tpu.memory_space<vmem_shared>>) target(%dma_start3A_15 : memref<640x128xf32, #tpu.memory_space<hbm>>) target_semaphore(%run_scoped3A : memref<!tpu.dma_semaphore, #tpu.memory_space<semaphore_mem>>)
      %dma_wait3A = arith.constant 0 : i32
      %dma_wait3A_18 = tpu.memref_slice %arg5[%add3A_14, %dma_wait3A] : memref<20480x128xf32, #tpu.memory_space<hbm>> -> memref<640x128xf32, #tpu.memory_space<hbm>>
      %dma_wait3A_19 = arith.constant 0 : i32
      %dma_wait3A_20 = tpu.memref_slice %arg8[%mul3A_0, %dma_wait3A_19] : memref<10240x128xf32, #tpu.memory_space<vmem_shared>> -> memref<640x128xf32, #tpu.memory_space<vmem_shared>>
      tpu.wait_dma2 semaphore(%run_scoped3A : memref<!tpu.dma_semaphore, #tpu.memory_space<semaphore_mem>>) src(%dma_wait3A_20 : memref<640x128xf32, #tpu.memory_space<vmem_shared>>) dst(%dma_wait3A_18 : memref<640x128xf32, #tpu.memory_space<hbm>>)
      tpu.yield
    }) : () -> ()
    return
  }
}

#map = affine_map<(d0, d1) -> (0, 0)>
#map1 = affine_map<(d0, d1) -> (0, 0, 0, 0, 0)>
module attributes {stable_mosaic.version = 14 : i64} {
  func.func @body(%arg0: i32, %arg1: i32, %arg2: memref<20000x128xf32, #tpu.memory_space<hbm>>, %arg3: memref<400x128xf32, #tpu.memory_space<hbm>>, %arg4: memref<2x16x128x3x80xi32, #tpu.memory_space<hbm>>, %arg5: memref<10240x128xf32, #tpu.memory_space<hbm>>, %arg6: memref<20480x128xf32, #tpu.memory_space<hbm>>, %arg7: memref<2x3x80xi32, #tpu.memory_space<vmem>>, %arg8: memref<2x80x128xf32, #tpu.memory_space<vmem>>, %arg9: memref<2x80x128xf32, #tpu.memory_space<vmem>>, %arg10: memref<10240x128xf32, #tpu.memory_space<vmem_shared>>, %arg11: memref<!tpu.dma_semaphore, #tpu.memory_space<semaphore_mem>>, %arg12: memref<!tpu.dma_semaphore, #tpu.memory_space<semaphore_mem>>, %arg13: memref<!tpu.dma_semaphore, #tpu.memory_space<semaphore_mem>>, %arg14: memref<!tpu.dma_semaphore, #tpu.memory_space<semaphore_mem>>) attributes {dimension_semantics = [#tpu.dimension_semantics<core_parallel>, #tpu.dimension_semantics<subcore_parallel>], iteration_bounds = array<i64: 2, 16>, scalar_prefetch = 0 : i64, scratch_operands = 8 : i64, tpu.core_type = #tpu.core_type<sc_vector_subcore>, window_params = [{transform_indices = #map}, {transform_indices = #map}, {transform_indices = #map1}, {transform_indices = #map}, {transform_indices = #map}]} {
    %mul3A = arith.constant 640 : i32
    %mul3A_0 = arith.muli %arg1, %mul3A : i32
    "tpu.region"() ({
      %run_scoped3A_141 = tpu.sem_alloc : memref<!tpu.dma_semaphore, #tpu.memory_space<semaphore_mem>>
      %dma_start3A_142 = arith.constant 0 : i32
      %dma_start3A_143 = tpu.memref_slice %arg10[%mul3A_0, %dma_start3A_142] : memref<10240x128xf32, #tpu.memory_space<vmem_shared>> -> memref<640x128xf32, #tpu.memory_space<vmem_shared>>
      %dma_start3A_144 = arith.constant 0 : i32
      %dma_start3A_145 = tpu.memref_slice %arg5[%mul3A_0, %dma_start3A_144] : memref<10240x128xf32, #tpu.memory_space<hbm>> -> memref<640x128xf32, #tpu.memory_space<hbm>>
      tpu.enqueue_dma source(%dma_start3A_145 : memref<640x128xf32, #tpu.memory_space<hbm>>) target(%dma_start3A_143 : memref<640x128xf32, #tpu.memory_space<vmem_shared>>) target_semaphore(%run_scoped3A_141 : memref<!tpu.dma_semaphore, #tpu.memory_space<semaphore_mem>>)
      %dma_wait3A_146 = arith.constant 0 : i32
      %dma_wait3A_147 = tpu.memref_slice %arg10[%mul3A_0, %dma_wait3A_146] : memref<10240x128xf32, #tpu.memory_space<vmem_shared>> -> memref<640x128xf32, #tpu.memory_space<vmem_shared>>
      %dma_wait3A_148 = arith.constant 0 : i32
      %dma_wait3A_149 = tpu.memref_slice %arg5[%mul3A_0, %dma_wait3A_148] : memref<10240x128xf32, #tpu.memory_space<hbm>> -> memref<640x128xf32, #tpu.memory_space<hbm>>
      tpu.wait_dma2 semaphore(%run_scoped3A_141 : memref<!tpu.dma_semaphore, #tpu.memory_space<semaphore_mem>>) src(%dma_wait3A_149 : memref<640x128xf32, #tpu.memory_space<hbm>>) dst(%dma_wait3A_147 : memref<640x128xf32, #tpu.memory_space<vmem_shared>>)
      tpu.yield
    }) : () -> ()
    %barrier3A = arith.constant 0 : index
    tpu.barrier barrier_id(%barrier3A)
    %run_scoped3A = arith.constant 0 : i32
    %run_scoped3A_1 = arith.constant 0 : i32
    "tpu.region"() ({
      %run_scoped3A_141 = tpu.sem_alloc : memref<!tpu.dma_semaphore, #tpu.memory_space<semaphore_mem>>
      %dma_start3A_142 = arith.constant 0 : i32
      %dma_start3A_143 = arith.constant 0 : i32
      %dma_start3A_144 = tpu.memref_slice %arg7[%run_scoped3A_1, %dma_start3A_142, %dma_start3A_143] : memref<2x3x80xi32, #tpu.memory_space<vmem>> -> memref<1x3x80xi32, #tpu.memory_space<vmem>>
      %dma_start3A_145 = tpu.memref_squeeze %dma_start3A_144 : memref<1x3x80xi32, #tpu.memory_space<vmem>> -> memref<3x80xi32, #tpu.memory_space<vmem>>
      %dma_start3A_146 = arith.constant 0 : i32
      %dma_start3A_147 = arith.constant 0 : i32
      %dma_start3A_148 = arith.constant 0 : i32
      %dma_start3A_149 = arith.constant 0 : i32
      %dma_start3A_150 = tpu.memref_slice %arg4[%arg0, %dma_start3A_146, %dma_start3A_147, %dma_start3A_148, %dma_start3A_149] : memref<2x16x128x3x80xi32, #tpu.memory_space<hbm>> -> memref<1x16x128x3x80xi32, #tpu.memory_space<hbm>>
      %dma_start3A_151 = tpu.memref_squeeze %dma_start3A_150 : memref<1x16x128x3x80xi32, #tpu.memory_space<hbm>> -> memref<16x128x3x80xi32, #tpu.memory_space<hbm>>
      %dma_start3A_152 = arith.constant 0 : i32
      %dma_start3A_153 = arith.constant 0 : i32
      %dma_start3A_154 = arith.constant 0 : i32
      %dma_start3A_155 = tpu.memref_slice %dma_start3A_151[%arg1, %dma_start3A_152, %dma_start3A_153, %dma_start3A_154] : memref<16x128x3x80xi32, #tpu.memory_space<hbm>> -> memref<1x128x3x80xi32, #tpu.memory_space<hbm>>
      %dma_start3A_156 = tpu.memref_squeeze %dma_start3A_155 : memref<1x128x3x80xi32, #tpu.memory_space<hbm>> -> memref<128x3x80xi32, #tpu.memory_space<hbm>>
      %dma_start3A_157 = arith.constant 0 : i32
      %dma_start3A_158 = arith.constant 0 : i32
      %dma_start3A_159 = tpu.memref_slice %dma_start3A_156[%run_scoped3A, %dma_start3A_157, %dma_start3A_158] : memref<128x3x80xi32, #tpu.memory_space<hbm>> -> memref<1x3x80xi32, #tpu.memory_space<hbm>>
      %dma_start3A_160 = tpu.memref_squeeze %dma_start3A_159 : memref<1x3x80xi32, #tpu.memory_space<hbm>> -> memref<3x80xi32, #tpu.memory_space<hbm>>
      %dma_start3A_161 = arith.constant 0 : i32
      %dma_start3A_162 = arith.constant 0 : i32
      %dma_start3A_163 = tpu.memref_slice %arg7[%run_scoped3A_1, %dma_start3A_161, %dma_start3A_162] : memref<2x3x80xi32, #tpu.memory_space<vmem>> -> memref<1x3x80xi32, #tpu.memory_space<vmem>>
      %dma_start3A_164 = tpu.memref_squeeze %dma_start3A_163 : memref<1x3x80xi32, #tpu.memory_space<vmem>> -> memref<3x80xi32, #tpu.memory_space<vmem>>
      %dma_start3A_165 = arith.constant 0 : i32
      %dma_start3A_166 = arith.constant 0 : i32
      %dma_start3A_167 = arith.constant 0 : i32
      %dma_start3A_168 = arith.constant 0 : i32
      %dma_start3A_169 = tpu.memref_slice %arg4[%arg0, %dma_start3A_165, %dma_start3A_166, %dma_start3A_167, %dma_start3A_168] : memref<2x16x128x3x80xi32, #tpu.memory_space<hbm>> -> memref<1x16x128x3x80xi32, #tpu.memory_space<hbm>>
      %dma_start3A_170 = tpu.memref_squeeze %dma_start3A_169 : memref<1x16x128x3x80xi32, #tpu.memory_space<hbm>> -> memref<16x128x3x80xi32, #tpu.memory_space<hbm>>
      %dma_start3A_171 = arith.constant 0 : i32
      %dma_start3A_172 = arith.constant 0 : i32
      %dma_start3A_173 = arith.constant 0 : i32
      %dma_start3A_174 = tpu.memref_slice %dma_start3A_170[%arg1, %dma_start3A_171, %dma_start3A_172, %dma_start3A_173] : memref<16x128x3x80xi32, #tpu.memory_space<hbm>> -> memref<1x128x3x80xi32, #tpu.memory_space<hbm>>
      %dma_start3A_175 = tpu.memref_squeeze %dma_start3A_174 : memref<1x128x3x80xi32, #tpu.memory_space<hbm>> -> memref<128x3x80xi32, #tpu.memory_space<hbm>>
      %dma_start3A_176 = arith.constant 0 : i32
      %dma_start3A_177 = arith.constant 0 : i32
      %dma_start3A_178 = tpu.memref_slice %dma_start3A_175[%run_scoped3A, %dma_start3A_176, %dma_start3A_177] : memref<128x3x80xi32, #tpu.memory_space<hbm>> -> memref<1x3x80xi32, #tpu.memory_space<hbm>>
      %dma_start3A_179 = tpu.memref_squeeze %dma_start3A_178 : memref<1x3x80xi32, #tpu.memory_space<hbm>> -> memref<3x80xi32, #tpu.memory_space<hbm>>
      tpu.enqueue_dma source(%dma_start3A_179 : memref<3x80xi32, #tpu.memory_space<hbm>>) target(%dma_start3A_164 : memref<3x80xi32, #tpu.memory_space<vmem>>) target_semaphore(%run_scoped3A_141 : memref<!tpu.dma_semaphore, #tpu.memory_space<semaphore_mem>>)
      %dma_wait3A_180 = arith.constant 0 : i32
      %dma_wait3A_181 = arith.constant 0 : i32
      %dma_wait3A_182 = tpu.memref_slice %arg7[%run_scoped3A_1, %dma_wait3A_180, %dma_wait3A_181] : memref<2x3x80xi32, #tpu.memory_space<vmem>> -> memref<1x3x80xi32, #tpu.memory_space<vmem>>
      %dma_wait3A_183 = tpu.memref_squeeze %dma_wait3A_182 : memref<1x3x80xi32, #tpu.memory_space<vmem>> -> memref<3x80xi32, #tpu.memory_space<vmem>>
      %dma_wait3A_184 = arith.constant 0 : i32
      %dma_wait3A_185 = arith.constant 0 : i32
      %dma_wait3A_186 = arith.constant 0 : i32
      %dma_wait3A_187 = arith.constant 0 : i32
      %dma_wait3A_188 = tpu.memref_slice %arg4[%arg0, %dma_wait3A_184, %dma_wait3A_185, %dma_wait3A_186, %dma_wait3A_187] : memref<2x16x128x3x80xi32, #tpu.memory_space<hbm>> -> memref<1x16x128x3x80xi32, #tpu.memory_space<hbm>>
      %dma_wait3A_189 = tpu.memref_squeeze %dma_wait3A_188 : memref<1x16x128x3x80xi32, #tpu.memory_space<hbm>> -> memref<16x128x3x80xi32, #tpu.memory_space<hbm>>
      %dma_wait3A_190 = arith.constant 0 : i32
      %dma_wait3A_191 = arith.constant 0 : i32
      %dma_wait3A_192 = arith.constant 0 : i32
      %dma_wait3A_193 = tpu.memref_slice %dma_wait3A_189[%arg1, %dma_wait3A_190, %dma_wait3A_191, %dma_wait3A_192] : memref<16x128x3x80xi32, #tpu.memory_space<hbm>> -> memref<1x128x3x80xi32, #tpu.memory_space<hbm>>
      %dma_wait3A_194 = tpu.memref_squeeze %dma_wait3A_193 : memref<1x128x3x80xi32, #tpu.memory_space<hbm>> -> memref<128x3x80xi32, #tpu.memory_space<hbm>>
      %dma_wait3A_195 = arith.constant 0 : i32
      %dma_wait3A_196 = arith.constant 0 : i32
      %dma_wait3A_197 = tpu.memref_slice %dma_wait3A_194[%run_scoped3A, %dma_wait3A_195, %dma_wait3A_196] : memref<128x3x80xi32, #tpu.memory_space<hbm>> -> memref<1x3x80xi32, #tpu.memory_space<hbm>>
      %dma_wait3A_198 = tpu.memref_squeeze %dma_wait3A_197 : memref<1x3x80xi32, #tpu.memory_space<hbm>> -> memref<3x80xi32, #tpu.memory_space<hbm>>
      %dma_wait3A_199 = arith.constant 0 : i32
      %dma_wait3A_200 = arith.constant 0 : i32
      %dma_wait3A_201 = tpu.memref_slice %arg7[%run_scoped3A_1, %dma_wait3A_199, %dma_wait3A_200] : memref<2x3x80xi32, #tpu.memory_space<vmem>> -> memref<1x3x80xi32, #tpu.memory_space<vmem>>
      %dma_wait3A_202 = tpu.memref_squeeze %dma_wait3A_201 : memref<1x3x80xi32, #tpu.memory_space<vmem>> -> memref<3x80xi32, #tpu.memory_space<vmem>>
      %dma_wait3A_203 = arith.constant 0 : i32
      %dma_wait3A_204 = arith.constant 0 : i32
      %dma_wait3A_205 = arith.constant 0 : i32
      %dma_wait3A_206 = arith.constant 0 : i32
      %dma_wait3A_207 = tpu.memref_slice %arg4[%arg0, %dma_wait3A_203, %dma_wait3A_204, %dma_wait3A_205, %dma_wait3A_206] : memref<2x16x128x3x80xi32, #tpu.memory_space<hbm>> -> memref<1x16x128x3x80xi32, #tpu.memory_space<hbm>>
      %dma_wait3A_208 = tpu.memref_squeeze %dma_wait3A_207 : memref<1x16x128x3x80xi32, #tpu.memory_space<hbm>> -> memref<16x128x3x80xi32, #tpu.memory_space<hbm>>
      %dma_wait3A_209 = arith.constant 0 : i32
      %dma_wait3A_210 = arith.constant 0 : i32
      %dma_wait3A_211 = arith.constant 0 : i32
      %dma_wait3A_212 = tpu.memref_slice %dma_wait3A_208[%arg1, %dma_wait3A_209, %dma_wait3A_210, %dma_wait3A_211] : memref<16x128x3x80xi32, #tpu.memory_space<hbm>> -> memref<1x128x3x80xi32, #tpu.memory_space<hbm>>
      %dma_wait3A_213 = tpu.memref_squeeze %dma_wait3A_212 : memref<1x128x3x80xi32, #tpu.memory_space<hbm>> -> memref<128x3x80xi32, #tpu.memory_space<hbm>>
      %dma_wait3A_214 = arith.constant 0 : i32
      %dma_wait3A_215 = arith.constant 0 : i32
      %dma_wait3A_216 = tpu.memref_slice %dma_wait3A_213[%run_scoped3A, %dma_wait3A_214, %dma_wait3A_215] : memref<128x3x80xi32, #tpu.memory_space<hbm>> -> memref<1x3x80xi32, #tpu.memory_space<hbm>>
      %dma_wait3A_217 = tpu.memref_squeeze %dma_wait3A_216 : memref<1x3x80xi32, #tpu.memory_space<hbm>> -> memref<3x80xi32, #tpu.memory_space<hbm>>
      tpu.wait_dma2 semaphore(%run_scoped3A_141 : memref<!tpu.dma_semaphore, #tpu.memory_space<semaphore_mem>>) src(%dma_wait3A_217 : memref<3x80xi32, #tpu.memory_space<hbm>>) dst(%dma_wait3A_202 : memref<3x80xi32, #tpu.memory_space<vmem>>)
      tpu.yield
    }) : () -> ()
    %dma_start3A = arith.constant 0 : i32
    %dma_start3A_2 = arith.constant 0 : i32
    %dma_start3A_3 = arith.constant 0 : i32
    %dma_start3A_4 = arith.constant 0 : i32
    %dma_start3A_5 = arith.constant 0 : i32
    %dma_start3A_6 = tpu.memref_slice %arg8[%dma_start3A_3, %dma_start3A_4, %dma_start3A_5] : memref<2x80x128xf32, #tpu.memory_space<vmem>> -> memref<1x80x128xf32, #tpu.memory_space<vmem>>
    %dma_start3A_7 = tpu.memref_squeeze %dma_start3A_6 : memref<1x80x128xf32, #tpu.memory_space<vmem>> -> memref<80x128xf32, #tpu.memory_space<vmem>>
    %dma_start3A_8 = arith.constant 0 : i32
    %dma_start3A_9 = arith.constant 0 : i32
    %dma_start3A_10 = tpu.memref_slice %arg7[%dma_start3A, %dma_start3A_8, %dma_start3A_9] : memref<2x3x80xi32, #tpu.memory_space<vmem>> -> memref<1x3x80xi32, #tpu.memory_space<vmem>>
    %dma_start3A_11 = tpu.memref_squeeze %dma_start3A_10 : memref<1x3x80xi32, #tpu.memory_space<vmem>> -> memref<3x80xi32, #tpu.memory_space<vmem>>
    %dma_start3A_12 = arith.constant 0 : i32
    %dma_start3A_13 = tpu.memref_slice %dma_start3A_11[%dma_start3A_2, %dma_start3A_12] : memref<3x80xi32, #tpu.memory_space<vmem>> -> memref<1x80xi32, #tpu.memory_space<vmem>>
    %dma_start3A_14 = tpu.memref_squeeze %dma_start3A_13 : memref<1x80xi32, #tpu.memory_space<vmem>> -> memref<80xi32, #tpu.memory_space<vmem>>
    %dma_start3A_15 = arith.constant 0 : i32
    %dma_start3A_16 = arith.constant 0 : i32
    %dma_start3A_17 = tpu.memref_slice %arg2[%dma_start3A_15, %dma_start3A_16] : memref<20000x128xf32, #tpu.memory_space<hbm>> -> memref<20000x128xf32, #tpu.memory_space<hbm>>
    tpu.enqueue_indirect_dma source(%dma_start3A_17 : memref<20000x128xf32, #tpu.memory_space<hbm>>) target(%dma_start3A_7 : memref<80x128xf32, #tpu.memory_space<vmem>>) offsets(%dma_start3A_14 : memref<80xi32, #tpu.memory_space<vmem>>) semaphore(%arg11 : memref<!tpu.dma_semaphore, #tpu.memory_space<semaphore_mem>>)
    %dma_start3A_18 = arith.constant 0 : i32
    %dma_start3A_19 = arith.constant 1 : i32
    %dma_start3A_20 = arith.constant 0 : i32
    %dma_start3A_21 = arith.constant 0 : i32
    %dma_start3A_22 = arith.constant 0 : i32
    %dma_start3A_23 = tpu.memref_slice %arg9[%dma_start3A_20, %dma_start3A_21, %dma_start3A_22] : memref<2x80x128xf32, #tpu.memory_space<vmem>> -> memref<1x80x128xf32, #tpu.memory_space<vmem>>
    %dma_start3A_24 = tpu.memref_squeeze %dma_start3A_23 : memref<1x80x128xf32, #tpu.memory_space<vmem>> -> memref<80x128xf32, #tpu.memory_space<vmem>>
    %dma_start3A_25 = arith.constant 0 : i32
    %dma_start3A_26 = arith.constant 0 : i32
    %dma_start3A_27 = tpu.memref_slice %arg7[%dma_start3A_18, %dma_start3A_25, %dma_start3A_26] : memref<2x3x80xi32, #tpu.memory_space<vmem>> -> memref<1x3x80xi32, #tpu.memory_space<vmem>>
    %dma_start3A_28 = tpu.memref_squeeze %dma_start3A_27 : memref<1x3x80xi32, #tpu.memory_space<vmem>> -> memref<3x80xi32, #tpu.memory_space<vmem>>
    %dma_start3A_29 = arith.constant 0 : i32
    %dma_start3A_30 = tpu.memref_slice %dma_start3A_28[%dma_start3A_19, %dma_start3A_29] : memref<3x80xi32, #tpu.memory_space<vmem>> -> memref<1x80xi32, #tpu.memory_space<vmem>>
    %dma_start3A_31 = tpu.memref_squeeze %dma_start3A_30 : memref<1x80xi32, #tpu.memory_space<vmem>> -> memref<80xi32, #tpu.memory_space<vmem>>
    %dma_start3A_32 = arith.constant 0 : i32
    %dma_start3A_33 = arith.constant 0 : i32
    %dma_start3A_34 = tpu.memref_slice %arg3[%dma_start3A_32, %dma_start3A_33] : memref<400x128xf32, #tpu.memory_space<hbm>> -> memref<400x128xf32, #tpu.memory_space<hbm>>
    tpu.enqueue_indirect_dma source(%dma_start3A_34 : memref<400x128xf32, #tpu.memory_space<hbm>>) target(%dma_start3A_24 : memref<80x128xf32, #tpu.memory_space<vmem>>) offsets(%dma_start3A_31 : memref<80xi32, #tpu.memory_space<vmem>>) semaphore(%arg13 : memref<!tpu.dma_semaphore, #tpu.memory_space<semaphore_mem>>)
    %run_scoped3A_35 = arith.constant 1 : i32
    %run_scoped3A_36 = arith.constant 1 : i32
    "tpu.region"() ({
      %run_scoped3A_141 = tpu.sem_alloc : memref<!tpu.dma_semaphore, #tpu.memory_space<semaphore_mem>>
      %dma_start3A_142 = arith.constant 0 : i32
      %dma_start3A_143 = arith.constant 0 : i32
      %dma_start3A_144 = tpu.memref_slice %arg7[%run_scoped3A_36, %dma_start3A_142, %dma_start3A_143] : memref<2x3x80xi32, #tpu.memory_space<vmem>> -> memref<1x3x80xi32, #tpu.memory_space<vmem>>
      %dma_start3A_145 = tpu.memref_squeeze %dma_start3A_144 : memref<1x3x80xi32, #tpu.memory_space<vmem>> -> memref<3x80xi32, #tpu.memory_space<vmem>>
      %dma_start3A_146 = arith.constant 0 : i32
      %dma_start3A_147 = arith.constant 0 : i32
      %dma_start3A_148 = arith.constant 0 : i32
      %dma_start3A_149 = arith.constant 0 : i32
      %dma_start3A_150 = tpu.memref_slice %arg4[%arg0, %dma_start3A_146, %dma_start3A_147, %dma_start3A_148, %dma_start3A_149] : memref<2x16x128x3x80xi32, #tpu.memory_space<hbm>> -> memref<1x16x128x3x80xi32, #tpu.memory_space<hbm>>
      %dma_start3A_151 = tpu.memref_squeeze %dma_start3A_150 : memref<1x16x128x3x80xi32, #tpu.memory_space<hbm>> -> memref<16x128x3x80xi32, #tpu.memory_space<hbm>>
      %dma_start3A_152 = arith.constant 0 : i32
      %dma_start3A_153 = arith.constant 0 : i32
      %dma_start3A_154 = arith.constant 0 : i32
      %dma_start3A_155 = tpu.memref_slice %dma_start3A_151[%arg1, %dma_start3A_152, %dma_start3A_153, %dma_start3A_154] : memref<16x128x3x80xi32, #tpu.memory_space<hbm>> -> memref<1x128x3x80xi32, #tpu.memory_space<hbm>>
      %dma_start3A_156 = tpu.memref_squeeze %dma_start3A_155 : memref<1x128x3x80xi32, #tpu.memory_space<hbm>> -> memref<128x3x80xi32, #tpu.memory_space<hbm>>
      %dma_start3A_157 = arith.constant 0 : i32
      %dma_start3A_158 = arith.constant 0 : i32
      %dma_start3A_159 = tpu.memref_slice %dma_start3A_156[%run_scoped3A_35, %dma_start3A_157, %dma_start3A_158] : memref<128x3x80xi32, #tpu.memory_space<hbm>> -> memref<1x3x80xi32, #tpu.memory_space<hbm>>
      %dma_start3A_160 = tpu.memref_squeeze %dma_start3A_159 : memref<1x3x80xi32, #tpu.memory_space<hbm>> -> memref<3x80xi32, #tpu.memory_space<hbm>>
      %dma_start3A_161 = arith.constant 0 : i32
      %dma_start3A_162 = arith.constant 0 : i32
      %dma_start3A_163 = tpu.memref_slice %arg7[%run_scoped3A_36, %dma_start3A_161, %dma_start3A_162] : memref<2x3x80xi32, #tpu.memory_space<vmem>> -> memref<1x3x80xi32, #tpu.memory_space<vmem>>
      %dma_start3A_164 = tpu.memref_squeeze %dma_start3A_163 : memref<1x3x80xi32, #tpu.memory_space<vmem>> -> memref<3x80xi32, #tpu.memory_space<vmem>>
      %dma_start3A_165 = arith.constant 0 : i32
      %dma_start3A_166 = arith.constant 0 : i32
      %dma_start3A_167 = arith.constant 0 : i32
      %dma_start3A_168 = arith.constant 0 : i32
      %dma_start3A_169 = tpu.memref_slice %arg4[%arg0, %dma_start3A_165, %dma_start3A_166, %dma_start3A_167, %dma_start3A_168] : memref<2x16x128x3x80xi32, #tpu.memory_space<hbm>> -> memref<1x16x128x3x80xi32, #tpu.memory_space<hbm>>
      %dma_start3A_170 = tpu.memref_squeeze %dma_start3A_169 : memref<1x16x128x3x80xi32, #tpu.memory_space<hbm>> -> memref<16x128x3x80xi32, #tpu.memory_space<hbm>>
      %dma_start3A_171 = arith.constant 0 : i32
      %dma_start3A_172 = arith.constant 0 : i32
      %dma_start3A_173 = arith.constant 0 : i32
      %dma_start3A_174 = tpu.memref_slice %dma_start3A_170[%arg1, %dma_start3A_171, %dma_start3A_172, %dma_start3A_173] : memref<16x128x3x80xi32, #tpu.memory_space<hbm>> -> memref<1x128x3x80xi32, #tpu.memory_space<hbm>>
      %dma_start3A_175 = tpu.memref_squeeze %dma_start3A_174 : memref<1x128x3x80xi32, #tpu.memory_space<hbm>> -> memref<128x3x80xi32, #tpu.memory_space<hbm>>
      %dma_start3A_176 = arith.constant 0 : i32
      %dma_start3A_177 = arith.constant 0 : i32
      %dma_start3A_178 = tpu.memref_slice %dma_start3A_175[%run_scoped3A_35, %dma_start3A_176, %dma_start3A_177] : memref<128x3x80xi32, #tpu.memory_space<hbm>> -> memref<1x3x80xi32, #tpu.memory_space<hbm>>
      %dma_start3A_179 = tpu.memref_squeeze %dma_start3A_178 : memref<1x3x80xi32, #tpu.memory_space<hbm>> -> memref<3x80xi32, #tpu.memory_space<hbm>>
      tpu.enqueue_dma source(%dma_start3A_179 : memref<3x80xi32, #tpu.memory_space<hbm>>) target(%dma_start3A_164 : memref<3x80xi32, #tpu.memory_space<vmem>>) target_semaphore(%run_scoped3A_141 : memref<!tpu.dma_semaphore, #tpu.memory_space<semaphore_mem>>)
      %dma_wait3A_180 = arith.constant 0 : i32
      %dma_wait3A_181 = arith.constant 0 : i32
      %dma_wait3A_182 = tpu.memref_slice %arg7[%run_scoped3A_36, %dma_wait3A_180, %dma_wait3A_181] : memref<2x3x80xi32, #tpu.memory_space<vmem>> -> memref<1x3x80xi32, #tpu.memory_space<vmem>>
      %dma_wait3A_183 = tpu.memref_squeeze %dma_wait3A_182 : memref<1x3x80xi32, #tpu.memory_space<vmem>> -> memref<3x80xi32, #tpu.memory_space<vmem>>
      %dma_wait3A_184 = arith.constant 0 : i32
      %dma_wait3A_185 = arith.constant 0 : i32
      %dma_wait3A_186 = arith.constant 0 : i32
      %dma_wait3A_187 = arith.constant 0 : i32
      %dma_wait3A_188 = tpu.memref_slice %arg4[%arg0, %dma_wait3A_184, %dma_wait3A_185, %dma_wait3A_186, %dma_wait3A_187] : memref<2x16x128x3x80xi32, #tpu.memory_space<hbm>> -> memref<1x16x128x3x80xi32, #tpu.memory_space<hbm>>
      %dma_wait3A_189 = tpu.memref_squeeze %dma_wait3A_188 : memref<1x16x128x3x80xi32, #tpu.memory_space<hbm>> -> memref<16x128x3x80xi32, #tpu.memory_space<hbm>>
      %dma_wait3A_190 = arith.constant 0 : i32
      %dma_wait3A_191 = arith.constant 0 : i32
      %dma_wait3A_192 = arith.constant 0 : i32
      %dma_wait3A_193 = tpu.memref_slice %dma_wait3A_189[%arg1, %dma_wait3A_190, %dma_wait3A_191, %dma_wait3A_192] : memref<16x128x3x80xi32, #tpu.memory_space<hbm>> -> memref<1x128x3x80xi32, #tpu.memory_space<hbm>>
      %dma_wait3A_194 = tpu.memref_squeeze %dma_wait3A_193 : memref<1x128x3x80xi32, #tpu.memory_space<hbm>> -> memref<128x3x80xi32, #tpu.memory_space<hbm>>
      %dma_wait3A_195 = arith.constant 0 : i32
      %dma_wait3A_196 = arith.constant 0 : i32
      %dma_wait3A_197 = tpu.memref_slice %dma_wait3A_194[%run_scoped3A_35, %dma_wait3A_195, %dma_wait3A_196] : memref<128x3x80xi32, #tpu.memory_space<hbm>> -> memref<1x3x80xi32, #tpu.memory_space<hbm>>
      %dma_wait3A_198 = tpu.memref_squeeze %dma_wait3A_197 : memref<1x3x80xi32, #tpu.memory_space<hbm>> -> memref<3x80xi32, #tpu.memory_space<hbm>>
      %dma_wait3A_199 = arith.constant 0 : i32
      %dma_wait3A_200 = arith.constant 0 : i32
      %dma_wait3A_201 = tpu.memref_slice %arg7[%run_scoped3A_36, %dma_wait3A_199, %dma_wait3A_200] : memref<2x3x80xi32, #tpu.memory_space<vmem>> -> memref<1x3x80xi32, #tpu.memory_space<vmem>>
      %dma_wait3A_202 = tpu.memref_squeeze %dma_wait3A_201 : memref<1x3x80xi32, #tpu.memory_space<vmem>> -> memref<3x80xi32, #tpu.memory_space<vmem>>
      %dma_wait3A_203 = arith.constant 0 : i32
      %dma_wait3A_204 = arith.constant 0 : i32
      %dma_wait3A_205 = arith.constant 0 : i32
      %dma_wait3A_206 = arith.constant 0 : i32
      %dma_wait3A_207 = tpu.memref_slice %arg4[%arg0, %dma_wait3A_203, %dma_wait3A_204, %dma_wait3A_205, %dma_wait3A_206] : memref<2x16x128x3x80xi32, #tpu.memory_space<hbm>> -> memref<1x16x128x3x80xi32, #tpu.memory_space<hbm>>
      %dma_wait3A_208 = tpu.memref_squeeze %dma_wait3A_207 : memref<1x16x128x3x80xi32, #tpu.memory_space<hbm>> -> memref<16x128x3x80xi32, #tpu.memory_space<hbm>>
      %dma_wait3A_209 = arith.constant 0 : i32
      %dma_wait3A_210 = arith.constant 0 : i32
      %dma_wait3A_211 = arith.constant 0 : i32
      %dma_wait3A_212 = tpu.memref_slice %dma_wait3A_208[%arg1, %dma_wait3A_209, %dma_wait3A_210, %dma_wait3A_211] : memref<16x128x3x80xi32, #tpu.memory_space<hbm>> -> memref<1x128x3x80xi32, #tpu.memory_space<hbm>>
      %dma_wait3A_213 = tpu.memref_squeeze %dma_wait3A_212 : memref<1x128x3x80xi32, #tpu.memory_space<hbm>> -> memref<128x3x80xi32, #tpu.memory_space<hbm>>
      %dma_wait3A_214 = arith.constant 0 : i32
      %dma_wait3A_215 = arith.constant 0 : i32
      %dma_wait3A_216 = tpu.memref_slice %dma_wait3A_213[%run_scoped3A_35, %dma_wait3A_214, %dma_wait3A_215] : memref<128x3x80xi32, #tpu.memory_space<hbm>> -> memref<1x3x80xi32, #tpu.memory_space<hbm>>
      %dma_wait3A_217 = tpu.memref_squeeze %dma_wait3A_216 : memref<1x3x80xi32, #tpu.memory_space<hbm>> -> memref<3x80xi32, #tpu.memory_space<hbm>>
      tpu.wait_dma2 semaphore(%run_scoped3A_141 : memref<!tpu.dma_semaphore, #tpu.memory_space<semaphore_mem>>) src(%dma_wait3A_217 : memref<3x80xi32, #tpu.memory_space<hbm>>) dst(%dma_wait3A_202 : memref<3x80xi32, #tpu.memory_space<vmem>>)
      tpu.yield
    }) : () -> ()
    %dma_start3A_37 = arith.constant 1 : i32
    %dma_start3A_38 = arith.constant 0 : i32
    %dma_start3A_39 = arith.constant 1 : i32
    %dma_start3A_40 = arith.constant 0 : i32
    %dma_start3A_41 = arith.constant 0 : i32
    %dma_start3A_42 = tpu.memref_slice %arg8[%dma_start3A_39, %dma_start3A_40, %dma_start3A_41] : memref<2x80x128xf32, #tpu.memory_space<vmem>> -> memref<1x80x128xf32, #tpu.memory_space<vmem>>
    %dma_start3A_43 = tpu.memref_squeeze %dma_start3A_42 : memref<1x80x128xf32, #tpu.memory_space<vmem>> -> memref<80x128xf32, #tpu.memory_space<vmem>>
    %dma_start3A_44 = arith.constant 0 : i32
    %dma_start3A_45 = arith.constant 0 : i32
    %dma_start3A_46 = tpu.memref_slice %arg7[%dma_start3A_37, %dma_start3A_44, %dma_start3A_45] : memref<2x3x80xi32, #tpu.memory_space<vmem>> -> memref<1x3x80xi32, #tpu.memory_space<vmem>>
    %dma_start3A_47 = tpu.memref_squeeze %dma_start3A_46 : memref<1x3x80xi32, #tpu.memory_space<vmem>> -> memref<3x80xi32, #tpu.memory_space<vmem>>
    %dma_start3A_48 = arith.constant 0 : i32
    %dma_start3A_49 = tpu.memref_slice %dma_start3A_47[%dma_start3A_38, %dma_start3A_48] : memref<3x80xi32, #tpu.memory_space<vmem>> -> memref<1x80xi32, #tpu.memory_space<vmem>>
    %dma_start3A_50 = tpu.memref_squeeze %dma_start3A_49 : memref<1x80xi32, #tpu.memory_space<vmem>> -> memref<80xi32, #tpu.memory_space<vmem>>
    %dma_start3A_51 = arith.constant 0 : i32
    %dma_start3A_52 = arith.constant 0 : i32
    %dma_start3A_53 = tpu.memref_slice %arg2[%dma_start3A_51, %dma_start3A_52] : memref<20000x128xf32, #tpu.memory_space<hbm>> -> memref<20000x128xf32, #tpu.memory_space<hbm>>
    tpu.enqueue_indirect_dma source(%dma_start3A_53 : memref<20000x128xf32, #tpu.memory_space<hbm>>) target(%dma_start3A_43 : memref<80x128xf32, #tpu.memory_space<vmem>>) offsets(%dma_start3A_50 : memref<80xi32, #tpu.memory_space<vmem>>) semaphore(%arg12 : memref<!tpu.dma_semaphore, #tpu.memory_space<semaphore_mem>>)
    %dma_start3A_54 = arith.constant 1 : i32
    %dma_start3A_55 = arith.constant 1 : i32
    %dma_start3A_56 = arith.constant 1 : i32
    %dma_start3A_57 = arith.constant 0 : i32
    %dma_start3A_58 = arith.constant 0 : i32
    %dma_start3A_59 = tpu.memref_slice %arg9[%dma_start3A_56, %dma_start3A_57, %dma_start3A_58] : memref<2x80x128xf32, #tpu.memory_space<vmem>> -> memref<1x80x128xf32, #tpu.memory_space<vmem>>
    %dma_start3A_60 = tpu.memref_squeeze %dma_start3A_59 : memref<1x80x128xf32, #tpu.memory_space<vmem>> -> memref<80x128xf32, #tpu.memory_space<vmem>>
    %dma_start3A_61 = arith.constant 0 : i32
    %dma_start3A_62 = arith.constant 0 : i32
    %dma_start3A_63 = tpu.memref_slice %arg7[%dma_start3A_54, %dma_start3A_61, %dma_start3A_62] : memref<2x3x80xi32, #tpu.memory_space<vmem>> -> memref<1x3x80xi32, #tpu.memory_space<vmem>>
    %dma_start3A_64 = tpu.memref_squeeze %dma_start3A_63 : memref<1x3x80xi32, #tpu.memory_space<vmem>> -> memref<3x80xi32, #tpu.memory_space<vmem>>
    %dma_start3A_65 = arith.constant 0 : i32
    %dma_start3A_66 = tpu.memref_slice %dma_start3A_64[%dma_start3A_55, %dma_start3A_65] : memref<3x80xi32, #tpu.memory_space<vmem>> -> memref<1x80xi32, #tpu.memory_space<vmem>>
    %dma_start3A_67 = tpu.memref_squeeze %dma_start3A_66 : memref<1x80xi32, #tpu.memory_space<vmem>> -> memref<80xi32, #tpu.memory_space<vmem>>
    %dma_start3A_68 = arith.constant 0 : i32
    %dma_start3A_69 = arith.constant 0 : i32
    %dma_start3A_70 = tpu.memref_slice %arg3[%dma_start3A_68, %dma_start3A_69] : memref<400x128xf32, #tpu.memory_space<hbm>> -> memref<400x128xf32, #tpu.memory_space<hbm>>
    tpu.enqueue_indirect_dma source(%dma_start3A_70 : memref<400x128xf32, #tpu.memory_space<hbm>>) target(%dma_start3A_60 : memref<80x128xf32, #tpu.memory_space<vmem>>) offsets(%dma_start3A_67 : memref<80xi32, #tpu.memory_space<vmem>>) semaphore(%arg14 : memref<!tpu.dma_semaphore, #tpu.memory_space<semaphore_mem>>)
    %scan3A = arith.constant 0 : i32
    %scan3A_71 = arith.constant 0 : i32
    %scan3A_72 = arith.constant 63 : i32
    %scan3A_73 = arith.addi %scan3A_71, %scan3A_72 : i32
    %scan3A_74 = arith.constant 1 : i32
    %scan3A_75 = scf.for %scan3A_141 = %scan3A_71 to %scan3A_73 step %scan3A_74 iter_args(%scan3A_142 = %scan3A) -> (i32)  : i32 {
      %mul3A_143 = arith.constant 2 : i32
      %mul3A_144 = arith.muli %mul3A_143, %scan3A_141 : i32
      %add3A_145 = arith.constant 0 : i32
      %add3A_146 = arith.addi %mul3A_144, %add3A_145 : i32
      %dma_wait3A_147 = arith.constant 0 : i32
      %dma_wait3A_148 = arith.constant 0 : i32
      %dma_wait3A_149 = arith.constant 0 : i32
      %dma_wait3A_150 = tpu.memref_slice %arg8[%dma_wait3A_147, %dma_wait3A_148, %dma_wait3A_149] : memref<2x80x128xf32, #tpu.memory_space<vmem>> -> memref<1x80x128xf32, #tpu.memory_space<vmem>>
      %dma_wait3A_151 = tpu.memref_squeeze %dma_wait3A_150 : memref<1x80x128xf32, #tpu.memory_space<vmem>> -> memref<80x128xf32, #tpu.memory_space<vmem>>
      %dma_wait3A_152 = arith.constant 0 : i32
      %dma_wait3A_153 = arith.constant 0 : i32
      %dma_wait3A_154 = tpu.memref_slice %arg5[%dma_wait3A_152, %dma_wait3A_153] : memref<10240x128xf32, #tpu.memory_space<hbm>> -> memref<80x128xf32, #tpu.memory_space<hbm>>
      %dma_wait3A_155 = arith.constant 0 : i32
      %dma_wait3A_156 = arith.constant 0 : i32
      %dma_wait3A_157 = tpu.memref_slice %arg8[%dma_wait3A_147, %dma_wait3A_155, %dma_wait3A_156] : memref<2x80x128xf32, #tpu.memory_space<vmem>> -> memref<1x80x128xf32, #tpu.memory_space<vmem>>
      %dma_wait3A_158 = tpu.memref_squeeze %dma_wait3A_157 : memref<1x80x128xf32, #tpu.memory_space<vmem>> -> memref<80x128xf32, #tpu.memory_space<vmem>>
      %dma_wait3A_159 = arith.constant 0 : i32
      %dma_wait3A_160 = arith.constant 0 : i32
      %dma_wait3A_161 = tpu.memref_slice %arg5[%dma_wait3A_159, %dma_wait3A_160] : memref<10240x128xf32, #tpu.memory_space<hbm>> -> memref<80x128xf32, #tpu.memory_space<hbm>>
      tpu.wait_dma2 semaphore(%arg11 : memref<!tpu.dma_semaphore, #tpu.memory_space<semaphore_mem>>) src(%dma_wait3A_161 : memref<80x128xf32, #tpu.memory_space<hbm>>) dst(%dma_wait3A_158 : memref<80x128xf32, #tpu.memory_space<vmem>>)
      %dma_wait3A_162 = arith.constant 0 : i32
      %dma_wait3A_163 = arith.constant 0 : i32
      %dma_wait3A_164 = arith.constant 0 : i32
      %dma_wait3A_165 = tpu.memref_slice %arg9[%dma_wait3A_162, %dma_wait3A_163, %dma_wait3A_164] : memref<2x80x128xf32, #tpu.memory_space<vmem>> -> memref<1x80x128xf32, #tpu.memory_space<vmem>>
      %dma_wait3A_166 = tpu.memref_squeeze %dma_wait3A_165 : memref<1x80x128xf32, #tpu.memory_space<vmem>> -> memref<80x128xf32, #tpu.memory_space<vmem>>
      %dma_wait3A_167 = arith.constant 0 : i32
      %dma_wait3A_168 = arith.constant 0 : i32
      %dma_wait3A_169 = tpu.memref_slice %arg5[%dma_wait3A_167, %dma_wait3A_168] : memref<10240x128xf32, #tpu.memory_space<hbm>> -> memref<80x128xf32, #tpu.memory_space<hbm>>
      %dma_wait3A_170 = arith.constant 0 : i32
      %dma_wait3A_171 = arith.constant 0 : i32
      %dma_wait3A_172 = tpu.memref_slice %arg9[%dma_wait3A_162, %dma_wait3A_170, %dma_wait3A_171] : memref<2x80x128xf32, #tpu.memory_space<vmem>> -> memref<1x80x128xf32, #tpu.memory_space<vmem>>
      %dma_wait3A_173 = tpu.memref_squeeze %dma_wait3A_172 : memref<1x80x128xf32, #tpu.memory_space<vmem>> -> memref<80x128xf32, #tpu.memory_space<vmem>>
      %dma_wait3A_174 = arith.constant 0 : i32
      %dma_wait3A_175 = arith.constant 0 : i32
      %dma_wait3A_176 = tpu.memref_slice %arg5[%dma_wait3A_174, %dma_wait3A_175] : memref<10240x128xf32, #tpu.memory_space<hbm>> -> memref<80x128xf32, #tpu.memory_space<hbm>>
      tpu.wait_dma2 semaphore(%arg13 : memref<!tpu.dma_semaphore, #tpu.memory_space<semaphore_mem>>) src(%dma_wait3A_176 : memref<80x128xf32, #tpu.memory_space<hbm>>) dst(%dma_wait3A_173 : memref<80x128xf32, #tpu.memory_space<vmem>>)
      %scan3A_177 = arith.constant 0 : i32
      %scan3A_178 = arith.constant 0 : i32
      %scan3A_179 = arith.constant 80 : i32
      %scan3A_180 = arith.addi %scan3A_178, %scan3A_179 : i32
      %scan3A_181 = arith.constant 1 : i32
      %scan3A_182 = scf.for %scan3A_306 = %scan3A_178 to %scan3A_180 step %scan3A_181 iter_args(%scan3A_307 = %scan3A_177) -> (i32)  : i32 {
        %get3A = arith.constant 0 : i32
        %get3A_308 = arith.index_cast %get3A : i32 to index
        %get3A_309 = arith.index_cast %scan3A_306 : i32 to index
        %get3A_310 = arith.constant 0 : index
        %get3A_311 = tpu.vector_load %arg8[%get3A_308, %get3A_309, %get3A_310] {strides = array<i32>} : memref<2x80x128xf32, #tpu.memory_space<vmem>>, vector<1x1x16xf32>,
        %get3A_312 = vector.shape_cast %get3A_311 : vector<1x1x16xf32> to vector<16xf32>
        %get3A_313 = arith.constant 0 : i32
        %get3A_314 = arith.index_cast %get3A_313 : i32 to index
        %get3A_315 = arith.index_cast %scan3A_306 : i32 to index
        %get3A_316 = arith.constant 0 : index
        %get3A_317 = tpu.vector_load %arg9[%get3A_314, %get3A_315, %get3A_316] {strides = array<i32>} : memref<2x80x128xf32, #tpu.memory_space<vmem>>, vector<1x1x16xf32>,
        %get3A_318 = vector.shape_cast %get3A_317 : vector<1x1x16xf32> to vector<16xf32>
        %mul3A_319 = arith.mulf %get3A_312, %get3A_318 : vector<16xf32>
        %swap3A = arith.constant 0 : i32
        %swap3A_320 = arith.index_cast %swap3A : i32 to index
        %swap3A_321 = arith.index_cast %scan3A_306 : i32 to index
        %swap3A_322 = arith.constant 0 : index
        %swap3A_323 = tpu.vector_load %arg8[%swap3A_320, %swap3A_321, %swap3A_322] {strides = array<i32>} : memref<2x80x128xf32, #tpu.memory_space<vmem>>, vector<1x1x16xf32>,
        %swap3A_324 = vector.shape_cast %swap3A_323 : vector<1x1x16xf32> to vector<16xf32>
        %swap3A_325 = vector.shape_cast %mul3A_319 : vector<16xf32> to vector<1x1x16xf32>
        tpu.vector_store %arg8[%swap3A_320, %swap3A_321, %swap3A_322], %swap3A_325 {strides = array<i32>} : memref<2x80x128xf32, #tpu.memory_space<vmem>>, vector<1x1x16xf32>,
        %get3A_326 = arith.constant 0 : i32
        %get3A_327 = arith.index_cast %get3A_326 : i32 to index
        %get3A_328 = arith.index_cast %scan3A_306 : i32 to index
        %get3A_329 = arith.constant 16 : index
        %get3A_330 = tpu.vector_load %arg8[%get3A_327, %get3A_328, %get3A_329] {strides = array<i32>} : memref<2x80x128xf32, #tpu.memory_space<vmem>>, vector<1x1x16xf32>,
        %get3A_331 = vector.shape_cast %get3A_330 : vector<1x1x16xf32> to vector<16xf32>
        %get3A_332 = arith.constant 0 : i32
        %get3A_333 = arith.index_cast %get3A_332 : i32 to index
        %get3A_334 = arith.index_cast %scan3A_306 : i32 to index
        %get3A_335 = arith.constant 16 : index
        %get3A_336 = tpu.vector_load %arg9[%get3A_333, %get3A_334, %get3A_335] {strides = array<i32>} : memref<2x80x128xf32, #tpu.memory_space<vmem>>, vector<1x1x16xf32>,
        %get3A_337 = vector.shape_cast %get3A_336 : vector<1x1x16xf32> to vector<16xf32>
        %mul3A_338 = arith.mulf %get3A_331, %get3A_337 : vector<16xf32>
        %swap3A_339 = arith.constant 0 : i32
        %swap3A_340 = arith.index_cast %swap3A_339 : i32 to index
        %swap3A_341 = arith.index_cast %scan3A_306 : i32 to index
        %swap3A_342 = arith.constant 16 : index
        %swap3A_343 = tpu.vector_load %arg8[%swap3A_340, %swap3A_341, %swap3A_342] {strides = array<i32>} : memref<2x80x128xf32, #tpu.memory_space<vmem>>, vector<1x1x16xf32>,
        %swap3A_344 = vector.shape_cast %swap3A_343 : vector<1x1x16xf32> to vector<16xf32>
        %swap3A_345 = vector.shape_cast %mul3A_338 : vector<16xf32> to vector<1x1x16xf32>
        tpu.vector_store %arg8[%swap3A_340, %swap3A_341, %swap3A_342], %swap3A_345 {strides = array<i32>} : memref<2x80x128xf32, #tpu.memory_space<vmem>>, vector<1x1x16xf32>,
        %get3A_346 = arith.constant 0 : i32
        %get3A_347 = arith.index_cast %get3A_346 : i32 to index
        %get3A_348 = arith.index_cast %scan3A_306 : i32 to index
        %get3A_349 = arith.constant 32 : index
        %get3A_350 = tpu.vector_load %arg8[%get3A_347, %get3A_348, %get3A_349] {strides = array<i32>} : memref<2x80x128xf32, #tpu.memory_space<vmem>>, vector<1x1x16xf32>,
        %get3A_351 = vector.shape_cast %get3A_350 : vector<1x1x16xf32> to vector<16xf32>
        %get3A_352 = arith.constant 0 : i32
        %get3A_353 = arith.index_cast %get3A_352 : i32 to index
        %get3A_354 = arith.index_cast %scan3A_306 : i32 to index
        %get3A_355 = arith.constant 32 : index
        %get3A_356 = tpu.vector_load %arg9[%get3A_353, %get3A_354, %get3A_355] {strides = array<i32>} : memref<2x80x128xf32, #tpu.memory_space<vmem>>, vector<1x1x16xf32>,
        %get3A_357 = vector.shape_cast %get3A_356 : vector<1x1x16xf32> to vector<16xf32>
        %mul3A_358 = arith.mulf %get3A_351, %get3A_357 : vector<16xf32>
        %swap3A_359 = arith.constant 0 : i32
        %swap3A_360 = arith.index_cast %swap3A_359 : i32 to index
        %swap3A_361 = arith.index_cast %scan3A_306 : i32 to index
        %swap3A_362 = arith.constant 32 : index
        %swap3A_363 = tpu.vector_load %arg8[%swap3A_360, %swap3A_361, %swap3A_362] {strides = array<i32>} : memref<2x80x128xf32, #tpu.memory_space<vmem>>, vector<1x1x16xf32>,
        %swap3A_364 = vector.shape_cast %swap3A_363 : vector<1x1x16xf32> to vector<16xf32>
        %swap3A_365 = vector.shape_cast %mul3A_358 : vector<16xf32> to vector<1x1x16xf32>
        tpu.vector_store %arg8[%swap3A_360, %swap3A_361, %swap3A_362], %swap3A_365 {strides = array<i32>} : memref<2x80x128xf32, #tpu.memory_space<vmem>>, vector<1x1x16xf32>,
        %get3A_366 = arith.constant 0 : i32
        %get3A_367 = arith.index_cast %get3A_366 : i32 to index
        %get3A_368 = arith.index_cast %scan3A_306 : i32 to index
        %get3A_369 = arith.constant 48 : index
        %get3A_370 = tpu.vector_load %arg8[%get3A_367, %get3A_368, %get3A_369] {strides = array<i32>} : memref<2x80x128xf32, #tpu.memory_space<vmem>>, vector<1x1x16xf32>,
        %get3A_371 = vector.shape_cast %get3A_370 : vector<1x1x16xf32> to vector<16xf32>
        %get3A_372 = arith.constant 0 : i32
        %get3A_373 = arith.index_cast %get3A_372 : i32 to index
        %get3A_374 = arith.index_cast %scan3A_306 : i32 to index
        %get3A_375 = arith.constant 48 : index
        %get3A_376 = tpu.vector_load %arg9[%get3A_373, %get3A_374, %get3A_375] {strides = array<i32>} : memref<2x80x128xf32, #tpu.memory_space<vmem>>, vector<1x1x16xf32>,
        %get3A_377 = vector.shape_cast %get3A_376 : vector<1x1x16xf32> to vector<16xf32>
        %mul3A_378 = arith.mulf %get3A_371, %get3A_377 : vector<16xf32>
        %swap3A_379 = arith.constant 0 : i32
        %swap3A_380 = arith.index_cast %swap3A_379 : i32 to index
        %swap3A_381 = arith.index_cast %scan3A_306 : i32 to index
        %swap3A_382 = arith.constant 48 : index
        %swap3A_383 = tpu.vector_load %arg8[%swap3A_380, %swap3A_381, %swap3A_382] {strides = array<i32>} : memref<2x80x128xf32, #tpu.memory_space<vmem>>, vector<1x1x16xf32>,
        %swap3A_384 = vector.shape_cast %swap3A_383 : vector<1x1x16xf32> to vector<16xf32>
        %swap3A_385 = vector.shape_cast %mul3A_378 : vector<16xf32> to vector<1x1x16xf32>
        tpu.vector_store %arg8[%swap3A_380, %swap3A_381, %swap3A_382], %swap3A_385 {strides = array<i32>} : memref<2x80x128xf32, #tpu.memory_space<vmem>>, vector<1x1x16xf32>,
        %get3A_386 = arith.constant 0 : i32
        %get3A_387 = arith.index_cast %get3A_386 : i32 to index
        %get3A_388 = arith.index_cast %scan3A_306 : i32 to index
        %get3A_389 = arith.constant 64 : index
        %get3A_390 = tpu.vector_load %arg8[%get3A_387, %get3A_388, %get3A_389] {strides = array<i32>} : memref<2x80x128xf32, #tpu.memory_space<vmem>>, vector<1x1x16xf32>,
        %get3A_391 = vector.shape_cast %get3A_390 : vector<1x1x16xf32> to vector<16xf32>
        %get3A_392 = arith.constant 0 : i32
        %get3A_393 = arith.index_cast %get3A_392 : i32 to index
        %get3A_394 = arith.index_cast %scan3A_306 : i32 to index
        %get3A_395 = arith.constant 64 : index
        %get3A_396 = tpu.vector_load %arg9[%get3A_393, %get3A_394, %get3A_395] {strides = array<i32>} : memref<2x80x128xf32, #tpu.memory_space<vmem>>, vector<1x1x16xf32>,
        %get3A_397 = vector.shape_cast %get3A_396 : vector<1x1x16xf32> to vector<16xf32>
        %mul3A_398 = arith.mulf %get3A_391, %get3A_397 : vector<16xf32>
        %swap3A_399 = arith.constant 0 : i32
        %swap3A_400 = arith.index_cast %swap3A_399 : i32 to index
        %swap3A_401 = arith.index_cast %scan3A_306 : i32 to index
        %swap3A_402 = arith.constant 64 : index
        %swap3A_403 = tpu.vector_load %arg8[%swap3A_400, %swap3A_401, %swap3A_402] {strides = array<i32>} : memref<2x80x128xf32, #tpu.memory_space<vmem>>, vector<1x1x16xf32>,
        %swap3A_404 = vector.shape_cast %swap3A_403 : vector<1x1x16xf32> to vector<16xf32>
        %swap3A_405 = vector.shape_cast %mul3A_398 : vector<16xf32> to vector<1x1x16xf32>
        tpu.vector_store %arg8[%swap3A_400, %swap3A_401, %swap3A_402], %swap3A_405 {strides = array<i32>} : memref<2x80x128xf32, #tpu.memory_space<vmem>>, vector<1x1x16xf32>,
        %get3A_406 = arith.constant 0 : i32
        %get3A_407 = arith.index_cast %get3A_406 : i32 to index
        %get3A_408 = arith.index_cast %scan3A_306 : i32 to index
        %get3A_409 = arith.constant 80 : index
        %get3A_410 = tpu.vector_load %arg8[%get3A_407, %get3A_408, %get3A_409] {strides = array<i32>} : memref<2x80x128xf32, #tpu.memory_space<vmem>>, vector<1x1x16xf32>,
        %get3A_411 = vector.shape_cast %get3A_410 : vector<1x1x16xf32> to vector<16xf32>
        %get3A_412 = arith.constant 0 : i32
        %get3A_413 = arith.index_cast %get3A_412 : i32 to index
        %get3A_414 = arith.index_cast %scan3A_306 : i32 to index
        %get3A_415 = arith.constant 80 : index
        %get3A_416 = tpu.vector_load %arg9[%get3A_413, %get3A_414, %get3A_415] {strides = array<i32>} : memref<2x80x128xf32, #tpu.memory_space<vmem>>, vector<1x1x16xf32>,
        %get3A_417 = vector.shape_cast %get3A_416 : vector<1x1x16xf32> to vector<16xf32>
        %mul3A_418 = arith.mulf %get3A_411, %get3A_417 : vector<16xf32>
        %swap3A_419 = arith.constant 0 : i32
        %swap3A_420 = arith.index_cast %swap3A_419 : i32 to index
        %swap3A_421 = arith.index_cast %scan3A_306 : i32 to index
        %swap3A_422 = arith.constant 80 : index
        %swap3A_423 = tpu.vector_load %arg8[%swap3A_420, %swap3A_421, %swap3A_422] {strides = array<i32>} : memref<2x80x128xf32, #tpu.memory_space<vmem>>, vector<1x1x16xf32>,
        %swap3A_424 = vector.shape_cast %swap3A_423 : vector<1x1x16xf32> to vector<16xf32>
        %swap3A_425 = vector.shape_cast %mul3A_418 : vector<16xf32> to vector<1x1x16xf32>
        tpu.vector_store %arg8[%swap3A_420, %swap3A_421, %swap3A_422], %swap3A_425 {strides = array<i32>} : memref<2x80x128xf32, #tpu.memory_space<vmem>>, vector<1x1x16xf32>,
        %get3A_426 = arith.constant 0 : i32
        %get3A_427 = arith.index_cast %get3A_426 : i32 to index
        %get3A_428 = arith.index_cast %scan3A_306 : i32 to index
        %get3A_429 = arith.constant 96 : index
        %get3A_430 = tpu.vector_load %arg8[%get3A_427, %get3A_428, %get3A_429] {strides = array<i32>} : memref<2x80x128xf32, #tpu.memory_space<vmem>>, vector<1x1x16xf32>,
        %get3A_431 = vector.shape_cast %get3A_430 : vector<1x1x16xf32> to vector<16xf32>
        %get3A_432 = arith.constant 0 : i32
        %get3A_433 = arith.index_cast %get3A_432 : i32 to index
        %get3A_434 = arith.index_cast %scan3A_306 : i32 to index
        %get3A_435 = arith.constant 96 : index
        %get3A_436 = tpu.vector_load %arg9[%get3A_433, %get3A_434, %get3A_435] {strides = array<i32>} : memref<2x80x128xf32, #tpu.memory_space<vmem>>, vector<1x1x16xf32>,
        %get3A_437 = vector.shape_cast %get3A_436 : vector<1x1x16xf32> to vector<16xf32>
        %mul3A_438 = arith.mulf %get3A_431, %get3A_437 : vector<16xf32>
        %swap3A_439 = arith.constant 0 : i32
        %swap3A_440 = arith.index_cast %swap3A_439 : i32 to index
        %swap3A_441 = arith.index_cast %scan3A_306 : i32 to index
        %swap3A_442 = arith.constant 96 : index
        %swap3A_443 = tpu.vector_load %arg8[%swap3A_440, %swap3A_441, %swap3A_442] {strides = array<i32>} : memref<2x80x128xf32, #tpu.memory_space<vmem>>, vector<1x1x16xf32>,
        %swap3A_444 = vector.shape_cast %swap3A_443 : vector<1x1x16xf32> to vector<16xf32>
        %swap3A_445 = vector.shape_cast %mul3A_438 : vector<16xf32> to vector<1x1x16xf32>
        tpu.vector_store %arg8[%swap3A_440, %swap3A_441, %swap3A_442], %swap3A_445 {strides = array<i32>} : memref<2x80x128xf32, #tpu.memory_space<vmem>>, vector<1x1x16xf32>,
        %get3A_446 = arith.constant 0 : i32
        %get3A_447 = arith.index_cast %get3A_446 : i32 to index
        %get3A_448 = arith.index_cast %scan3A_306 : i32 to index
        %get3A_449 = arith.constant 112 : index
        %get3A_450 = tpu.vector_load %arg8[%get3A_447, %get3A_448, %get3A_449] {strides = array<i32>} : memref<2x80x128xf32, #tpu.memory_space<vmem>>, vector<1x1x16xf32>,
        %get3A_451 = vector.shape_cast %get3A_450 : vector<1x1x16xf32> to vector<16xf32>
        %get3A_452 = arith.constant 0 : i32
        %get3A_453 = arith.index_cast %get3A_452 : i32 to index
        %get3A_454 = arith.index_cast %scan3A_306 : i32 to index
        %get3A_455 = arith.constant 112 : index
        %get3A_456 = tpu.vector_load %arg9[%get3A_453, %get3A_454, %get3A_455] {strides = array<i32>} : memref<2x80x128xf32, #tpu.memory_space<vmem>>, vector<1x1x16xf32>,
        %get3A_457 = vector.shape_cast %get3A_456 : vector<1x1x16xf32> to vector<16xf32>
        %mul3A_458 = arith.mulf %get3A_451, %get3A_457 : vector<16xf32>
        %swap3A_459 = arith.constant 0 : i32
        %swap3A_460 = arith.index_cast %swap3A_459 : i32 to index
        %swap3A_461 = arith.index_cast %scan3A_306 : i32 to index
        %swap3A_462 = arith.constant 112 : index
        %swap3A_463 = tpu.vector_load %arg8[%swap3A_460, %swap3A_461, %swap3A_462] {strides = array<i32>} : memref<2x80x128xf32, #tpu.memory_space<vmem>>, vector<1x1x16xf32>,
        %swap3A_464 = vector.shape_cast %swap3A_463 : vector<1x1x16xf32> to vector<16xf32>
        %swap3A_465 = vector.shape_cast %mul3A_458 : vector<16xf32> to vector<1x1x16xf32>
        tpu.vector_store %arg8[%swap3A_460, %swap3A_461, %swap3A_462], %swap3A_465 {strides = array<i32>} : memref<2x80x128xf32, #tpu.memory_space<vmem>>, vector<1x1x16xf32>,
        %scan3A_466 = arith.constant 0 : i32
        scf.yield %scan3A_466 : i32
      }
      %scan3A_183 = arith.constant 80 : i32
      %run_scoped3A_184 = arith.constant 0 : i32
      %run_scoped3A_185 = arith.constant 0 : i32
      %run_scoped3A_186 = arith.constant 2 : i32
      "tpu.region"() ({
        %run_scoped3A_306 = tpu.sem_alloc : memref<!tpu.dma_semaphore, #tpu.memory_space<semaphore_mem>>
        %dma_start3A_307 = arith.constant 0 : i32
        %dma_start3A_308 = arith.constant 0 : i32
        %dma_start3A_309 = tpu.memref_slice %arg8[%run_scoped3A_184, %dma_start3A_307, %dma_start3A_308] : memref<2x80x128xf32, #tpu.memory_space<vmem>> -> memref<1x80x128xf32, #tpu.memory_space<vmem>>
        %dma_start3A_310 = tpu.memref_squeeze %dma_start3A_309 : memref<1x80x128xf32, #tpu.memory_space<vmem>> -> memref<80x128xf32, #tpu.memory_space<vmem>>
        %dma_start3A_311 = arith.constant 0 : i32
        %dma_start3A_312 = arith.constant 0 : i32
        %dma_start3A_313 = tpu.memref_slice %arg7[%run_scoped3A_185, %dma_start3A_311, %dma_start3A_312] : memref<2x3x80xi32, #tpu.memory_space<vmem>> -> memref<1x3x80xi32, #tpu.memory_space<vmem>>
        %dma_start3A_314 = tpu.memref_squeeze %dma_start3A_313 : memref<1x3x80xi32, #tpu.memory_space<vmem>> -> memref<3x80xi32, #tpu.memory_space<vmem>>
        %dma_start3A_315 = arith.constant 0 : i32
        %dma_start3A_316 = tpu.memref_slice %dma_start3A_314[%run_scoped3A_186, %dma_start3A_315] : memref<3x80xi32, #tpu.memory_space<vmem>> -> memref<1x80xi32, #tpu.memory_space<vmem>>
        %dma_start3A_317 = tpu.memref_squeeze %dma_start3A_316 : memref<1x80xi32, #tpu.memory_space<vmem>> -> memref<80xi32, #tpu.memory_space<vmem>>
        %dma_start3A_318 = arith.constant 0 : i32
        %dma_start3A_319 = arith.constant 0 : i32
        %dma_start3A_320 = tpu.memref_slice %arg10[%dma_start3A_318, %dma_start3A_319] : memref<10240x128xf32, #tpu.memory_space<vmem_shared>> -> memref<10240x128xf32, #tpu.memory_space<vmem_shared>>
        tpu.enqueue_indirect_dma source(%dma_start3A_310 : memref<80x128xf32, #tpu.memory_space<vmem>>) target(%dma_start3A_320 : memref<10240x128xf32, #tpu.memory_space<vmem_shared>>) offsets(%dma_start3A_317 : memref<80xi32, #tpu.memory_space<vmem>>) semaphore(%run_scoped3A_306 : memref<!tpu.dma_semaphore, #tpu.memory_space<semaphore_mem>>) {add = true}
        %dma_wait3A_321 = arith.constant 0 : i32
        %dma_wait3A_322 = arith.constant 0 : i32
        %dma_wait3A_323 = tpu.memref_slice %arg8[%run_scoped3A_184, %dma_wait3A_321, %dma_wait3A_322] : memref<2x80x128xf32, #tpu.memory_space<vmem>> -> memref<1x80x128xf32, #tpu.memory_space<vmem>>
        %dma_wait3A_324 = tpu.memref_squeeze %dma_wait3A_323 : memref<1x80x128xf32, #tpu.memory_space<vmem>> -> memref<80x128xf32, #tpu.memory_space<vmem>>
        %dma_wait3A_325 = arith.constant 0 : i32
        %dma_wait3A_326 = arith.constant 0 : i32
        %dma_wait3A_327 = tpu.memref_slice %arg7[%run_scoped3A_185, %dma_wait3A_325, %dma_wait3A_326] : memref<2x3x80xi32, #tpu.memory_space<vmem>> -> memref<1x3x80xi32, #tpu.memory_space<vmem>>
        %dma_wait3A_328 = tpu.memref_squeeze %dma_wait3A_327 : memref<1x3x80xi32, #tpu.memory_space<vmem>> -> memref<3x80xi32, #tpu.memory_space<vmem>>
        %dma_wait3A_329 = arith.constant 0 : i32
        %dma_wait3A_330 = tpu.memref_slice %dma_wait3A_328[%run_scoped3A_186, %dma_wait3A_329] : memref<3x80xi32, #tpu.memory_space<vmem>> -> memref<1x80xi32, #tpu.memory_space<vmem>>
        %dma_wait3A_331 = tpu.memref_squeeze %dma_wait3A_330 : memref<1x80xi32, #tpu.memory_space<vmem>> -> memref<80xi32, #tpu.memory_space<vmem>>
        %dma_wait3A_332 = arith.constant 0 : i32
        %dma_wait3A_333 = arith.constant 0 : i32
        %dma_wait3A_334 = tpu.memref_slice %arg10[%dma_wait3A_332, %dma_wait3A_333] : memref<10240x128xf32, #tpu.memory_space<vmem_shared>> -> memref<10240x128xf32, #tpu.memory_space<vmem_shared>>
        tpu.wait_indirect_dma semaphore(%run_scoped3A_306 : memref<!tpu.dma_semaphore, #tpu.memory_space<semaphore_mem>>) src(%dma_wait3A_324 : memref<80x128xf32, #tpu.memory_space<vmem>>) dst(%dma_wait3A_334 : memref<10240x128xf32, #tpu.memory_space<vmem_shared>>)
        tpu.yield
      }) : () -> ()
      %add3A_187 = arith.constant 2 : i32
      %add3A_188 = arith.addi %add3A_146, %add3A_187 : i32
      %run_scoped3A_189 = arith.constant 0 : i32
      "tpu.region"() ({
        %run_scoped3A_306 = tpu.sem_alloc : memref<!tpu.dma_semaphore, #tpu.memory_space<semaphore_mem>>
        %dma_start3A_307 = arith.constant 0 : i32
        %dma_start3A_308 = arith.constant 0 : i32
        %dma_start3A_309 = tpu.memref_slice %arg7[%run_scoped3A_189, %dma_start3A_307, %dma_start3A_308] : memref<2x3x80xi32, #tpu.memory_space<vmem>> -> memref<1x3x80xi32, #tpu.memory_space<vmem>>
        %dma_start3A_310 = tpu.memref_squeeze %dma_start3A_309 : memref<1x3x80xi32, #tpu.memory_space<vmem>> -> memref<3x80xi32, #tpu.memory_space<vmem>>
        %dma_start3A_311 = arith.constant 0 : i32
        %dma_start3A_312 = arith.constant 0 : i32
        %dma_start3A_313 = arith.constant 0 : i32
        %dma_start3A_314 = arith.constant 0 : i32
        %dma_start3A_315 = tpu.memref_slice %arg4[%arg0, %dma_start3A_311, %dma_start3A_312, %dma_start3A_313, %dma_start3A_314] : memref<2x16x128x3x80xi32, #tpu.memory_space<hbm>> -> memref<1x16x128x3x80xi32, #tpu.memory_space<hbm>>
        %dma_start3A_316 = tpu.memref_squeeze %dma_start3A_315 : memref<1x16x128x3x80xi32, #tpu.memory_space<hbm>> -> memref<16x128x3x80xi32, #tpu.memory_space<hbm>>
        %dma_start3A_317 = arith.constant 0 : i32
        %dma_start3A_318 = arith.constant 0 : i32
        %dma_start3A_319 = arith.constant 0 : i32
        %dma_start3A_320 = tpu.memref_slice %dma_start3A_316[%arg1, %dma_start3A_317, %dma_start3A_318, %dma_start3A_319] : memref<16x128x3x80xi32, #tpu.memory_space<hbm>> -> memref<1x128x3x80xi32, #tpu.memory_space<hbm>>
        %dma_start3A_321 = tpu.memref_squeeze %dma_start3A_320 : memref<1x128x3x80xi32, #tpu.memory_space<hbm>> -> memref<128x3x80xi32, #tpu.memory_space<hbm>>
        %dma_start3A_322 = arith.constant 0 : i32
        %dma_start3A_323 = arith.constant 0 : i32
        %dma_start3A_324 = tpu.memref_slice %dma_start3A_321[%add3A_188, %dma_start3A_322, %dma_start3A_323] : memref<128x3x80xi32, #tpu.memory_space<hbm>> -> memref<1x3x80xi32, #tpu.memory_space<hbm>>
        %dma_start3A_325 = tpu.memref_squeeze %dma_start3A_324 : memref<1x3x80xi32, #tpu.memory_space<hbm>> -> memref<3x80xi32, #tpu.memory_space<hbm>>
        %dma_start3A_326 = arith.constant 0 : i32
        %dma_start3A_327 = arith.constant 0 : i32
        %dma_start3A_328 = tpu.memref_slice %arg7[%run_scoped3A_189, %dma_start3A_326, %dma_start3A_327] : memref<2x3x80xi32, #tpu.memory_space<vmem>> -> memref<1x3x80xi32, #tpu.memory_space<vmem>>
        %dma_start3A_329 = tpu.memref_squeeze %dma_start3A_328 : memref<1x3x80xi32, #tpu.memory_space<vmem>> -> memref<3x80xi32, #tpu.memory_space<vmem>>
        %dma_start3A_330 = arith.constant 0 : i32
        %dma_start3A_331 = arith.constant 0 : i32
        %dma_start3A_332 = arith.constant 0 : i32
        %dma_start3A_333 = arith.constant 0 : i32
        %dma_start3A_334 = tpu.memref_slice %arg4[%arg0, %dma_start3A_330, %dma_start3A_331, %dma_start3A_332, %dma_start3A_333] : memref<2x16x128x3x80xi32, #tpu.memory_space<hbm>> -> memref<1x16x128x3x80xi32, #tpu.memory_space<hbm>>
        %dma_start3A_335 = tpu.memref_squeeze %dma_start3A_334 : memref<1x16x128x3x80xi32, #tpu.memory_space<hbm>> -> memref<16x128x3x80xi32, #tpu.memory_space<hbm>>
        %dma_start3A_336 = arith.constant 0 : i32
        %dma_start3A_337 = arith.constant 0 : i32
        %dma_start3A_338 = arith.constant 0 : i32
        %dma_start3A_339 = tpu.memref_slice %dma_start3A_335[%arg1, %dma_start3A_336, %dma_start3A_337, %dma_start3A_338] : memref<16x128x3x80xi32, #tpu.memory_space<hbm>> -> memref<1x128x3x80xi32, #tpu.memory_space<hbm>>
        %dma_start3A_340 = tpu.memref_squeeze %dma_start3A_339 : memref<1x128x3x80xi32, #tpu.memory_space<hbm>> -> memref<128x3x80xi32, #tpu.memory_space<hbm>>
        %dma_start3A_341 = arith.constant 0 : i32
        %dma_start3A_342 = arith.constant 0 : i32
        %dma_start3A_343 = tpu.memref_slice %dma_start3A_340[%add3A_188, %dma_start3A_341, %dma_start3A_342] : memref<128x3x80xi32, #tpu.memory_space<hbm>> -> memref<1x3x80xi32, #tpu.memory_space<hbm>>
        %dma_start3A_344 = tpu.memref_squeeze %dma_start3A_343 : memref<1x3x80xi32, #tpu.memory_space<hbm>> -> memref<3x80xi32, #tpu.memory_space<hbm>>
        tpu.enqueue_dma source(%dma_start3A_344 : memref<3x80xi32, #tpu.memory_space<hbm>>) target(%dma_start3A_329 : memref<3x80xi32, #tpu.memory_space<vmem>>) target_semaphore(%run_scoped3A_306 : memref<!tpu.dma_semaphore, #tpu.memory_space<semaphore_mem>>)
        %dma_wait3A_345 = arith.constant 0 : i32
        %dma_wait3A_346 = arith.constant 0 : i32
        %dma_wait3A_347 = tpu.memref_slice %arg7[%run_scoped3A_189, %dma_wait3A_345, %dma_wait3A_346] : memref<2x3x80xi32, #tpu.memory_space<vmem>> -> memref<1x3x80xi32, #tpu.memory_space<vmem>>
        %dma_wait3A_348 = tpu.memref_squeeze %dma_wait3A_347 : memref<1x3x80xi32, #tpu.memory_space<vmem>> -> memref<3x80xi32, #tpu.memory_space<vmem>>
        %dma_wait3A_349 = arith.constant 0 : i32
        %dma_wait3A_350 = arith.constant 0 : i32
        %dma_wait3A_351 = arith.constant 0 : i32
        %dma_wait3A_352 = arith.constant 0 : i32
        %dma_wait3A_353 = tpu.memref_slice %arg4[%arg0, %dma_wait3A_349, %dma_wait3A_350, %dma_wait3A_351, %dma_wait3A_352] : memref<2x16x128x3x80xi32, #tpu.memory_space<hbm>> -> memref<1x16x128x3x80xi32, #tpu.memory_space<hbm>>
        %dma_wait3A_354 = tpu.memref_squeeze %dma_wait3A_353 : memref<1x16x128x3x80xi32, #tpu.memory_space<hbm>> -> memref<16x128x3x80xi32, #tpu.memory_space<hbm>>
        %dma_wait3A_355 = arith.constant 0 : i32
        %dma_wait3A_356 = arith.constant 0 : i32
        %dma_wait3A_357 = arith.constant 0 : i32
        %dma_wait3A_358 = tpu.memref_slice %dma_wait3A_354[%arg1, %dma_wait3A_355, %dma_wait3A_356, %dma_wait3A_357] : memref<16x128x3x80xi32, #tpu.memory_space<hbm>> -> memref<1x128x3x80xi32, #tpu.memory_space<hbm>>
        %dma_wait3A_359 = tpu.memref_squeeze %dma_wait3A_358 : memref<1x128x3x80xi32, #tpu.memory_space<hbm>> -> memref<128x3x80xi32, #tpu.memory_space<hbm>>
        %dma_wait3A_360 = arith.constant 0 : i32
        %dma_wait3A_361 = arith.constant 0 : i32
        %dma_wait3A_362 = tpu.memref_slice %dma_wait3A_359[%add3A_188, %dma_wait3A_360, %dma_wait3A_361] : memref<128x3x80xi32, #tpu.memory_space<hbm>> -> memref<1x3x80xi32, #tpu.memory_space<hbm>>
        %dma_wait3A_363 = tpu.memref_squeeze %dma_wait3A_362 : memref<1x3x80xi32, #tpu.memory_space<hbm>> -> memref<3x80xi32, #tpu.memory_space<hbm>>
        %dma_wait3A_364 = arith.constant 0 : i32
        %dma_wait3A_365 = arith.constant 0 : i32
        %dma_wait3A_366 = tpu.memref_slice %arg7[%run_scoped3A_189, %dma_wait3A_364, %dma_wait3A_365] : memref<2x3x80xi32, #tpu.memory_space<vmem>> -> memref<1x3x80xi32, #tpu.memory_space<vmem>>
        %dma_wait3A_367 = tpu.memref_squeeze %dma_wait3A_366 : memref<1x3x80xi32, #tpu.memory_space<vmem>> -> memref<3x80xi32, #tpu.memory_space<vmem>>
        %dma_wait3A_368 = arith.constant 0 : i32
        %dma_wait3A_369 = arith.constant 0 : i32
        %dma_wait3A_370 = arith.constant 0 : i32
        %dma_wait3A_371 = arith.constant 0 : i32
        %dma_wait3A_372 = tpu.memref_slice %arg4[%arg0, %dma_wait3A_368, %dma_wait3A_369, %dma_wait3A_370, %dma_wait3A_371] : memref<2x16x128x3x80xi32, #tpu.memory_space<hbm>> -> memref<1x16x128x3x80xi32, #tpu.memory_space<hbm>>
        %dma_wait3A_373 = tpu.memref_squeeze %dma_wait3A_372 : memref<1x16x128x3x80xi32, #tpu.memory_space<hbm>> -> memref<16x128x3x80xi32, #tpu.memory_space<hbm>>
        %dma_wait3A_374 = arith.constant 0 : i32
        %dma_wait3A_375 = arith.constant 0 : i32
        %dma_wait3A_376 = arith.constant 0 : i32
        %dma_wait3A_377 = tpu.memref_slice %dma_wait3A_373[%arg1, %dma_wait3A_374, %dma_wait3A_375, %dma_wait3A_376] : memref<16x128x3x80xi32, #tpu.memory_space<hbm>> -> memref<1x128x3x80xi32, #tpu.memory_space<hbm>>
        %dma_wait3A_378 = tpu.memref_squeeze %dma_wait3A_377 : memref<1x128x3x80xi32, #tpu.memory_space<hbm>> -> memref<128x3x80xi32, #tpu.memory_space<hbm>>
        %dma_wait3A_379 = arith.constant 0 : i32
        %dma_wait3A_380 = arith.constant 0 : i32
        %dma_wait3A_381 = tpu.memref_slice %dma_wait3A_378[%add3A_188, %dma_wait3A_379, %dma_wait3A_380] : memref<128x3x80xi32, #tpu.memory_space<hbm>> -> memref<1x3x80xi32, #tpu.memory_space<hbm>>
        %dma_wait3A_382 = tpu.memref_squeeze %dma_wait3A_381 : memref<1x3x80xi32, #tpu.memory_space<hbm>> -> memref<3x80xi32, #tpu.memory_space<hbm>>
        tpu.wait_dma2 semaphore(%run_scoped3A_306 : memref<!tpu.dma_semaphore, #tpu.memory_space<semaphore_mem>>) src(%dma_wait3A_382 : memref<3x80xi32, #tpu.memory_space<hbm>>) dst(%dma_wait3A_367 : memref<3x80xi32, #tpu.memory_space<vmem>>)
        tpu.yield
      }) : () -> ()
      %dma_start3A_190 = arith.constant 0 : i32
      %dma_start3A_191 = arith.constant 0 : i32
      %dma_start3A_192 = arith.constant 0 : i32
      %dma_start3A_193 = arith.constant 0 : i32
      %dma_start3A_194 = arith.constant 0 : i32
      %dma_start3A_195 = tpu.memref_slice %arg8[%dma_start3A_192, %dma_start3A_193, %dma_start3A_194] : memref<2x80x128xf32, #tpu.memory_space<vmem>> -> memref<1x80x128xf32, #tpu.memory_space<vmem>>
      %dma_start3A_196 = tpu.memref_squeeze %dma_start3A_195 : memref<1x80x128xf32, #tpu.memory_space<vmem>> -> memref<80x128xf32, #tpu.memory_space<vmem>>
      %dma_start3A_197 = arith.constant 0 : i32
      %dma_start3A_198 = arith.constant 0 : i32
      %dma_start3A_199 = tpu.memref_slice %arg7[%dma_start3A_190, %dma_start3A_197, %dma_start3A_198] : memref<2x3x80xi32, #tpu.memory_space<vmem>> -> memref<1x3x80xi32, #tpu.memory_space<vmem>>
      %dma_start3A_200 = tpu.memref_squeeze %dma_start3A_199 : memref<1x3x80xi32, #tpu.memory_space<vmem>> -> memref<3x80xi32, #tpu.memory_space<vmem>>
      %dma_start3A_201 = arith.constant 0 : i32
      %dma_start3A_202 = tpu.memref_slice %dma_start3A_200[%dma_start3A_191, %dma_start3A_201] : memref<3x80xi32, #tpu.memory_space<vmem>> -> memref<1x80xi32, #tpu.memory_space<vmem>>
      %dma_start3A_203 = tpu.memref_squeeze %dma_start3A_202 : memref<1x80xi32, #tpu.memory_space<vmem>> -> memref<80xi32, #tpu.memory_space<vmem>>
      %dma_start3A_204 = arith.constant 0 : i32
      %dma_start3A_205 = arith.constant 0 : i32
      %dma_start3A_206 = tpu.memref_slice %arg2[%dma_start3A_204, %dma_start3A_205] : memref<20000x128xf32, #tpu.memory_space<hbm>> -> memref<20000x128xf32, #tpu.memory_space<hbm>>
      tpu.enqueue_indirect_dma source(%dma_start3A_206 : memref<20000x128xf32, #tpu.memory_space<hbm>>) target(%dma_start3A_196 : memref<80x128xf32, #tpu.memory_space<vmem>>) offsets(%dma_start3A_203 : memref<80xi32, #tpu.memory_space<vmem>>) semaphore(%arg11 : memref<!tpu.dma_semaphore, #tpu.memory_space<semaphore_mem>>)
      %dma_start3A_207 = arith.constant 0 : i32
      %dma_start3A_208 = arith.constant 1 : i32
      %dma_start3A_209 = arith.constant 0 : i32
      %dma_start3A_210 = arith.constant 0 : i32
      %dma_start3A_211 = arith.constant 0 : i32
      %dma_start3A_212 = tpu.memref_slice %arg9[%dma_start3A_209, %dma_start3A_210, %dma_start3A_211] : memref<2x80x128xf32, #tpu.memory_space<vmem>> -> memref<1x80x128xf32, #tpu.memory_space<vmem>>
      %dma_start3A_213 = tpu.memref_squeeze %dma_start3A_212 : memref<1x80x128xf32, #tpu.memory_space<vmem>> -> memref<80x128xf32, #tpu.memory_space<vmem>>
      %dma_start3A_214 = arith.constant 0 : i32
      %dma_start3A_215 = arith.constant 0 : i32
      %dma_start3A_216 = tpu.memref_slice %arg7[%dma_start3A_207, %dma_start3A_214, %dma_start3A_215] : memref<2x3x80xi32, #tpu.memory_space<vmem>> -> memref<1x3x80xi32, #tpu.memory_space<vmem>>
      %dma_start3A_217 = tpu.memref_squeeze %dma_start3A_216 : memref<1x3x80xi32, #tpu.memory_space<vmem>> -> memref<3x80xi32, #tpu.memory_space<vmem>>
      %dma_start3A_218 = arith.constant 0 : i32
      %dma_start3A_219 = tpu.memref_slice %dma_start3A_217[%dma_start3A_208, %dma_start3A_218] : memref<3x80xi32, #tpu.memory_space<vmem>> -> memref<1x80xi32, #tpu.memory_space<vmem>>
      %dma_start3A_220 = tpu.memref_squeeze %dma_start3A_219 : memref<1x80xi32, #tpu.memory_space<vmem>> -> memref<80xi32, #tpu.memory_space<vmem>>
      %dma_start3A_221 = arith.constant 0 : i32
      %dma_start3A_222 = arith.constant 0 : i32
      %dma_start3A_223 = tpu.memref_slice %arg3[%dma_start3A_221, %dma_start3A_222] : memref<400x128xf32, #tpu.memory_space<hbm>> -> memref<400x128xf32, #tpu.memory_space<hbm>>
      tpu.enqueue_indirect_dma source(%dma_start3A_223 : memref<400x128xf32, #tpu.memory_space<hbm>>) target(%dma_start3A_213 : memref<80x128xf32, #tpu.memory_space<vmem>>) offsets(%dma_start3A_220 : memref<80xi32, #tpu.memory_space<vmem>>) semaphore(%arg13 : memref<!tpu.dma_semaphore, #tpu.memory_space<semaphore_mem>>)
      %mul3A_224 = arith.constant 2 : i32
      %mul3A_225 = arith.muli %mul3A_224, %scan3A_141 : i32
      %add3A_226 = arith.constant 1 : i32
      %add3A_227 = arith.addi %mul3A_225, %add3A_226 : i32
      %dma_wait3A_228 = arith.constant 1 : i32
      %dma_wait3A_229 = arith.constant 0 : i32
      %dma_wait3A_230 = arith.constant 0 : i32
      %dma_wait3A_231 = tpu.memref_slice %arg8[%dma_wait3A_228, %dma_wait3A_229, %dma_wait3A_230] : memref<2x80x128xf32, #tpu.memory_space<vmem>> -> memref<1x80x128xf32, #tpu.memory_space<vmem>>
      %dma_wait3A_232 = tpu.memref_squeeze %dma_wait3A_231 : memref<1x80x128xf32, #tpu.memory_space<vmem>> -> memref<80x128xf32, #tpu.memory_space<vmem>>
      %dma_wait3A_233 = arith.constant 0 : i32
      %dma_wait3A_234 = arith.constant 0 : i32
      %dma_wait3A_235 = tpu.memref_slice %arg5[%dma_wait3A_233, %dma_wait3A_234] : memref<10240x128xf32, #tpu.memory_space<hbm>> -> memref<80x128xf32, #tpu.memory_space<hbm>>
      %dma_wait3A_236 = arith.constant 0 : i32
      %dma_wait3A_237 = arith.constant 0 : i32
      %dma_wait3A_238 = tpu.memref_slice %arg8[%dma_wait3A_228, %dma_wait3A_236, %dma_wait3A_237] : memref<2x80x128xf32, #tpu.memory_space<vmem>> -> memref<1x80x128xf32, #tpu.memory_space<vmem>>
      %dma_wait3A_239 = tpu.memref_squeeze %dma_wait3A_238 : memref<1x80x128xf32, #tpu.memory_space<vmem>> -> memref<80x128xf32, #tpu.memory_space<vmem>>
      %dma_wait3A_240 = arith.constant 0 : i32
      %dma_wait3A_241 = arith.constant 0 : i32
      %dma_wait3A_242 = tpu.memref_slice %arg5[%dma_wait3A_240, %dma_wait3A_241] : memref<10240x128xf32, #tpu.memory_space<hbm>> -> memref<80x128xf32, #tpu.memory_space<hbm>>
      tpu.wait_dma2 semaphore(%arg12 : memref<!tpu.dma_semaphore, #tpu.memory_space<semaphore_mem>>) src(%dma_wait3A_242 : memref<80x128xf32, #tpu.memory_space<hbm>>) dst(%dma_wait3A_239 : memref<80x128xf32, #tpu.memory_space<vmem>>)
      %dma_wait3A_243 = arith.constant 1 : i32
      %dma_wait3A_244 = arith.constant 0 : i32
      %dma_wait3A_245 = arith.constant 0 : i32
      %dma_wait3A_246 = tpu.memref_slice %arg9[%dma_wait3A_243, %dma_wait3A_244, %dma_wait3A_245] : memref<2x80x128xf32, #tpu.memory_space<vmem>> -> memref<1x80x128xf32, #tpu.memory_space<vmem>>
      %dma_wait3A_247 = tpu.memref_squeeze %dma_wait3A_246 : memref<1x80x128xf32, #tpu.memory_space<vmem>> -> memref<80x128xf32, #tpu.memory_space<vmem>>
      %dma_wait3A_248 = arith.constant 0 : i32
      %dma_wait3A_249 = arith.constant 0 : i32
      %dma_wait3A_250 = tpu.memref_slice %arg5[%dma_wait3A_248, %dma_wait3A_249] : memref<10240x128xf32, #tpu.memory_space<hbm>> -> memref<80x128xf32, #tpu.memory_space<hbm>>
      %dma_wait3A_251 = arith.constant 0 : i32
      %dma_wait3A_252 = arith.constant 0 : i32
      %dma_wait3A_253 = tpu.memref_slice %arg9[%dma_wait3A_243, %dma_wait3A_251, %dma_wait3A_252] : memref<2x80x128xf32, #tpu.memory_space<vmem>> -> memref<1x80x128xf32, #tpu.memory_space<vmem>>
      %dma_wait3A_254 = tpu.memref_squeeze %dma_wait3A_253 : memref<1x80x128xf32, #tpu.memory_space<vmem>> -> memref<80x128xf32, #tpu.memory_space<vmem>>
      %dma_wait3A_255 = arith.constant 0 : i32
      %dma_wait3A_256 = arith.constant 0 : i32
      %dma_wait3A_257 = tpu.memref_slice %arg5[%dma_wait3A_255, %dma_wait3A_256] : memref<10240x128xf32, #tpu.memory_space<hbm>> -> memref<80x128xf32, #tpu.memory_space<hbm>>
      tpu.wait_dma2 semaphore(%arg14 : memref<!tpu.dma_semaphore, #tpu.memory_space<semaphore_mem>>) src(%dma_wait3A_257 : memref<80x128xf32, #tpu.memory_space<hbm>>) dst(%dma_wait3A_254 : memref<80x128xf32, #tpu.memory_space<vmem>>)
      %scan3A_258 = arith.constant 0 : i32
      %scan3A_259 = arith.constant 0 : i32
      %scan3A_260 = arith.constant 80 : i32
      %scan3A_261 = arith.addi %scan3A_259, %scan3A_260 : i32
      %scan3A_262 = arith.constant 1 : i32
      %scan3A_263 = scf.for %scan3A_306 = %scan3A_259 to %scan3A_261 step %scan3A_262 iter_args(%scan3A_307 = %scan3A_258) -> (i32)  : i32 {
        %get3A = arith.constant 1 : i32
        %get3A_308 = arith.index_cast %get3A : i32 to index
        %get3A_309 = arith.index_cast %scan3A_306 : i32 to index
        %get3A_310 = arith.constant 0 : index
        %get3A_311 = tpu.vector_load %arg8[%get3A_308, %get3A_309, %get3A_310] {strides = array<i32>} : memref<2x80x128xf32, #tpu.memory_space<vmem>>, vector<1x1x16xf32>,
        %get3A_312 = vector.shape_cast %get3A_311 : vector<1x1x16xf32> to vector<16xf32>
        %get3A_313 = arith.constant 1 : i32
        %get3A_314 = arith.index_cast %get3A_313 : i32 to index
        %get3A_315 = arith.index_cast %scan3A_306 : i32 to index
        %get3A_316 = arith.constant 0 : index
        %get3A_317 = tpu.vector_load %arg9[%get3A_314, %get3A_315, %get3A_316] {strides = array<i32>} : memref<2x80x128xf32, #tpu.memory_space<vmem>>, vector<1x1x16xf32>,
        %get3A_318 = vector.shape_cast %get3A_317 : vector<1x1x16xf32> to vector<16xf32>
        %mul3A_319 = arith.mulf %get3A_312, %get3A_318 : vector<16xf32>
        %swap3A = arith.constant 1 : i32
        %swap3A_320 = arith.index_cast %swap3A : i32 to index
        %swap3A_321 = arith.index_cast %scan3A_306 : i32 to index
        %swap3A_322 = arith.constant 0 : index
        %swap3A_323 = tpu.vector_load %arg8[%swap3A_320, %swap3A_321, %swap3A_322] {strides = array<i32>} : memref<2x80x128xf32, #tpu.memory_space<vmem>>, vector<1x1x16xf32>,
        %swap3A_324 = vector.shape_cast %swap3A_323 : vector<1x1x16xf32> to vector<16xf32>
        %swap3A_325 = vector.shape_cast %mul3A_319 : vector<16xf32> to vector<1x1x16xf32>
        tpu.vector_store %arg8[%swap3A_320, %swap3A_321, %swap3A_322], %swap3A_325 {strides = array<i32>} : memref<2x80x128xf32, #tpu.memory_space<vmem>>, vector<1x1x16xf32>,
        %get3A_326 = arith.constant 1 : i32
        %get3A_327 = arith.index_cast %get3A_326 : i32 to index
        %get3A_328 = arith.index_cast %scan3A_306 : i32 to index
        %get3A_329 = arith.constant 16 : index
        %get3A_330 = tpu.vector_load %arg8[%get3A_327, %get3A_328, %get3A_329] {strides = array<i32>} : memref<2x80x128xf32, #tpu.memory_space<vmem>>, vector<1x1x16xf32>,
        %get3A_331 = vector.shape_cast %get3A_330 : vector<1x1x16xf32> to vector<16xf32>
        %get3A_332 = arith.constant 1 : i32
        %get3A_333 = arith.index_cast %get3A_332 : i32 to index
        %get3A_334 = arith.index_cast %scan3A_306 : i32 to index
        %get3A_335 = arith.constant 16 : index
        %get3A_336 = tpu.vector_load %arg9[%get3A_333, %get3A_334, %get3A_335] {strides = array<i32>} : memref<2x80x128xf32, #tpu.memory_space<vmem>>, vector<1x1x16xf32>,
        %get3A_337 = vector.shape_cast %get3A_336 : vector<1x1x16xf32> to vector<16xf32>
        %mul3A_338 = arith.mulf %get3A_331, %get3A_337 : vector<16xf32>
        %swap3A_339 = arith.constant 1 : i32
        %swap3A_340 = arith.index_cast %swap3A_339 : i32 to index
        %swap3A_341 = arith.index_cast %scan3A_306 : i32 to index
        %swap3A_342 = arith.constant 16 : index
        %swap3A_343 = tpu.vector_load %arg8[%swap3A_340, %swap3A_341, %swap3A_342] {strides = array<i32>} : memref<2x80x128xf32, #tpu.memory_space<vmem>>, vector<1x1x16xf32>,
        %swap3A_344 = vector.shape_cast %swap3A_343 : vector<1x1x16xf32> to vector<16xf32>
        %swap3A_345 = vector.shape_cast %mul3A_338 : vector<16xf32> to vector<1x1x16xf32>
        tpu.vector_store %arg8[%swap3A_340, %swap3A_341, %swap3A_342], %swap3A_345 {strides = array<i32>} : memref<2x80x128xf32, #tpu.memory_space<vmem>>, vector<1x1x16xf32>,
        %get3A_346 = arith.constant 1 : i32
        %get3A_347 = arith.index_cast %get3A_346 : i32 to index
        %get3A_348 = arith.index_cast %scan3A_306 : i32 to index
        %get3A_349 = arith.constant 32 : index
        %get3A_350 = tpu.vector_load %arg8[%get3A_347, %get3A_348, %get3A_349] {strides = array<i32>} : memref<2x80x128xf32, #tpu.memory_space<vmem>>, vector<1x1x16xf32>,
        %get3A_351 = vector.shape_cast %get3A_350 : vector<1x1x16xf32> to vector<16xf32>
        %get3A_352 = arith.constant 1 : i32
        %get3A_353 = arith.index_cast %get3A_352 : i32 to index
        %get3A_354 = arith.index_cast %scan3A_306 : i32 to index
        %get3A_355 = arith.constant 32 : index
        %get3A_356 = tpu.vector_load %arg9[%get3A_353, %get3A_354, %get3A_355] {strides = array<i32>} : memref<2x80x128xf32, #tpu.memory_space<vmem>>, vector<1x1x16xf32>,
        %get3A_357 = vector.shape_cast %get3A_356 : vector<1x1x16xf32> to vector<16xf32>
        %mul3A_358 = arith.mulf %get3A_351, %get3A_357 : vector<16xf32>
        %swap3A_359 = arith.constant 1 : i32
        %swap3A_360 = arith.index_cast %swap3A_359 : i32 to index
        %swap3A_361 = arith.index_cast %scan3A_306 : i32 to index
        %swap3A_362 = arith.constant 32 : index
        %swap3A_363 = tpu.vector_load %arg8[%swap3A_360, %swap3A_361, %swap3A_362] {strides = array<i32>} : memref<2x80x128xf32, #tpu.memory_space<vmem>>, vector<1x1x16xf32>,
        %swap3A_364 = vector.shape_cast %swap3A_363 : vector<1x1x16xf32> to vector<16xf32>
        %swap3A_365 = vector.shape_cast %mul3A_358 : vector<16xf32> to vector<1x1x16xf32>
        tpu.vector_store %arg8[%swap3A_360, %swap3A_361, %swap3A_362], %swap3A_365 {strides = array<i32>} : memref<2x80x128xf32, #tpu.memory_space<vmem>>, vector<1x1x16xf32>,
        %get3A_366 = arith.constant 1 : i32
        %get3A_367 = arith.index_cast %get3A_366 : i32 to index
        %get3A_368 = arith.index_cast %scan3A_306 : i32 to index
        %get3A_369 = arith.constant 48 : index
        %get3A_370 = tpu.vector_load %arg8[%get3A_367, %get3A_368, %get3A_369] {strides = array<i32>} : memref<2x80x128xf32, #tpu.memory_space<vmem>>, vector<1x1x16xf32>,
        %get3A_371 = vector.shape_cast %get3A_370 : vector<1x1x16xf32> to vector<16xf32>
        %get3A_372 = arith.constant 1 : i32
        %get3A_373 = arith.index_cast %get3A_372 : i32 to index
        %get3A_374 = arith.index_cast %scan3A_306 : i32 to index
        %get3A_375 = arith.constant 48 : index
        %get3A_376 = tpu.vector_load %arg9[%get3A_373, %get3A_374, %get3A_375] {strides = array<i32>} : memref<2x80x128xf32, #tpu.memory_space<vmem>>, vector<1x1x16xf32>,
        %get3A_377 = vector.shape_cast %get3A_376 : vector<1x1x16xf32> to vector<16xf32>
        %mul3A_378 = arith.mulf %get3A_371, %get3A_377 : vector<16xf32>
        %swap3A_379 = arith.constant 1 : i32
        %swap3A_380 = arith.index_cast %swap3A_379 : i32 to index
        %swap3A_381 = arith.index_cast %scan3A_306 : i32 to index
        %swap3A_382 = arith.constant 48 : index
        %swap3A_383 = tpu.vector_load %arg8[%swap3A_380, %swap3A_381, %swap3A_382] {strides = array<i32>} : memref<2x80x128xf32, #tpu.memory_space<vmem>>, vector<1x1x16xf32>,
        %swap3A_384 = vector.shape_cast %swap3A_383 : vector<1x1x16xf32> to vector<16xf32>
        %swap3A_385 = vector.shape_cast %mul3A_378 : vector<16xf32> to vector<1x1x16xf32>
        tpu.vector_store %arg8[%swap3A_380, %swap3A_381, %swap3A_382], %swap3A_385 {strides = array<i32>} : memref<2x80x128xf32, #tpu.memory_space<vmem>>, vector<1x1x16xf32>,
        %get3A_386 = arith.constant 1 : i32
        %get3A_387 = arith.index_cast %get3A_386 : i32 to index
        %get3A_388 = arith.index_cast %scan3A_306 : i32 to index
        %get3A_389 = arith.constant 64 : index
        %get3A_390 = tpu.vector_load %arg8[%get3A_387, %get3A_388, %get3A_389] {strides = array<i32>} : memref<2x80x128xf32, #tpu.memory_space<vmem>>, vector<1x1x16xf32>,
        %get3A_391 = vector.shape_cast %get3A_390 : vector<1x1x16xf32> to vector<16xf32>
        %get3A_392 = arith.constant 1 : i32
        %get3A_393 = arith.index_cast %get3A_392 : i32 to index
        %get3A_394 = arith.index_cast %scan3A_306 : i32 to index
        %get3A_395 = arith.constant 64 : index
        %get3A_396 = tpu.vector_load %arg9[%get3A_393, %get3A_394, %get3A_395] {strides = array<i32>} : memref<2x80x128xf32, #tpu.memory_space<vmem>>, vector<1x1x16xf32>,
        %get3A_397 = vector.shape_cast %get3A_396 : vector<1x1x16xf32> to vector<16xf32>
        %mul3A_398 = arith.mulf %get3A_391, %get3A_397 : vector<16xf32>
        %swap3A_399 = arith.constant 1 : i32
        %swap3A_400 = arith.index_cast %swap3A_399 : i32 to index
        %swap3A_401 = arith.index_cast %scan3A_306 : i32 to index
        %swap3A_402 = arith.constant 64 : index
        %swap3A_403 = tpu.vector_load %arg8[%swap3A_400, %swap3A_401, %swap3A_402] {strides = array<i32>} : memref<2x80x128xf32, #tpu.memory_space<vmem>>, vector<1x1x16xf32>,
        %swap3A_404 = vector.shape_cast %swap3A_403 : vector<1x1x16xf32> to vector<16xf32>
        %swap3A_405 = vector.shape_cast %mul3A_398 : vector<16xf32> to vector<1x1x16xf32>
        tpu.vector_store %arg8[%swap3A_400, %swap3A_401, %swap3A_402], %swap3A_405 {strides = array<i32>} : memref<2x80x128xf32, #tpu.memory_space<vmem>>, vector<1x1x16xf32>,
        %get3A_406 = arith.constant 1 : i32
        %get3A_407 = arith.index_cast %get3A_406 : i32 to index
        %get3A_408 = arith.index_cast %scan3A_306 : i32 to index
        %get3A_409 = arith.constant 80 : index
        %get3A_410 = tpu.vector_load %arg8[%get3A_407, %get3A_408, %get3A_409] {strides = array<i32>} : memref<2x80x128xf32, #tpu.memory_space<vmem>>, vector<1x1x16xf32>,
        %get3A_411 = vector.shape_cast %get3A_410 : vector<1x1x16xf32> to vector<16xf32>
        %get3A_412 = arith.constant 1 : i32
        %get3A_413 = arith.index_cast %get3A_412 : i32 to index
        %get3A_414 = arith.index_cast %scan3A_306 : i32 to index
        %get3A_415 = arith.constant 80 : index
        %get3A_416 = tpu.vector_load %arg9[%get3A_413, %get3A_414, %get3A_415] {strides = array<i32>} : memref<2x80x128xf32, #tpu.memory_space<vmem>>, vector<1x1x16xf32>,
        %get3A_417 = vector.shape_cast %get3A_416 : vector<1x1x16xf32> to vector<16xf32>
        %mul3A_418 = arith.mulf %get3A_411, %get3A_417 : vector<16xf32>
        %swap3A_419 = arith.constant 1 : i32
        %swap3A_420 = arith.index_cast %swap3A_419 : i32 to index
        %swap3A_421 = arith.index_cast %scan3A_306 : i32 to index
        %swap3A_422 = arith.constant 80 : index
        %swap3A_423 = tpu.vector_load %arg8[%swap3A_420, %swap3A_421, %swap3A_422] {strides = array<i32>} : memref<2x80x128xf32, #tpu.memory_space<vmem>>, vector<1x1x16xf32>,
        %swap3A_424 = vector.shape_cast %swap3A_423 : vector<1x1x16xf32> to vector<16xf32>
        %swap3A_425 = vector.shape_cast %mul3A_418 : vector<16xf32> to vector<1x1x16xf32>
        tpu.vector_store %arg8[%swap3A_420, %swap3A_421, %swap3A_422], %swap3A_425 {strides = array<i32>} : memref<2x80x128xf32, #tpu.memory_space<vmem>>, vector<1x1x16xf32>,
        %get3A_426 = arith.constant 1 : i32
        %get3A_427 = arith.index_cast %get3A_426 : i32 to index
        %get3A_428 = arith.index_cast %scan3A_306 : i32 to index
        %get3A_429 = arith.constant 96 : index
        %get3A_430 = tpu.vector_load %arg8[%get3A_427, %get3A_428, %get3A_429] {strides = array<i32>} : memref<2x80x128xf32, #tpu.memory_space<vmem>>, vector<1x1x16xf32>,
        %get3A_431 = vector.shape_cast %get3A_430 : vector<1x1x16xf32> to vector<16xf32>
        %get3A_432 = arith.constant 1 : i32
        %get3A_433 = arith.index_cast %get3A_432 : i32 to index
        %get3A_434 = arith.index_cast %scan3A_306 : i32 to index
        %get3A_435 = arith.constant 96 : index
        %get3A_436 = tpu.vector_load %arg9[%get3A_433, %get3A_434, %get3A_435] {strides = array<i32>} : memref<2x80x128xf32, #tpu.memory_space<vmem>>, vector<1x1x16xf32>,
        %get3A_437 = vector.shape_cast %get3A_436 : vector<1x1x16xf32> to vector<16xf32>
        %mul3A_438 = arith.mulf %get3A_431, %get3A_437 : vector<16xf32>
        %swap3A_439 = arith.constant 1 : i32
        %swap3A_440 = arith.index_cast %swap3A_439 : i32 to index
        %swap3A_441 = arith.index_cast %scan3A_306 : i32 to index
        %swap3A_442 = arith.constant 96 : index
        %swap3A_443 = tpu.vector_load %arg8[%swap3A_440, %swap3A_441, %swap3A_442] {strides = array<i32>} : memref<2x80x128xf32, #tpu.memory_space<vmem>>, vector<1x1x16xf32>,
        %swap3A_444 = vector.shape_cast %swap3A_443 : vector<1x1x16xf32> to vector<16xf32>
        %swap3A_445 = vector.shape_cast %mul3A_438 : vector<16xf32> to vector<1x1x16xf32>
        tpu.vector_store %arg8[%swap3A_440, %swap3A_441, %swap3A_442], %swap3A_445 {strides = array<i32>} : memref<2x80x128xf32, #tpu.memory_space<vmem>>, vector<1x1x16xf32>,
        %get3A_446 = arith.constant 1 : i32
        %get3A_447 = arith.index_cast %get3A_446 : i32 to index
        %get3A_448 = arith.index_cast %scan3A_306 : i32 to index
        %get3A_449 = arith.constant 112 : index
        %get3A_450 = tpu.vector_load %arg8[%get3A_447, %get3A_448, %get3A_449] {strides = array<i32>} : memref<2x80x128xf32, #tpu.memory_space<vmem>>, vector<1x1x16xf32>,
        %get3A_451 = vector.shape_cast %get3A_450 : vector<1x1x16xf32> to vector<16xf32>
        %get3A_452 = arith.constant 1 : i32
        %get3A_453 = arith.index_cast %get3A_452 : i32 to index
        %get3A_454 = arith.index_cast %scan3A_306 : i32 to index
        %get3A_455 = arith.constant 112 : index
        %get3A_456 = tpu.vector_load %arg9[%get3A_453, %get3A_454, %get3A_455] {strides = array<i32>} : memref<2x80x128xf32, #tpu.memory_space<vmem>>, vector<1x1x16xf32>,
        %get3A_457 = vector.shape_cast %get3A_456 : vector<1x1x16xf32> to vector<16xf32>
        %mul3A_458 = arith.mulf %get3A_451, %get3A_457 : vector<16xf32>
        %swap3A_459 = arith.constant 1 : i32
        %swap3A_460 = arith.index_cast %swap3A_459 : i32 to index
        %swap3A_461 = arith.index_cast %scan3A_306 : i32 to index
        %swap3A_462 = arith.constant 112 : index
        %swap3A_463 = tpu.vector_load %arg8[%swap3A_460, %swap3A_461, %swap3A_462] {strides = array<i32>} : memref<2x80x128xf32, #tpu.memory_space<vmem>>, vector<1x1x16xf32>,
        %swap3A_464 = vector.shape_cast %swap3A_463 : vector<1x1x16xf32> to vector<16xf32>
        %swap3A_465 = vector.shape_cast %mul3A_458 : vector<16xf32> to vector<1x1x16xf32>
        tpu.vector_store %arg8[%swap3A_460, %swap3A_461, %swap3A_462], %swap3A_465 {strides = array<i32>} : memref<2x80x128xf32, #tpu.memory_space<vmem>>, vector<1x1x16xf32>,
        %scan3A_466 = arith.constant 0 : i32
        scf.yield %scan3A_466 : i32
      }
      %scan3A_264 = arith.constant 80 : i32
      %run_scoped3A_265 = arith.constant 1 : i32
      %run_scoped3A_266 = arith.constant 1 : i32
      %run_scoped3A_267 = arith.constant 2 : i32
      "tpu.region"() ({
        %run_scoped3A_306 = tpu.sem_alloc : memref<!tpu.dma_semaphore, #tpu.memory_space<semaphore_mem>>
        %dma_start3A_307 = arith.constant 0 : i32
        %dma_start3A_308 = arith.constant 0 : i32
        %dma_start3A_309 = tpu.memref_slice %arg8[%run_scoped3A_265, %dma_start3A_307, %dma_start3A_308] : memref<2x80x128xf32, #tpu.memory_space<vmem>> -> memref<1x80x128xf32, #tpu.memory_space<vmem>>
        %dma_start3A_310 = tpu.memref_squeeze %dma_start3A_309 : memref<1x80x128xf32, #tpu.memory_space<vmem>> -> memref<80x128xf32, #tpu.memory_space<vmem>>
        %dma_start3A_311 = arith.constant 0 : i32
        %dma_start3A_312 = arith.constant 0 : i32
        %dma_start3A_313 = tpu.memref_slice %arg7[%run_scoped3A_266, %dma_start3A_311, %dma_start3A_312] : memref<2x3x80xi32, #tpu.memory_space<vmem>> -> memref<1x3x80xi32, #tpu.memory_space<vmem>>
        %dma_start3A_314 = tpu.memref_squeeze %dma_start3A_313 : memref<1x3x80xi32, #tpu.memory_space<vmem>> -> memref<3x80xi32, #tpu.memory_space<vmem>>
        %dma_start3A_315 = arith.constant 0 : i32
        %dma_start3A_316 = tpu.memref_slice %dma_start3A_314[%run_scoped3A_267, %dma_start3A_315] : memref<3x80xi32, #tpu.memory_space<vmem>> -> memref<1x80xi32, #tpu.memory_space<vmem>>
        %dma_start3A_317 = tpu.memref_squeeze %dma_start3A_316 : memref<1x80xi32, #tpu.memory_space<vmem>> -> memref<80xi32, #tpu.memory_space<vmem>>
        %dma_start3A_318 = arith.constant 0 : i32
        %dma_start3A_319 = arith.constant 0 : i32
        %dma_start3A_320 = tpu.memref_slice %arg10[%dma_start3A_318, %dma_start3A_319] : memref<10240x128xf32, #tpu.memory_space<vmem_shared>> -> memref<10240x128xf32, #tpu.memory_space<vmem_shared>>
        tpu.enqueue_indirect_dma source(%dma_start3A_310 : memref<80x128xf32, #tpu.memory_space<vmem>>) target(%dma_start3A_320 : memref<10240x128xf32, #tpu.memory_space<vmem_shared>>) offsets(%dma_start3A_317 : memref<80xi32, #tpu.memory_space<vmem>>) semaphore(%run_scoped3A_306 : memref<!tpu.dma_semaphore, #tpu.memory_space<semaphore_mem>>) {add = true}
        %dma_wait3A_321 = arith.constant 0 : i32
        %dma_wait3A_322 = arith.constant 0 : i32
        %dma_wait3A_323 = tpu.memref_slice %arg8[%run_scoped3A_265, %dma_wait3A_321, %dma_wait3A_322] : memref<2x80x128xf32, #tpu.memory_space<vmem>> -> memref<1x80x128xf32, #tpu.memory_space<vmem>>
        %dma_wait3A_324 = tpu.memref_squeeze %dma_wait3A_323 : memref<1x80x128xf32, #tpu.memory_space<vmem>> -> memref<80x128xf32, #tpu.memory_space<vmem>>
        %dma_wait3A_325 = arith.constant 0 : i32
        %dma_wait3A_326 = arith.constant 0 : i32
        %dma_wait3A_327 = tpu.memref_slice %arg7[%run_scoped3A_266, %dma_wait3A_325, %dma_wait3A_326] : memref<2x3x80xi32, #tpu.memory_space<vmem>> -> memref<1x3x80xi32, #tpu.memory_space<vmem>>
        %dma_wait3A_328 = tpu.memref_squeeze %dma_wait3A_327 : memref<1x3x80xi32, #tpu.memory_space<vmem>> -> memref<3x80xi32, #tpu.memory_space<vmem>>
        %dma_wait3A_329 = arith.constant 0 : i32
        %dma_wait3A_330 = tpu.memref_slice %dma_wait3A_328[%run_scoped3A_267, %dma_wait3A_329] : memref<3x80xi32, #tpu.memory_space<vmem>> -> memref<1x80xi32, #tpu.memory_space<vmem>>
        %dma_wait3A_331 = tpu.memref_squeeze %dma_wait3A_330 : memref<1x80xi32, #tpu.memory_space<vmem>> -> memref<80xi32, #tpu.memory_space<vmem>>
        %dma_wait3A_332 = arith.constant 0 : i32
        %dma_wait3A_333 = arith.constant 0 : i32
        %dma_wait3A_334 = tpu.memref_slice %arg10[%dma_wait3A_332, %dma_wait3A_333] : memref<10240x128xf32, #tpu.memory_space<vmem_shared>> -> memref<10240x128xf32, #tpu.memory_space<vmem_shared>>
        tpu.wait_indirect_dma semaphore(%run_scoped3A_306 : memref<!tpu.dma_semaphore, #tpu.memory_space<semaphore_mem>>) src(%dma_wait3A_324 : memref<80x128xf32, #tpu.memory_space<vmem>>) dst(%dma_wait3A_334 : memref<10240x128xf32, #tpu.memory_space<vmem_shared>>)
        tpu.yield
      }) : () -> ()
      %add3A_268 = arith.constant 2 : i32
      %add3A_269 = arith.addi %add3A_227, %add3A_268 : i32
      %run_scoped3A_270 = arith.constant 1 : i32
      "tpu.region"() ({
        %run_scoped3A_306 = tpu.sem_alloc : memref<!tpu.dma_semaphore, #tpu.memory_space<semaphore_mem>>
        %dma_start3A_307 = arith.constant 0 : i32
        %dma_start3A_308 = arith.constant 0 : i32
        %dma_start3A_309 = tpu.memref_slice %arg7[%run_scoped3A_270, %dma_start3A_307, %dma_start3A_308] : memref<2x3x80xi32, #tpu.memory_space<vmem>> -> memref<1x3x80xi32, #tpu.memory_space<vmem>>
        %dma_start3A_310 = tpu.memref_squeeze %dma_start3A_309 : memref<1x3x80xi32, #tpu.memory_space<vmem>> -> memref<3x80xi32, #tpu.memory_space<vmem>>
        %dma_start3A_311 = arith.constant 0 : i32
        %dma_start3A_312 = arith.constant 0 : i32
        %dma_start3A_313 = arith.constant 0 : i32
        %dma_start3A_314 = arith.constant 0 : i32
        %dma_start3A_315 = tpu.memref_slice %arg4[%arg0, %dma_start3A_311, %dma_start3A_312, %dma_start3A_313, %dma_start3A_314] : memref<2x16x128x3x80xi32, #tpu.memory_space<hbm>> -> memref<1x16x128x3x80xi32, #tpu.memory_space<hbm>>
        %dma_start3A_316 = tpu.memref_squeeze %dma_start3A_315 : memref<1x16x128x3x80xi32, #tpu.memory_space<hbm>> -> memref<16x128x3x80xi32, #tpu.memory_space<hbm>>
        %dma_start3A_317 = arith.constant 0 : i32
        %dma_start3A_318 = arith.constant 0 : i32
        %dma_start3A_319 = arith.constant 0 : i32
        %dma_start3A_320 = tpu.memref_slice %dma_start3A_316[%arg1, %dma_start3A_317, %dma_start3A_318, %dma_start3A_319] : memref<16x128x3x80xi32, #tpu.memory_space<hbm>> -> memref<1x128x3x80xi32, #tpu.memory_space<hbm>>
        %dma_start3A_321 = tpu.memref_squeeze %dma_start3A_320 : memref<1x128x3x80xi32, #tpu.memory_space<hbm>> -> memref<128x3x80xi32, #tpu.memory_space<hbm>>
        %dma_start3A_322 = arith.constant 0 : i32
        %dma_start3A_323 = arith.constant 0 : i32
        %dma_start3A_324 = tpu.memref_slice %dma_start3A_321[%add3A_269, %dma_start3A_322, %dma_start3A_323] : memref<128x3x80xi32, #tpu.memory_space<hbm>> -> memref<1x3x80xi32, #tpu.memory_space<hbm>>
        %dma_start3A_325 = tpu.memref_squeeze %dma_start3A_324 : memref<1x3x80xi32, #tpu.memory_space<hbm>> -> memref<3x80xi32, #tpu.memory_space<hbm>>
        %dma_start3A_326 = arith.constant 0 : i32
        %dma_start3A_327 = arith.constant 0 : i32
        %dma_start3A_328 = tpu.memref_slice %arg7[%run_scoped3A_270, %dma_start3A_326, %dma_start3A_327] : memref<2x3x80xi32, #tpu.memory_space<vmem>> -> memref<1x3x80xi32, #tpu.memory_space<vmem>>
        %dma_start3A_329 = tpu.memref_squeeze %dma_start3A_328 : memref<1x3x80xi32, #tpu.memory_space<vmem>> -> memref<3x80xi32, #tpu.memory_space<vmem>>
        %dma_start3A_330 = arith.constant 0 : i32
        %dma_start3A_331 = arith.constant 0 : i32
        %dma_start3A_332 = arith.constant 0 : i32
        %dma_start3A_333 = arith.constant 0 : i32
        %dma_start3A_334 = tpu.memref_slice %arg4[%arg0, %dma_start3A_330, %dma_start3A_331, %dma_start3A_332, %dma_start3A_333] : memref<2x16x128x3x80xi32, #tpu.memory_space<hbm>> -> memref<1x16x128x3x80xi32, #tpu.memory_space<hbm>>
        %dma_start3A_335 = tpu.memref_squeeze %dma_start3A_334 : memref<1x16x128x3x80xi32, #tpu.memory_space<hbm>> -> memref<16x128x3x80xi32, #tpu.memory_space<hbm>>
        %dma_start3A_336 = arith.constant 0 : i32
        %dma_start3A_337 = arith.constant 0 : i32
        %dma_start3A_338 = arith.constant 0 : i32
        %dma_start3A_339 = tpu.memref_slice %dma_start3A_335[%arg1, %dma_start3A_336, %dma_start3A_337, %dma_start3A_338] : memref<16x128x3x80xi32, #tpu.memory_space<hbm>> -> memref<1x128x3x80xi32, #tpu.memory_space<hbm>>
        %dma_start3A_340 = tpu.memref_squeeze %dma_start3A_339 : memref<1x128x3x80xi32, #tpu.memory_space<hbm>> -> memref<128x3x80xi32, #tpu.memory_space<hbm>>
        %dma_start3A_341 = arith.constant 0 : i32
        %dma_start3A_342 = arith.constant 0 : i32
        %dma_start3A_343 = tpu.memref_slice %dma_start3A_340[%add3A_269, %dma_start3A_341, %dma_start3A_342] : memref<128x3x80xi32, #tpu.memory_space<hbm>> -> memref<1x3x80xi32, #tpu.memory_space<hbm>>
        %dma_start3A_344 = tpu.memref_squeeze %dma_start3A_343 : memref<1x3x80xi32, #tpu.memory_space<hbm>> -> memref<3x80xi32, #tpu.memory_space<hbm>>
        tpu.enqueue_dma source(%dma_start3A_344 : memref<3x80xi32, #tpu.memory_space<hbm>>) target(%dma_start3A_329 : memref<3x80xi32, #tpu.memory_space<vmem>>) target_semaphore(%run_scoped3A_306 : memref<!tpu.dma_semaphore, #tpu.memory_space<semaphore_mem>>)
        %dma_wait3A_345 = arith.constant 0 : i32
        %dma_wait3A_346 = arith.constant 0 : i32
        %dma_wait3A_347 = tpu.memref_slice %arg7[%run_scoped3A_270, %dma_wait3A_345, %dma_wait3A_346] : memref<2x3x80xi32, #tpu.memory_space<vmem>> -> memref<1x3x80xi32, #tpu.memory_space<vmem>>
        %dma_wait3A_348 = tpu.memref_squeeze %dma_wait3A_347 : memref<1x3x80xi32, #tpu.memory_space<vmem>> -> memref<3x80xi32, #tpu.memory_space<vmem>>
        %dma_wait3A_349 = arith.constant 0 : i32
        %dma_wait3A_350 = arith.constant 0 : i32
        %dma_wait3A_351 = arith.constant 0 : i32
        %dma_wait3A_352 = arith.constant 0 : i32
        %dma_wait3A_353 = tpu.memref_slice %arg4[%arg0, %dma_wait3A_349, %dma_wait3A_350, %dma_wait3A_351, %dma_wait3A_352] : memref<2x16x128x3x80xi32, #tpu.memory_space<hbm>> -> memref<1x16x128x3x80xi32, #tpu.memory_space<hbm>>
        %dma_wait3A_354 = tpu.memref_squeeze %dma_wait3A_353 : memref<1x16x128x3x80xi32, #tpu.memory_space<hbm>> -> memref<16x128x3x80xi32, #tpu.memory_space<hbm>>
        %dma_wait3A_355 = arith.constant 0 : i32
        %dma_wait3A_356 = arith.constant 0 : i32
        %dma_wait3A_357 = arith.constant 0 : i32
        %dma_wait3A_358 = tpu.memref_slice %dma_wait3A_354[%arg1, %dma_wait3A_355, %dma_wait3A_356, %dma_wait3A_357] : memref<16x128x3x80xi32, #tpu.memory_space<hbm>> -> memref<1x128x3x80xi32, #tpu.memory_space<hbm>>
        %dma_wait3A_359 = tpu.memref_squeeze %dma_wait3A_358 : memref<1x128x3x80xi32, #tpu.memory_space<hbm>> -> memref<128x3x80xi32, #tpu.memory_space<hbm>>
        %dma_wait3A_360 = arith.constant 0 : i32
        %dma_wait3A_361 = arith.constant 0 : i32
        %dma_wait3A_362 = tpu.memref_slice %dma_wait3A_359[%add3A_269, %dma_wait3A_360, %dma_wait3A_361] : memref<128x3x80xi32, #tpu.memory_space<hbm>> -> memref<1x3x80xi32, #tpu.memory_space<hbm>>
        %dma_wait3A_363 = tpu.memref_squeeze %dma_wait3A_362 : memref<1x3x80xi32, #tpu.memory_space<hbm>> -> memref<3x80xi32, #tpu.memory_space<hbm>>
        %dma_wait3A_364 = arith.constant 0 : i32
        %dma_wait3A_365 = arith.constant 0 : i32
        %dma_wait3A_366 = tpu.memref_slice %arg7[%run_scoped3A_270, %dma_wait3A_364, %dma_wait3A_365] : memref<2x3x80xi32, #tpu.memory_space<vmem>> -> memref<1x3x80xi32, #tpu.memory_space<vmem>>
        %dma_wait3A_367 = tpu.memref_squeeze %dma_wait3A_366 : memref<1x3x80xi32, #tpu.memory_space<vmem>> -> memref<3x80xi32, #tpu.memory_space<vmem>>
        %dma_wait3A_368 = arith.constant 0 : i32
        %dma_wait3A_369 = arith.constant 0 : i32
        %dma_wait3A_370 = arith.constant 0 : i32
        %dma_wait3A_371 = arith.constant 0 : i32
        %dma_wait3A_372 = tpu.memref_slice %arg4[%arg0, %dma_wait3A_368, %dma_wait3A_369, %dma_wait3A_370, %dma_wait3A_371] : memref<2x16x128x3x80xi32, #tpu.memory_space<hbm>> -> memref<1x16x128x3x80xi32, #tpu.memory_space<hbm>>
        %dma_wait3A_373 = tpu.memref_squeeze %dma_wait3A_372 : memref<1x16x128x3x80xi32, #tpu.memory_space<hbm>> -> memref<16x128x3x80xi32, #tpu.memory_space<hbm>>
        %dma_wait3A_374 = arith.constant 0 : i32
        %dma_wait3A_375 = arith.constant 0 : i32
        %dma_wait3A_376 = arith.constant 0 : i32
        %dma_wait3A_377 = tpu.memref_slice %dma_wait3A_373[%arg1, %dma_wait3A_374, %dma_wait3A_375, %dma_wait3A_376] : memref<16x128x3x80xi32, #tpu.memory_space<hbm>> -> memref<1x128x3x80xi32, #tpu.memory_space<hbm>>
        %dma_wait3A_378 = tpu.memref_squeeze %dma_wait3A_377 : memref<1x128x3x80xi32, #tpu.memory_space<hbm>> -> memref<128x3x80xi32, #tpu.memory_space<hbm>>
        %dma_wait3A_379 = arith.constant 0 : i32
        %dma_wait3A_380 = arith.constant 0 : i32
        %dma_wait3A_381 = tpu.memref_slice %dma_wait3A_378[%add3A_269, %dma_wait3A_379, %dma_wait3A_380] : memref<128x3x80xi32, #tpu.memory_space<hbm>> -> memref<1x3x80xi32, #tpu.memory_space<hbm>>
        %dma_wait3A_382 = tpu.memref_squeeze %dma_wait3A_381 : memref<1x3x80xi32, #tpu.memory_space<hbm>> -> memref<3x80xi32, #tpu.memory_space<hbm>>
        tpu.wait_dma2 semaphore(%run_scoped3A_306 : memref<!tpu.dma_semaphore, #tpu.memory_space<semaphore_mem>>) src(%dma_wait3A_382 : memref<3x80xi32, #tpu.memory_space<hbm>>) dst(%dma_wait3A_367 : memref<3x80xi32, #tpu.memory_space<vmem>>)
        tpu.yield
      }) : () -> ()
      %dma_start3A_271 = arith.constant 1 : i32
      %dma_start3A_272 = arith.constant 0 : i32
      %dma_start3A_273 = arith.constant 1 : i32
      %dma_start3A_274 = arith.constant 0 : i32
      %dma_start3A_275 = arith.constant 0 : i32
      %dma_start3A_276 = tpu.memref_slice %arg8[%dma_start3A_273, %dma_start3A_274, %dma_start3A_275] : memref<2x80x128xf32, #tpu.memory_space<vmem>> -> memref<1x80x128xf32, #tpu.memory_space<vmem>>
      %dma_start3A_277 = tpu.memref_squeeze %dma_start3A_276 : memref<1x80x128xf32, #tpu.memory_space<vmem>> -> memref<80x128xf32, #tpu.memory_space<vmem>>
      %dma_start3A_278 = arith.constant 0 : i32
      %dma_start3A_279 = arith.constant 0 : i32
      %dma_start3A_280 = tpu.memref_slice %arg7[%dma_start3A_271, %dma_start3A_278, %dma_start3A_279] : memref<2x3x80xi32, #tpu.memory_space<vmem>> -> memref<1x3x80xi32, #tpu.memory_space<vmem>>
      %dma_start3A_281 = tpu.memref_squeeze %dma_start3A_280 : memref<1x3x80xi32, #tpu.memory_space<vmem>> -> memref<3x80xi32, #tpu.memory_space<vmem>>
      %dma_start3A_282 = arith.constant 0 : i32
      %dma_start3A_283 = tpu.memref_slice %dma_start3A_281[%dma_start3A_272, %dma_start3A_282] : memref<3x80xi32, #tpu.memory_space<vmem>> -> memref<1x80xi32, #tpu.memory_space<vmem>>
      %dma_start3A_284 = tpu.memref_squeeze %dma_start3A_283 : memref<1x80xi32, #tpu.memory_space<vmem>> -> memref<80xi32, #tpu.memory_space<vmem>>
      %dma_start3A_285 = arith.constant 0 : i32
      %dma_start3A_286 = arith.constant 0 : i32
      %dma_start3A_287 = tpu.memref_slice %arg2[%dma_start3A_285, %dma_start3A_286] : memref<20000x128xf32, #tpu.memory_space<hbm>> -> memref<20000x128xf32, #tpu.memory_space<hbm>>
      tpu.enqueue_indirect_dma source(%dma_start3A_287 : memref<20000x128xf32, #tpu.memory_space<hbm>>) target(%dma_start3A_277 : memref<80x128xf32, #tpu.memory_space<vmem>>) offsets(%dma_start3A_284 : memref<80xi32, #tpu.memory_space<vmem>>) semaphore(%arg12 : memref<!tpu.dma_semaphore, #tpu.memory_space<semaphore_mem>>)
      %dma_start3A_288 = arith.constant 1 : i32
      %dma_start3A_289 = arith.constant 1 : i32
      %dma_start3A_290 = arith.constant 1 : i32
      %dma_start3A_291 = arith.constant 0 : i32
      %dma_start3A_292 = arith.constant 0 : i32
      %dma_start3A_293 = tpu.memref_slice %arg9[%dma_start3A_290, %dma_start3A_291, %dma_start3A_292] : memref<2x80x128xf32, #tpu.memory_space<vmem>> -> memref<1x80x128xf32, #tpu.memory_space<vmem>>
      %dma_start3A_294 = tpu.memref_squeeze %dma_start3A_293 : memref<1x80x128xf32, #tpu.memory_space<vmem>> -> memref<80x128xf32, #tpu.memory_space<vmem>>
      %dma_start3A_295 = arith.constant 0 : i32
      %dma_start3A_296 = arith.constant 0 : i32
      %dma_start3A_297 = tpu.memref_slice %arg7[%dma_start3A_288, %dma_start3A_295, %dma_start3A_296] : memref<2x3x80xi32, #tpu.memory_space<vmem>> -> memref<1x3x80xi32, #tpu.memory_space<vmem>>
      %dma_start3A_298 = tpu.memref_squeeze %dma_start3A_297 : memref<1x3x80xi32, #tpu.memory_space<vmem>> -> memref<3x80xi32, #tpu.memory_space<vmem>>
      %dma_start3A_299 = arith.constant 0 : i32
      %dma_start3A_300 = tpu.memref_slice %dma_start3A_298[%dma_start3A_289, %dma_start3A_299] : memref<3x80xi32, #tpu.memory_space<vmem>> -> memref<1x80xi32, #tpu.memory_space<vmem>>
      %dma_start3A_301 = tpu.memref_squeeze %dma_start3A_300 : memref<1x80xi32, #tpu.memory_space<vmem>> -> memref<80xi32, #tpu.memory_space<vmem>>
      %dma_start3A_302 = arith.constant 0 : i32
      %dma_start3A_303 = arith.constant 0 : i32
      %dma_start3A_304 = tpu.memref_slice %arg3[%dma_start3A_302, %dma_start3A_303] : memref<400x128xf32, #tpu.memory_space<hbm>> -> memref<400x128xf32, #tpu.memory_space<hbm>>
      tpu.enqueue_indirect_dma source(%dma_start3A_304 : memref<400x128xf32, #tpu.memory_space<hbm>>) target(%dma_start3A_294 : memref<80x128xf32, #tpu.memory_space<vmem>>) offsets(%dma_start3A_301 : memref<80xi32, #tpu.memory_space<vmem>>) semaphore(%arg14 : memref<!tpu.dma_semaphore, #tpu.memory_space<semaphore_mem>>)
      %scan3A_305 = arith.constant 0 : i32
      scf.yield %scan3A_305 : i32
    }
    %scan3A_76 = arith.constant 63 : i32
    %dma_wait3A = arith.constant 0 : i32
    %dma_wait3A_77 = arith.constant 0 : i32
    %dma_wait3A_78 = arith.constant 0 : i32
    %dma_wait3A_79 = tpu.memref_slice %arg8[%dma_wait3A, %dma_wait3A_77, %dma_wait3A_78] : memref<2x80x128xf32, #tpu.memory_space<vmem>> -> memref<1x80x128xf32, #tpu.memory_space<vmem>>
    %dma_wait3A_80 = tpu.memref_squeeze %dma_wait3A_79 : memref<1x80x128xf32, #tpu.memory_space<vmem>> -> memref<80x128xf32, #tpu.memory_space<vmem>>
    %dma_wait3A_81 = arith.constant 0 : i32
    %dma_wait3A_82 = arith.constant 0 : i32
    %dma_wait3A_83 = tpu.memref_slice %arg5[%dma_wait3A_81, %dma_wait3A_82] : memref<10240x128xf32, #tpu.memory_space<hbm>> -> memref<80x128xf32, #tpu.memory_space<hbm>>
    %dma_wait3A_84 = arith.constant 0 : i32
    %dma_wait3A_85 = arith.constant 0 : i32
    %dma_wait3A_86 = tpu.memref_slice %arg8[%dma_wait3A, %dma_wait3A_84, %dma_wait3A_85] : memref<2x80x128xf32, #tpu.memory_space<vmem>> -> memref<1x80x128xf32, #tpu.memory_space<vmem>>
    %dma_wait3A_87 = tpu.memref_squeeze %dma_wait3A_86 : memref<1x80x128xf32, #tpu.memory_space<vmem>> -> memref<80x128xf32, #tpu.memory_space<vmem>>
    %dma_wait3A_88 = arith.constant 0 : i32
    %dma_wait3A_89 = arith.constant 0 : i32
    %dma_wait3A_90 = tpu.memref_slice %arg5[%dma_wait3A_88, %dma_wait3A_89] : memref<10240x128xf32, #tpu.memory_space<hbm>> -> memref<80x128xf32, #tpu.memory_space<hbm>>
    tpu.wait_dma2 semaphore(%arg11 : memref<!tpu.dma_semaphore, #tpu.memory_space<semaphore_mem>>) src(%dma_wait3A_90 : memref<80x128xf32, #tpu.memory_space<hbm>>) dst(%dma_wait3A_87 : memref<80x128xf32, #tpu.memory_space<vmem>>)
    %dma_wait3A_91 = arith.constant 0 : i32
    %dma_wait3A_92 = arith.constant 0 : i32
    %dma_wait3A_93 = arith.constant 0 : i32
    %dma_wait3A_94 = tpu.memref_slice %arg9[%dma_wait3A_91, %dma_wait3A_92, %dma_wait3A_93] : memref<2x80x128xf32, #tpu.memory_space<vmem>> -> memref<1x80x128xf32, #tpu.memory_space<vmem>>
    %dma_wait3A_95 = tpu.memref_squeeze %dma_wait3A_94 : memref<1x80x128xf32, #tpu.memory_space<vmem>> -> memref<80x128xf32, #tpu.memory_space<vmem>>
    %dma_wait3A_96 = arith.constant 0 : i32
    %dma_wait3A_97 = arith.constant 0 : i32
    %dma_wait3A_98 = tpu.memref_slice %arg5[%dma_wait3A_96, %dma_wait3A_97] : memref<10240x128xf32, #tpu.memory_space<hbm>> -> memref<80x128xf32, #tpu.memory_space<hbm>>
    %dma_wait3A_99 = arith.constant 0 : i32
    %dma_wait3A_100 = arith.constant 0 : i32
    %dma_wait3A_101 = tpu.memref_slice %arg9[%dma_wait3A_91, %dma_wait3A_99, %dma_wait3A_100] : memref<2x80x128xf32, #tpu.memory_space<vmem>> -> memref<1x80x128xf32, #tpu.memory_space<vmem>>
    %dma_wait3A_102 = tpu.memref_squeeze %dma_wait3A_101 : memref<1x80x128xf32, #tpu.memory_space<vmem>> -> memref<80x128xf32, #tpu.memory_space<vmem>>
    %dma_wait3A_103 = arith.constant 0 : i32
    %dma_wait3A_104 = arith.constant 0 : i32
    %dma_wait3A_105 = tpu.memref_slice %arg5[%dma_wait3A_103, %dma_wait3A_104] : memref<10240x128xf32, #tpu.memory_space<hbm>> -> memref<80x128xf32, #tpu.memory_space<hbm>>
    tpu.wait_dma2 semaphore(%arg13 : memref<!tpu.dma_semaphore, #tpu.memory_space<semaphore_mem>>) src(%dma_wait3A_105 : memref<80x128xf32, #tpu.memory_space<hbm>>) dst(%dma_wait3A_102 : memref<80x128xf32, #tpu.memory_space<vmem>>)
    %dma_wait3A_106 = arith.constant 1 : i32
    %dma_wait3A_107 = arith.constant 0 : i32
    %dma_wait3A_108 = arith.constant 0 : i32
    %dma_wait3A_109 = tpu.memref_slice %arg8[%dma_wait3A_106, %dma_wait3A_107, %dma_wait3A_108] : memref<2x80x128xf32, #tpu.memory_space<vmem>> -> memref<1x80x128xf32, #tpu.memory_space<vmem>>
    %dma_wait3A_110 = tpu.memref_squeeze %dma_wait3A_109 : memref<1x80x128xf32, #tpu.memory_space<vmem>> -> memref<80x128xf32, #tpu.memory_space<vmem>>
    %dma_wait3A_111 = arith.constant 0 : i32
    %dma_wait3A_112 = arith.constant 0 : i32
    %dma_wait3A_113 = tpu.memref_slice %arg5[%dma_wait3A_111, %dma_wait3A_112] : memref<10240x128xf32, #tpu.memory_space<hbm>> -> memref<80x128xf32, #tpu.memory_space<hbm>>
    %dma_wait3A_114 = arith.constant 0 : i32
    %dma_wait3A_115 = arith.constant 0 : i32
    %dma_wait3A_116 = tpu.memref_slice %arg8[%dma_wait3A_106, %dma_wait3A_114, %dma_wait3A_115] : memref<2x80x128xf32, #tpu.memory_space<vmem>> -> memref<1x80x128xf32, #tpu.memory_space<vmem>>
    %dma_wait3A_117 = tpu.memref_squeeze %dma_wait3A_116 : memref<1x80x128xf32, #tpu.memory_space<vmem>> -> memref<80x128xf32, #tpu.memory_space<vmem>>
    %dma_wait3A_118 = arith.constant 0 : i32
    %dma_wait3A_119 = arith.constant 0 : i32
    %dma_wait3A_120 = tpu.memref_slice %arg5[%dma_wait3A_118, %dma_wait3A_119] : memref<10240x128xf32, #tpu.memory_space<hbm>> -> memref<80x128xf32, #tpu.memory_space<hbm>>
    tpu.wait_dma2 semaphore(%arg12 : memref<!tpu.dma_semaphore, #tpu.memory_space<semaphore_mem>>) src(%dma_wait3A_120 : memref<80x128xf32, #tpu.memory_space<hbm>>) dst(%dma_wait3A_117 : memref<80x128xf32, #tpu.memory_space<vmem>>)
    %dma_wait3A_121 = arith.constant 1 : i32
    %dma_wait3A_122 = arith.constant 0 : i32
    %dma_wait3A_123 = arith.constant 0 : i32
    %dma_wait3A_124 = tpu.memref_slice %arg9[%dma_wait3A_121, %dma_wait3A_122, %dma_wait3A_123] : memref<2x80x128xf32, #tpu.memory_space<vmem>> -> memref<1x80x128xf32, #tpu.memory_space<vmem>>
    %dma_wait3A_125 = tpu.memref_squeeze %dma_wait3A_124 : memref<1x80x128xf32, #tpu.memory_space<vmem>> -> memref<80x128xf32, #tpu.memory_space<vmem>>
    %dma_wait3A_126 = arith.constant 0 : i32
    %dma_wait3A_127 = arith.constant 0 : i32
    %dma_wait3A_128 = tpu.memref_slice %arg5[%dma_wait3A_126, %dma_wait3A_127] : memref<10240x128xf32, #tpu.memory_space<hbm>> -> memref<80x128xf32, #tpu.memory_space<hbm>>
    %dma_wait3A_129 = arith.constant 0 : i32
    %dma_wait3A_130 = arith.constant 0 : i32
    %dma_wait3A_131 = tpu.memref_slice %arg9[%dma_wait3A_121, %dma_wait3A_129, %dma_wait3A_130] : memref<2x80x128xf32, #tpu.memory_space<vmem>> -> memref<1x80x128xf32, #tpu.memory_space<vmem>>
    %dma_wait3A_132 = tpu.memref_squeeze %dma_wait3A_131 : memref<1x80x128xf32, #tpu.memory_space<vmem>> -> memref<80x128xf32, #tpu.memory_space<vmem>>
    %dma_wait3A_133 = arith.constant 0 : i32
    %dma_wait3A_134 = arith.constant 0 : i32
    %dma_wait3A_135 = tpu.memref_slice %arg5[%dma_wait3A_133, %dma_wait3A_134] : memref<10240x128xf32, #tpu.memory_space<hbm>> -> memref<80x128xf32, #tpu.memory_space<hbm>>
    tpu.wait_dma2 semaphore(%arg14 : memref<!tpu.dma_semaphore, #tpu.memory_space<semaphore_mem>>) src(%dma_wait3A_135 : memref<80x128xf32, #tpu.memory_space<hbm>>) dst(%dma_wait3A_132 : memref<80x128xf32, #tpu.memory_space<vmem>>)
    %barrier3A_136 = arith.constant 0 : index
    tpu.barrier barrier_id(%barrier3A_136)
    %mul3A_137 = arith.constant 10240 : i32
    %mul3A_138 = arith.muli %arg0, %mul3A_137 : i32
    %mul3A_139 = arith.constant 640 : i32
    %mul3A_140 = arith.muli %arg1, %mul3A_139 : i32
    %add3A = arith.addi %mul3A_138, %mul3A_140 : i32
    "tpu.region"() ({
      %run_scoped3A_141 = tpu.sem_alloc : memref<!tpu.dma_semaphore, #tpu.memory_space<semaphore_mem>>
      %dma_start3A_142 = arith.constant 0 : i32
      %dma_start3A_143 = tpu.memref_slice %arg6[%add3A, %dma_start3A_142] : memref<20480x128xf32, #tpu.memory_space<hbm>> -> memref<640x128xf32, #tpu.memory_space<hbm>>
      %dma_start3A_144 = arith.constant 0 : i32
      %dma_start3A_145 = tpu.memref_slice %arg10[%mul3A_0, %dma_start3A_144] : memref<10240x128xf32, #tpu.memory_space<vmem_shared>> -> memref<640x128xf32, #tpu.memory_space<vmem_shared>>
      tpu.enqueue_dma source(%dma_start3A_145 : memref<640x128xf32, #tpu.memory_space<vmem_shared>>) target(%dma_start3A_143 : memref<640x128xf32, #tpu.memory_space<hbm>>) target_semaphore(%run_scoped3A_141 : memref<!tpu.dma_semaphore, #tpu.memory_space<semaphore_mem>>)
      %dma_wait3A_146 = arith.constant 0 : i32
      %dma_wait3A_147 = tpu.memref_slice %arg6[%add3A, %dma_wait3A_146] : memref<20480x128xf32, #tpu.memory_space<hbm>> -> memref<640x128xf32, #tpu.memory_space<hbm>>
      %dma_wait3A_148 = arith.constant 0 : i32
      %dma_wait3A_149 = tpu.memref_slice %arg10[%mul3A_0, %dma_wait3A_148] : memref<10240x128xf32, #tpu.memory_space<vmem_shared>> -> memref<640x128xf32, #tpu.memory_space<vmem_shared>>
      tpu.wait_dma2 semaphore(%run_scoped3A_141 : memref<!tpu.dma_semaphore, #tpu.memory_space<semaphore_mem>>) src(%dma_wait3A_149 : memref<640x128xf32, #tpu.memory_space<vmem_shared>>) dst(%dma_wait3A_147 : memref<640x128xf32, #tpu.memory_space<hbm>>)
      tpu.yield
    }) : () -> ()
    return
  }
}

module attributes {stable_mosaic.version = 14 : i64} {
  func.func @body(%arg0: i32, %arg1: memref<2x1000x128xf32, #tpu.memory_space<vmem>>, %arg2: memref<2x1000x128xf32, #tpu.memory_space<vmem>>, %arg3: memref<2x1000x128xf32, #tpu.memory_space<vmem>>, %arg4: memref<256x256xf32, #tpu.memory_space<vmem>>, %arg5: memref<256x256xf32, #tpu.memory_space<vmem>>, %arg6: memref<1x1xf32, #tpu.memory_space<smem>>, %arg7: memref<2x1000x128xf32, #tpu.memory_space<vmem>>) attributes {dimension_semantics = [#tpu.dimension_semantics<arbitrary>], iteration_bounds = array<i64: 10>, scalar_prefetch = 0 : i64, scratch_operands = 0 : i64, tpu.core_type = #tpu.core_type<tc>, window_params = [{transform_indices = @transform_0, window_bounds = array<i64: 2, 1000, 128>}, {transform_indices = @transform_1, window_bounds = array<i64: 2, 1000, 128>}, {transform_indices = @transform_2, window_bounds = array<i64: 2, 1000, 128>}, {pipeline_mode = #tpu.pipeline_mode<synchronous>, transform_indices = @transform_3, window_bounds = array<i64: 256, 256>}, {pipeline_mode = #tpu.pipeline_mode<synchronous>, transform_indices = @transform_4, window_bounds = array<i64: 256, 256>}, {transform_indices = @transform_5, window_bounds = array<i64: 1, 1>}, {transform_indices = @transform_6, window_bounds = array<i64: 2, 1000, 128>}]} {
    %get3A = arith.constant 0 : index
    %get3A_0 = arith.constant 0 : index
    %get3A_1 = arith.constant 0 : index
    %get3A_2 = vector.load %arg1[%get3A, %get3A_0, %get3A_1] : memref<2x1000x128xf32, #tpu.memory_space<vmem>>, vector<1x1000x128xf32>
    %get3A_3 = vector.shape_cast %get3A_2 : vector<1x1000x128xf32> to vector<1000x128xf32>
    %get3A_4 = arith.constant 1 : index
    %get3A_5 = arith.constant 0 : index
    %get3A_6 = arith.constant 0 : index
    %get3A_7 = vector.load %arg1[%get3A_4, %get3A_5, %get3A_6] : memref<2x1000x128xf32, #tpu.memory_space<vmem>>, vector<1x1000x128xf32>
    %get3A_8 = vector.shape_cast %get3A_7 : vector<1x1000x128xf32> to vector<1000x128xf32>
    %concatenate3A = tpu.concatenate %get3A_3, %get3A_8 in 1 : vector<1000x128xf32>, vector<1000x128xf32> -> vector<1000x256xf32>
    %get3A_9 = arith.constant 0 : index
    %get3A_10 = arith.constant 0 : index
    %get3A_11 = arith.constant 0 : index
    %get3A_12 = vector.load %arg3[%get3A_9, %get3A_10, %get3A_11] : memref<2x1000x128xf32, #tpu.memory_space<vmem>>, vector<1x1000x128xf32>
    %get3A_13 = vector.shape_cast %get3A_12 : vector<1x1000x128xf32> to vector<1000x128xf32>
    %get3A_14 = arith.constant 1 : index
    %get3A_15 = arith.constant 0 : index
    %get3A_16 = arith.constant 0 : index
    %get3A_17 = vector.load %arg3[%get3A_14, %get3A_15, %get3A_16] : memref<2x1000x128xf32, #tpu.memory_space<vmem>>, vector<1x1000x128xf32>
    %get3A_18 = vector.shape_cast %get3A_17 : vector<1x1000x128xf32> to vector<1000x128xf32>
    %concatenate3A_19 = tpu.concatenate %get3A_13, %get3A_18 in 1 : vector<1000x128xf32>, vector<1000x128xf32> -> vector<1000x256xf32>
    %get3A_20 = arith.constant 0 : index
    %get3A_21 = arith.constant 0 : index
    %get3A_22 = arith.constant 0 : index
    %get3A_23 = vector.load %arg2[%get3A_20, %get3A_21, %get3A_22] : memref<2x1000x128xf32, #tpu.memory_space<vmem>>, vector<1x1000x1xf32>
    %get3A_24 = vector.shape_cast %get3A_23 : vector<1x1000x1xf32> to vector<1000x1xf32>
    %get3A_25 = arith.constant 1 : index
    %get3A_26 = arith.constant 0 : index
    %get3A_27 = arith.constant 0 : index
    %get3A_28 = vector.load %arg2[%get3A_25, %get3A_26, %get3A_27] : memref<2x1000x128xf32, #tpu.memory_space<vmem>>, vector<1x1000x1xf32>
    %get3A_29 = vector.shape_cast %get3A_28 : vector<1x1000x1xf32> to vector<1000x1xf32>
    %add3A = arith.addf %get3A_24, %get3A_29 : vector<1000x1xf32>
    %max3A = arith.constant 1.000000e+00 : f32
    %max3A_30 = vector.broadcast %max3A : f32 to vector<1000x1xf32>
    %max3A_31 = arith.maximumf %add3A, %max3A_30 : vector<1000x1xf32>
    %div3A = arith.constant 1.000000e+00 : f32
    %div3A_32 = vector.broadcast %div3A : f32 to vector<1000x1xf32>
    %div3A_33 = arith.divf %div3A_32, %max3A_31 : vector<1000x1xf32>
    %mul3A = vector.broadcast %div3A_33 : vector<1000x1xf32> to vector<1000x256xf32>
    %mul3A_34 = arith.mulf %concatenate3A, %mul3A : vector<1000x256xf32>
    %get3A_35 = arith.constant 0 : index
    %get3A_36 = arith.constant 0 : index
    %get3A_37 = vector.load %arg4[%get3A_35, %get3A_36] : memref<256x256xf32, #tpu.memory_space<vmem>>, vector<256x256xf32>
    %dot_general3A = arith.constant dense<0.000000e+00> : vector<1000x256xf32>
    %dot_general3A_38 = tpu.matmul %mul3A_34, %get3A_37, %dot_general3A {dimension_numbers = #tpu.dot_dimension_numbers<[1], [0], [0], [1], [0, 0, 1, 1], [], []>, transpose_lhs_hint = false} : vector<1000x256xf32>, vector<256x256xf32>, vector<1000x256xf32> -> vector<1000x256xf32>
    %get3A_39 = arith.constant 0 : index
    %get3A_40 = arith.constant 0 : index
    %get3A_41 = vector.load %arg5[%get3A_39, %get3A_40] : memref<256x256xf32, #tpu.memory_space<vmem>>, vector<256x256xf32>
    %dot_general3A_42 = arith.constant dense<0.000000e+00> : vector<1000x256xf32>
    %dot_general3A_43 = tpu.matmul %concatenate3A_19, %get3A_41, %dot_general3A_42 {dimension_numbers = #tpu.dot_dimension_numbers<[1], [0], [0], [1], [0, 0, 1, 1], [], []>, transpose_lhs_hint = false} : vector<1000x256xf32>, vector<256x256xf32>, vector<1000x256xf32> -> vector<1000x256xf32>
    %add3A_44 = arith.addf %dot_general3A_38, %dot_general3A_43 : vector<1000x256xf32>
    %get3A_45 = arith.constant 0 : index
    %get3A_46 = arith.constant 0 : index
    %get3A_47 = memref.load %arg6[%get3A_45, %get3A_46] : memref<1x1xf32, #tpu.memory_space<smem>>
    %tanh3A = math.tanh %add3A_44 : vector<1000x256xf32>
    %mul3A_48 = vector.broadcast %get3A_47 : f32 to vector<1000x256xf32>
    %mul3A_49 = arith.mulf %mul3A_48, %tanh3A : vector<1000x256xf32>
    %add3A_50 = arith.addf %concatenate3A_19, %mul3A_49 : vector<1000x256xf32>
    %slice3A = vector.extract_strided_slice %add3A_50 {offsets = [0, 0], sizes = [1000, 128], strides = [1, 1]} : vector<1000x256xf32> to vector<1000x128xf32>
    %swap3A = arith.constant 0 : index
    %swap3A_51 = arith.constant 0 : index
    %swap3A_52 = arith.constant 0 : index
    %swap3A_53 = vector.load %arg7[%swap3A, %swap3A_51, %swap3A_52] : memref<2x1000x128xf32, #tpu.memory_space<vmem>>, vector<1x1000x128xf32>
    %swap3A_54 = vector.shape_cast %swap3A_53 : vector<1x1000x128xf32> to vector<1000x128xf32>
    %swap3A_55 = vector.shape_cast %slice3A : vector<1000x128xf32> to vector<1x1000x128xf32>
    tpu.vector_store %arg7[%swap3A, %swap3A_51, %swap3A_52], %swap3A_55 {strides = array<i32>} : memref<2x1000x128xf32, #tpu.memory_space<vmem>>, vector<1x1000x128xf32>,
    %slice3A_56 = vector.extract_strided_slice %add3A_50 {offsets = [0, 128], sizes = [1000, 128], strides = [1, 1]} : vector<1000x256xf32> to vector<1000x128xf32>
    %swap3A_57 = arith.constant 1 : index
    %swap3A_58 = arith.constant 0 : index
    %swap3A_59 = arith.constant 0 : index
    %swap3A_60 = vector.load %arg7[%swap3A_57, %swap3A_58, %swap3A_59] : memref<2x1000x128xf32, #tpu.memory_space<vmem>>, vector<1x1000x128xf32>
    %swap3A_61 = vector.shape_cast %swap3A_60 : vector<1x1000x128xf32> to vector<1000x128xf32>
    %swap3A_62 = vector.shape_cast %slice3A_56 : vector<1000x128xf32> to vector<1x1000x128xf32>
    tpu.vector_store %arg7[%swap3A_57, %swap3A_58, %swap3A_59], %swap3A_62 {strides = array<i32>} : memref<2x1000x128xf32, #tpu.memory_space<vmem>>, vector<1x1000x128xf32>,
    return
  }
  func.func @transform_0(%arg0: i32) -> (i32, i32, i32) {
    %c0_i32 = arith.constant 0 : i32
    %c0_i32_0 = arith.constant 0 : i32
    %c0_i32_1 = arith.constant 0 : i32
    return %c0_i32, %arg0, %c0_i32_0 : i32, i32, i32
  }
  func.func @transform_1(%arg0: i32) -> (i32, i32, i32) {
    %c0_i32 = arith.constant 0 : i32
    %c0_i32_0 = arith.constant 0 : i32
    %c0_i32_1 = arith.constant 0 : i32
    return %c0_i32, %arg0, %c0_i32_0 : i32, i32, i32
  }
  func.func @transform_2(%arg0: i32) -> (i32, i32, i32) {
    %c0_i32 = arith.constant 0 : i32
    %c0_i32_0 = arith.constant 0 : i32
    %c0_i32_1 = arith.constant 0 : i32
    return %c0_i32, %arg0, %c0_i32_0 : i32, i32, i32
  }
  func.func @transform_3(%arg0: i32) -> (i32, i32) {
    %c0_i32 = arith.constant 0 : i32
    %c0_i32_0 = arith.constant 0 : i32
    %c0_i32_1 = arith.constant 0 : i32
    return %c0_i32, %c0_i32_0 : i32, i32
  }
  func.func @transform_4(%arg0: i32) -> (i32, i32) {
    %c0_i32 = arith.constant 0 : i32
    %c0_i32_0 = arith.constant 0 : i32
    %c0_i32_1 = arith.constant 0 : i32
    return %c0_i32, %c0_i32_0 : i32, i32
  }
  func.func @transform_5(%arg0: i32) -> (i32, i32) {
    %c0_i32 = arith.constant 0 : i32
    %c0_i32_0 = arith.constant 0 : i32
    %c0_i32_1 = arith.constant 0 : i32
    return %c0_i32, %c0_i32_0 : i32, i32
  }
  func.func @transform_6(%arg0: i32) -> (i32, i32, i32) {
    %c0_i32 = arith.constant 0 : i32
    %c0_i32_0 = arith.constant 0 : i32
    %c0_i32_1 = arith.constant 0 : i32
    return %c0_i32, %arg0, %c0_i32_0 : i32, i32, i32
  }
}

module attributes {stable_mosaic.version = 14 : i64} {
  func.func @body(%arg0: i32, %arg1: memref<2x1000x128xf32, #tpu.memory_space<vmem>>, %arg2: memref<2x1000x128xf32, #tpu.memory_space<vmem>>, %arg3: memref<2x1000x128xf32, #tpu.memory_space<vmem>>, %arg4: memref<256x256xf32, #tpu.memory_space<vmem>>, %arg5: memref<256x256xf32, #tpu.memory_space<vmem>>, %arg6: memref<1x1xf32, #tpu.memory_space<smem>>, %arg7: memref<1000x256xf32, #tpu.memory_space<vmem>>) attributes {dimension_semantics = [#tpu.dimension_semantics<arbitrary>], iteration_bounds = array<i64: 10>, scalar_prefetch = 0 : i64, scratch_operands = 0 : i64, tpu.core_type = #tpu.core_type<tc>, window_params = [{transform_indices = @transform_0, window_bounds = array<i64: 2, 1000, 128>}, {transform_indices = @transform_1, window_bounds = array<i64: 2, 1000, 128>}, {transform_indices = @transform_2, window_bounds = array<i64: 2, 1000, 128>}, {pipeline_mode = #tpu.pipeline_mode<synchronous>, transform_indices = @transform_3, window_bounds = array<i64: 256, 256>}, {pipeline_mode = #tpu.pipeline_mode<synchronous>, transform_indices = @transform_4, window_bounds = array<i64: 256, 256>}, {transform_indices = @transform_5, window_bounds = array<i64: 1, 1>}, {transform_indices = @transform_6, window_bounds = array<i64: 1000, 256>}]} {
    %get3A = arith.constant 0 : index
    %get3A_0 = arith.constant 0 : index
    %get3A_1 = arith.constant 0 : index
    %get3A_2 = vector.load %arg1[%get3A, %get3A_0, %get3A_1] : memref<2x1000x128xf32, #tpu.memory_space<vmem>>, vector<1x1000x128xf32>
    %get3A_3 = vector.shape_cast %get3A_2 : vector<1x1000x128xf32> to vector<1000x128xf32>
    %get3A_4 = arith.constant 1 : index
    %get3A_5 = arith.constant 0 : index
    %get3A_6 = arith.constant 0 : index
    %get3A_7 = vector.load %arg1[%get3A_4, %get3A_5, %get3A_6] : memref<2x1000x128xf32, #tpu.memory_space<vmem>>, vector<1x1000x128xf32>
    %get3A_8 = vector.shape_cast %get3A_7 : vector<1x1000x128xf32> to vector<1000x128xf32>
    %concatenate3A = tpu.concatenate %get3A_3, %get3A_8 in 1 : vector<1000x128xf32>, vector<1000x128xf32> -> vector<1000x256xf32>
    %get3A_9 = arith.constant 0 : index
    %get3A_10 = arith.constant 0 : index
    %get3A_11 = arith.constant 0 : index
    %get3A_12 = vector.load %arg3[%get3A_9, %get3A_10, %get3A_11] : memref<2x1000x128xf32, #tpu.memory_space<vmem>>, vector<1x1000x128xf32>
    %get3A_13 = vector.shape_cast %get3A_12 : vector<1x1000x128xf32> to vector<1000x128xf32>
    %get3A_14 = arith.constant 1 : index
    %get3A_15 = arith.constant 0 : index
    %get3A_16 = arith.constant 0 : index
    %get3A_17 = vector.load %arg3[%get3A_14, %get3A_15, %get3A_16] : memref<2x1000x128xf32, #tpu.memory_space<vmem>>, vector<1x1000x128xf32>
    %get3A_18 = vector.shape_cast %get3A_17 : vector<1x1000x128xf32> to vector<1000x128xf32>
    %concatenate3A_19 = tpu.concatenate %get3A_13, %get3A_18 in 1 : vector<1000x128xf32>, vector<1000x128xf32> -> vector<1000x256xf32>
    %get3A_20 = arith.constant 0 : index
    %get3A_21 = arith.constant 0 : index
    %get3A_22 = arith.constant 0 : index
    %get3A_23 = vector.load %arg2[%get3A_20, %get3A_21, %get3A_22] : memref<2x1000x128xf32, #tpu.memory_space<vmem>>, vector<1x1000x1xf32>
    %get3A_24 = vector.shape_cast %get3A_23 : vector<1x1000x1xf32> to vector<1000x1xf32>
    %get3A_25 = arith.constant 1 : index
    %get3A_26 = arith.constant 0 : index
    %get3A_27 = arith.constant 0 : index
    %get3A_28 = vector.load %arg2[%get3A_25, %get3A_26, %get3A_27] : memref<2x1000x128xf32, #tpu.memory_space<vmem>>, vector<1x1000x1xf32>
    %get3A_29 = vector.shape_cast %get3A_28 : vector<1x1000x1xf32> to vector<1000x1xf32>
    %add3A = arith.addf %get3A_24, %get3A_29 : vector<1000x1xf32>
    %max3A = arith.constant 1.000000e+00 : f32
    %max3A_30 = vector.broadcast %max3A : f32 to vector<1000x1xf32>
    %max3A_31 = arith.maximumf %add3A, %max3A_30 : vector<1000x1xf32>
    %div3A = arith.constant 1.000000e+00 : f32
    %div3A_32 = vector.broadcast %div3A : f32 to vector<1000x1xf32>
    %div3A_33 = arith.divf %div3A_32, %max3A_31 : vector<1000x1xf32>
    %mul3A = vector.broadcast %div3A_33 : vector<1000x1xf32> to vector<1000x256xf32>
    %mul3A_34 = arith.mulf %concatenate3A, %mul3A : vector<1000x256xf32>
    %get3A_35 = arith.constant 0 : index
    %get3A_36 = arith.constant 0 : index
    %get3A_37 = vector.load %arg4[%get3A_35, %get3A_36] : memref<256x256xf32, #tpu.memory_space<vmem>>, vector<256x256xf32>
    %dot_general3A = arith.constant dense<0.000000e+00> : vector<1000x256xf32>
    %dot_general3A_38 = tpu.matmul %mul3A_34, %get3A_37, %dot_general3A {dimension_numbers = #tpu.dot_dimension_numbers<[1], [0], [0], [1], [0, 0, 1, 1], [], []>, transpose_lhs_hint = false} : vector<1000x256xf32>, vector<256x256xf32>, vector<1000x256xf32> -> vector<1000x256xf32>
    %get3A_39 = arith.constant 0 : index
    %get3A_40 = arith.constant 0 : index
    %get3A_41 = vector.load %arg5[%get3A_39, %get3A_40] : memref<256x256xf32, #tpu.memory_space<vmem>>, vector<256x256xf32>
    %dot_general3A_42 = arith.constant dense<0.000000e+00> : vector<1000x256xf32>
    %dot_general3A_43 = tpu.matmul %concatenate3A_19, %get3A_41, %dot_general3A_42 {dimension_numbers = #tpu.dot_dimension_numbers<[1], [0], [0], [1], [0, 0, 1, 1], [], []>, transpose_lhs_hint = false} : vector<1000x256xf32>, vector<256x256xf32>, vector<1000x256xf32> -> vector<1000x256xf32>
    %add3A_44 = arith.addf %dot_general3A_38, %dot_general3A_43 : vector<1000x256xf32>
    %get3A_45 = arith.constant 0 : index
    %get3A_46 = arith.constant 0 : index
    %get3A_47 = memref.load %arg6[%get3A_45, %get3A_46] : memref<1x1xf32, #tpu.memory_space<smem>>
    %tanh3A = math.tanh %add3A_44 : vector<1000x256xf32>
    %mul3A_48 = vector.broadcast %get3A_47 : f32 to vector<1000x256xf32>
    %mul3A_49 = arith.mulf %mul3A_48, %tanh3A : vector<1000x256xf32>
    %add3A_50 = arith.addf %concatenate3A_19, %mul3A_49 : vector<1000x256xf32>
    %swap3A = arith.constant 0 : index
    %swap3A_51 = arith.constant 0 : index
    %swap3A_52 = vector.load %arg7[%swap3A, %swap3A_51] : memref<1000x256xf32, #tpu.memory_space<vmem>>, vector<1000x256xf32>
    tpu.vector_store %arg7[%swap3A, %swap3A_51], %add3A_50 {strides = array<i32>} : memref<1000x256xf32, #tpu.memory_space<vmem>>, vector<1000x256xf32>,
    return
  }
  func.func @transform_0(%arg0: i32) -> (i32, i32, i32) {
    %c0_i32 = arith.constant 0 : i32
    %c0_i32_0 = arith.constant 0 : i32
    %c0_i32_1 = arith.constant 0 : i32
    return %c0_i32, %arg0, %c0_i32_0 : i32, i32, i32
  }
  func.func @transform_1(%arg0: i32) -> (i32, i32, i32) {
    %c0_i32 = arith.constant 0 : i32
    %c0_i32_0 = arith.constant 0 : i32
    %c0_i32_1 = arith.constant 0 : i32
    return %c0_i32, %arg0, %c0_i32_0 : i32, i32, i32
  }
  func.func @transform_2(%arg0: i32) -> (i32, i32, i32) {
    %c0_i32 = arith.constant 0 : i32
    %c0_i32_0 = arith.constant 0 : i32
    %c0_i32_1 = arith.constant 0 : i32
    return %c0_i32, %arg0, %c0_i32_0 : i32, i32, i32
  }
  func.func @transform_3(%arg0: i32) -> (i32, i32) {
    %c0_i32 = arith.constant 0 : i32
    %c0_i32_0 = arith.constant 0 : i32
    %c0_i32_1 = arith.constant 0 : i32
    return %c0_i32, %c0_i32_0 : i32, i32
  }
  func.func @transform_4(%arg0: i32) -> (i32, i32) {
    %c0_i32 = arith.constant 0 : i32
    %c0_i32_0 = arith.constant 0 : i32
    %c0_i32_1 = arith.constant 0 : i32
    return %c0_i32, %c0_i32_0 : i32, i32
  }
  func.func @transform_5(%arg0: i32) -> (i32, i32) {
    %c0_i32 = arith.constant 0 : i32
    %c0_i32_0 = arith.constant 0 : i32
    %c0_i32_1 = arith.constant 0 : i32
    return %c0_i32, %c0_i32_0 : i32, i32
  }
  func.func @transform_6(%arg0: i32) -> (i32, i32) {
    %c0_i32 = arith.constant 0 : i32
    %c0_i32_0 = arith.constant 0 : i32
    return %arg0, %c0_i32 : i32, i32
  }
}

</mosaic_0001>

<sc_bundles>
// kernel: kernel.10.cloned.1.call-start
scs
__scs_entry_jumppad:
0x0: {  	(pc) =	sbr.rel $0x88, $3  }
0x1: {  	(tag) =	ssettag $0x0;
	lr =	simm.s32 $0x1  }
0x2: {  	[smem:$0x3F94] =	sst lr;
	_ =	strace $0xD0000000  }
0x3: {  	_ = 	snop  }
0x4: {  	_ = 	snop  }
0x5: {  	_ = 	snop  }
0x6: {  	_ = 	snop  }
0x7: {  	_ = 	snop  }
__scs_overlays_trampoline_lowered:
0x8: {  	[smem:$0x3FA3] =	sst s0  }
0x9: {  	[smem:$0x3FA4] =	sst s1  }
0xa: {  	[smem:$0x3FA5] =	sst s2  }
0xb: {  	[smem:$0x3FA6] =	sst s3  }
0xc: {  	[smem:$0x3FA7] =	sst s4  }
0xd: {  	[smem:$0x3FA8] =	sst s5  }
0xe: {  	[smem:$0x3FA9] =	sst s6  }
0xf: {  	[smem:$0x3FAA] =	sst s7  }
0x10: {  	[smem:$0x3FAB] =	sst s8  }
0x11: {  	[smem:$0x3FAC] =	sst s9;
	s0 =	simm.s32 @!p0 $0x0  }
0x12: {  	s1 =	sld [smem:$0x3F92];
	s0 =	simm.s32 @p0 $0x1  }
0x13: {  	[smem:$0x3FAD] =	sst s0;
	s0 =	simm.s32 @!p1 $0x0  }
0x14: {  	s2 =	sld [smem:$0x3F91];
	s0 =	simm.s32 @p1 $0x1  }
0x15: {  	[smem:$0x3FAE] =	sst s0;
	s0 =	simm.s32 @!p2 $0x0  }
0x16: {  	s3 =	sld [smem:$0x3FDB];
	s0 =	simm.s32 @p2 $0x1  }
0x17: {  	s4 =	simm.s32 $0x1BF5;
	[smem:$0x3FB0] =	sst s0  }
0x18: {  	s0 =	sld [smem:$0x3F93];
	_ =	swait.ge [sflag:s4], $0x0  }
0x19: {  	s7 =	sld [smem:$0x3F94]  }
0x1a: {  	s8 =	sadd.s32 $0xFFFFE003, lr  }
0x1b: {  	s9 =	sadd.s32 $0xFFFFFEF7, lr;
	s5 =	simm.s32 $0xFFFFFFFF;
	p2 =	slt.u32 s8, $0xFFFFF086  }
0x1c: {  	p1 =	slt.u32 s9, $0xF7A;
	s5 =	simm.s32 @!p2 $0x0  }
0x1d: {  	s5 =	simm.s32 @p1 $0x1;
	p0 =	seq.s32 s7, s2  }
0x1e: {  	s7 =	smul.u32 @!p0 $0xF7A, s2;
	p2 =	seq.s32 @!p0 s5, $0x0  }
0x1f: {  	s9 =	smul.u32 $0xF7A, s1;
	s8 =	simm.s32 @!p0 $0x1BF5;
	p2 =	por !p2, p0  }
0x20: {  	[sflag:s8] =	ssyncset.s32 @!p0 $0xFFFFF086;
	s6 =	sadd.s32 @!p0 s3, s7;
	s7 =	simm.s32 @!p0 $0x108  }
0x21: {  	s3 =	sadd.s32 s3, s9;
	s6 =	sadd.s32 @!p0 $0x88, s6;
	s7 =	simm.s32 @p2 $0x1082  }
0x22: {  	[simem:s7], [sflag:s8] =	dma.local @!p0 [hbm:s6], $0xF7A  }
0x23: {  	s9 =	sor.u32 $0xD0000000, s2;
	s6 =	simm.s32 $0x108;
	_ =	swait.ge @!p0 [sflag:s8], $0x0  }
0x24: {  	s3 =	sadd.s32 $0x88, s3;
	s6 =	simm.s32 @!p1 $0x1082;
	[sflag:s4] =	ssyncset.s32 $0xFFFFF086  }
0x25: {  	[simem:s6], [sflag:s4] =	dma.local [hbm:s3], $0xF7A  }
0x26: {  	[smem:$0x3F94] =	sst s1;
	(tag) =	ssettag s2;
	_ =	strace s9  }
0x27: {  	s1 =	sld [smem:$0x3FA4]  }
0x28: {  	s2 =	sld [smem:$0x3FA5]  }
0x29: {  	s4 =	sld [smem:$0x3FA7]  }
0x2a: {  	p0 =	seq.s32 s5, $0x0;
	s5 =	sld [smem:$0x3FA8]  }
0x2b: {  	s6 =	sld [smem:$0x3FA9]  }
0x2c: {  	s7 =	sld [smem:$0x3FAA]  }
0x2d: {  	s3 =	simm.s32 $0x108;
	s8 =	sld [smem:$0x3FAB]  }
0x2e: {  	s3 =	simm.s32 @!p0 $0x1082;
	s9 =	sld [smem:$0x3FAC]  }
0x2f: {  	lr =	sadd.s32 s0, s3;
	s0 =	sld [smem:$0x3FA3]  }
0x30: {  	s3 =	sld [smem:$0x3FA6]  }
0x31: {  	[smem:$0x3FAF] =	sst s10  }
0x32: {  	s10 =	sld [smem:$0x3FAD];
	_ =	sdelay $0x3  }
0x33: {  	p0 =	seq.s32 s10, $0x1;
	s10 =	sld [smem:$0x3FAF];
	_ =	sdelay $0x3  }
0x34: {  	[smem:$0x3FAF] =	sst s10  }
0x35: {  	s10 =	sld [smem:$0x3FAE];
	_ =	sdelay $0x3  }
0x36: {  	p1 =	seq.s32 s10, $0x1;
	s10 =	sld [smem:$0x3FAF];
	_ =	sdelay $0x3  }
0x37: {  	[smem:$0x3FAF] =	sst s10  }
0x38: {  	s10 =	sld [smem:$0x3FB0]  }
0x39: {  	_ = 	snop;
	(pc) =	sbr.ind lr, $3  }
0x3a: {  	_ = 	snop  }
0x3b: {  	_ = 	snop  }
0x3c: {  	p2 =	seq.s32 s10, $0x1;
	s10 =	sld [smem:$0x3FAF]  }
0x3d: {  	_ =	shalt  }
0x3e: {  	_ =	shalt  }
0x3f: {  	_ =	shalt  }
0x40: {  	_ =	shalt  }
0x41: {  	_ =	shalt  }
0x42: {  	_ =	shalt  }
0x43: {  	_ =	shalt  }
0x44: {  	_ =	shalt  }
0x45: {  	_ =	shalt  }
0x46: {  	_ =	shalt  }
0x47: {  	_ =	shalt  }
0x48: {  	_ =	shalt  }
0x49: {  	_ =	shalt  }
0x4a: {  	_ =	shalt  }
0x4b: {  	_ =	shalt  }
0x4c: {  	_ =	shalt  }
0x4d: {  	_ =	shalt  }
0x4e: {  	_ =	shalt  }
0x4f: {  	_ =	shalt  }
0x50: {  	_ =	shalt  }
0x51: {  	_ =	shalt  }
0x52: {  	_ =	shalt  }
0x53: {  	_ =	shalt  }
0x54: {  	_ =	shalt  }
0x55: {  	_ =	shalt  }
0x56: {  	_ =	shalt  }
0x57: {  	_ =	shalt  }
0x58: {  	_ =	shalt  }
0x59: {  	_ =	shalt  }
0x5a: {  	_ =	shalt  }
0x5b: {  	_ =	shalt  }
0x5c: {  	_ =	shalt  }
0x5d: {  	_ =	shalt  }
0x5e: {  	_ =	shalt  }
0x5f: {  	_ =	shalt  }
0x60: {  	_ =	shalt  }
0x61: {  	_ =	shalt  }
0x62: {  	_ =	shalt  }
0x63: {  	_ =	shalt  }
0x64: {  	_ =	shalt  }
0x65: {  	_ =	shalt  }
0x66: {  	_ =	shalt  }
0x67: {  	_ =	shalt  }
0x68: {  	_ =	shalt  }
0x69: {  	_ =	shalt  }
0x6a: {  	_ =	shalt  }
0x6b: {  	_ =	shalt  }
0x6c: {  	_ =	shalt  }
0x6d: {  	_ =	shalt  }
0x6e: {  	_ =	shalt  }
0x6f: {  	_ =	shalt  }
0x70: {  	_ =	shalt  }
0x71: {  	_ =	shalt  }
0x72: {  	_ =	shalt  }
0x73: {  	_ =	shalt  }
0x74: {  	_ =	shalt  }
0x75: {  	_ =	shalt  }
0x76: {  	_ =	shalt  }
0x77: {  	_ =	shalt  }
0x78: {  	_ =	shalt  }
0x79: {  	_ =	shalt  }
0x7a: {  	_ =	shalt  }
0x7b: {  	_ =	shalt  }
0x7c: {  	_ =	shalt  }
0x7d: {  	_ =	shalt  }
0x7e: {  	_ =	shalt  }
0x7f: {  	_ =	shalt  }
0x80: {  	_ =	shalt  }
0x81: {  	_ =	shalt  }
0x82: {  	_ =	shalt  }
0x83: {  	_ =	shalt  }
0x84: {  	_ =	shalt  }
0x85: {  	_ =	shalt  }
0x86: {  	_ =	shalt  }
0x87: {  	_ =	shalt  }
.Lfunc_end0:
.L_simem_size_0:
called_computation.1_lowered:
.L_overlay_start_0:
0x88: {  	s2 =	sld [smem:$0x3FD9]  }
0x89: {  	s3 =	sld [smem:$0x3FFE];
	_ =	sdelay $0x1  }
0x8a: {  	s1 =	srdreg.scid  }
0x8b: {  	s0 =	sand.u32 $0x1, s1  }
0x8c: {  	s17 =	sshll.u32 s0, $0xA;
	s2 =	sadd.s32 s3, s2  }
0x8d: {  	s2 =	sadd.s32 s2, s17  }
0x8e: {  	[smem:$0x3FBB] =	sst s2  }
0x8f: {  	_ = 	snop  }
0x90: {  	s2 =	sld [smem:$0x3FD0];
	(tm) =	ssettm $0x1  }
0x91: {  	s18 =	sld [smem:$0x3FFB];
	_ =	sdelay $0x3  }
0x92: {  	_ =	strace s18  }
0x93: {  	s3 =	sld [smem:$0x3FFC];
	_ =	sdelay $0x3  }
0x94: {  	_ =	strace s3  }
0x95: {  	s3 =	sld [smem:$0x3FFD];
	_ =	sdelay $0x3  }
0x96: {  	_ =	strace s3  }
0x97: {  	_ =	strace $0x8FFFFFFF  }
0x98: {  	s19 =	sld [smem:$0x3FDB];
	_ =	sdelay $0x1  }
0x99: {  	s4 =	simm.s32 $_scs_section_size  }
0x9a: {  	s5 =	simm.s32 $_size__tile_overlayer_lowered;
	s6 =	simm.s32 $_tile_overlayer_lowered  }
0x9b: {  	s22 =	simm.s32 $0x1BFF;
	s21 =	sshll.u32 s6, $0x1;
	s3 =	sadd.s32 s4, s19  }
0x9c: {  	s7 =	simm.s32 $0x0;
	s20 =	sshll.u32 s5, $0x1;
	s5 =	sadd.s32 s21, s3  }
0x9d: {  	[timem:s7], [sflag:s22] =	dma.local [hbm:s5], s20  }
0x9e: {  	_ =	swait.ge [sflag:s22], s20  }
0x9f: {  	s4 =	ssub.s32 $0x0, s20;
	[sflag:s22] =	ssyncset.done $0x0  }
0xa0: {  	[sflag:s22] =	ssyncadd.s32 s4;
	_ =	sdelay $0x1  }
0xa1: {  	s23 =	simm.s32 $0x1B8B  }
0xa2: {  	_ =	swait.ge [sflag:s23], $0x1  }
0xa3: {  	[sflag:s23] =	ssyncset.done $0x0  }
0xa4: {  	s25 =	simm.s32 $0x1B8E;
	s24 =	sld [smem:$0x3FFE];
	[sflag:s23] =	ssyncadd.s32 $0xFFFFFFFF  }
0xa5: {  	s26 =	simm.s32 $execute0_lowered;
	[smem:$0x3FD2] =	sst s25  }
0xa6: {  	s5 =	sshll.u32 s26, $0x1;
	_ =	strace $0x80000046;
	[dreg:$0x1] =	wrdreg $0xFFFFFFFF  }
0xa7: {  	s28 =	simm.s32 $_size_execute0_lowered;
	s3 =	sadd.s32 s3, s5;
	[dreg:$0x0] =	wrdreg $0x0  }
0xa8: {  	s5 =	sshll.u32 s28, $0x1;
	[dreg:$0x2] =	wrdreg s3  }
0xa9: {  	[dreg:$0x3] =	wrdreg s5  }
0xaa: {  	[dreg:$0x4] =	wrdreg $0xC0  }
0xab: {  	_ =	task [dreg:s7], $0x5FFFF  }
0xac: {  	[dreg:$0x1] =	wrdreg $0xFFFFFFFF  }
0xad: {  	[dreg:$0x0] =	wrdreg $0x60  }
0xae: {  	[dreg:$0x2] =	wrdreg s2  }
0xaf: {  	[dreg:$0x3] =	wrdreg s24  }
0xb0: {  	[dreg:$0x4] =	wrdreg $0xA4000  }
0xb1: {  	[dreg:$0x5] =	wrdreg $0xA  }
0xb2: {  	_ =	task.clear_ibuf [dreg:s7], $0x6FFFF;
	_ =	strace $0x90000046  }
0xb3: {  	s29 =	simm.s32 $0xA;
	_ =	strace $0x80000048  }
0xb4: {  	_ =	swait.ge [sflag:s29], $0x1  }
0xb5: {  	[sflag:s29] =	ssyncadd.s32 $0xFFFFFFFF  }
0xb6: {  	_ =	strace $0x90000048  }
0xb7: {  	_ =	sfence  }
0xb8: {  	s30 =	sld [smem:$0x0];
	_ =	sdelay $0x2  }
0xb9: {  	s31 =	sshll.u32 s1, $0xD;
	s1 =	sshrl.u32 s1, $0x2  }
0xba: {  	s3 =	sand.u32 $0x4000, s31;
	s1 =	sadd.s32 s1, s30  }
0xbb: {  	s0 =	sor.u32 s3, s0;
	s1 =	sshll.u32 s1, $0x11  }
0xbc: {  	s0 =	sor.u32 s1, s0  }
0xbd: {  	s0 =	sadd.s32 $0x8F2B, s0  }
0xbe: {  	[sflag:s0] =	ssyncadd.remote.s32 $0x1  }
0xbf: {  	_ =	sfence.sel $0xFFFF  }
0xc0: {  	[dreg:$0x0] =	wrdreg $0xFFFFFFFF;
	(pc) =	sbr.abs _section_cstart, $3  }
0xc1: {  	[dreg:$0x1] =	wrdreg $0xFFFFFFFF  }
0xc2: {  	_ =	task.clear_ibuf [dreg:s7], $0x2FFFF;
	_ =	strace $0x9FFFFFFF  }
0xc3: {  	(tm) =	ssettm $0x7FFFFFFF  }
tec
execute0_lowered:
.L_overlay_start_1:
0x0: {  	(tag) =	ssettag $0x1  }
0x1: {  	s1 =	rddreg [dreg:$0x0]  }
0x2: {  	s0 =	rddreg [dreg:$0x1]  }
0x3: {  	s3 =	rddreg [dreg:$0x2]  }
0x4: {  	s4 =	simm.s32 $0x0;
	s2 =	srdreg.scid;
	s11 =	stileid.u32  }
0x5: {  	s13 =	simm.s32 $0x50;
	s14 =	simm.s32 $0x400;
	s15 =	simm.s32 $0x80  }
0x6: {  	s16 =	simm.s32 $0x5400;
	s18 =	simm.s32 $0x200;
	s19 =	simm.s32 $0x2C00  }
0x7: {  	s28 =	simm.s32 $0x2;
	s29 =	simm.s32 $0x4;
	s30 =	simm.s32 $0x300  }
0x8: {  	s31 =	simm.s32 $0x0;
	[smem:$0x7FF] =	sst s4;
	s6 =	smul.u32 $0x2800, s11  }
0x9: {  	s2 =	sand.u32 $0x1, s2;
	s5 =	sadd.s32 $0x43600, s0;
	s20 =	smul.u32 $0x50000, s11  }
0xa: {  	s23 =	sshll.u32 s11, $0x6;
	s12 =	sshll.u32 s11, $0xD;
	s11 =	simm.s32 $0x5  }
0xb: {  	_ =	strace $0x80000047;
	s7 =	sshll.u32 s2, $0x11;
	s8 =	smul.u32 $0x28000, s2  }
0xc: {  	s2 =	ssub.s32 $0x2, s2;
	s9 =	sadd.s32 s7, s0;
	s10 =	sadd.s32 s6, s0  }
0xd: {  	s21 =	sshrl.u32 s2, $0x1;
	s7 =	sshrl.u32 s20, $0x2;
	s20 =	simm.s32 $0x280  }
0xe: {  	s6 =	sadd.s32 s6, s8;
	s2 =	ssub.s32 s2, s21;
	s22 =	sadd.s32 s7, s3  }
0xf: {  	s24 =	sadd.s32 $0x45000, s10;
	s7 =	sor.u32 $0x1C05, s23;
	s25 =	sadd.s32 $0x3600, s9  }
0x10: {  	s21 =	simm.s32 $0x7C00;
	s0 =	sadd.s32 s6, s0;
	[dreg:$0x4] =	wrdreg s24  }
0x11: {  	s26 =	smax.u32 s2, $0x1;
	s10 =	sshrl.u32 s22, $0x3;
	s12 =	sadd.s32 s12, s25  }
0x12: {  	s24 =	simm.s32 $0x1;
	s25 =	simm.s32 $0x3;
	s0 =	sadd.s32 $0x6D000, s0  }
0x13: {  	[dreg:$0x6] =	wrdreg s26;
	s17 =	sadd.s32 $0x40, s12;
	s22 =	sadd.s32 $0x80, s12  }
0x14: {  	s23 =	sadd.s32 $0xC0, s12;
	s26 =	simm.s32 $0x100;
	[dreg:$0x5] =	wrdreg s0  }
.LBB2_1:
0x15: {  	s0 =	rddreg [dreg:$0x4]  }
0x16: {  	[spmem:s10], [sflag:s7] =	dma.local [hbm:s0], $0x2800  }
0x17: {  	_ =	swait.ge [sflag:s11], $0x2800  }
0x18: {  	[sflag:s11] =	ssyncset.done $0x0  }
0x19: {  	[sflag:s11] =	ssyncadd.s32 $0xFFFFD800  }
0x1a: {  	[bflag:$0x0] =	sbarrier.arrive $0xFFFF  }
0x1b: {  	[tilespmem:s4], [sflag:$0x5] =	stream.linear.gather [hbm4b:s12+s4], $0x180, $0x38;
	[tilespmem:$0x1E400] =	vst v63  }
0x1c: {  	_ =	swait.ge [sflag:s11], $0x180  }
0x1d: {  	[sflag:s11] =	ssyncset.done $0x0  }
0x1e: {  	[sflag:s11] =	ssyncadd.s32 $0xFFFFFE80  }
0x1f: {  	[tilespmem:s14], [sflag:$0x1] =	stream.indirect.gather [hbm4b:s1+s13], $0x80, s4, s13, $0xb8;
	[tilespmem:$0x1E400] =	vst v63  }
0x20: {  	_ = 	snop  }
0x21: {  	[tilespmem:s16], [sflag:$0x3] =	stream.indirect.gather [hbm4b:s5+s13], $0x80, s15, s13, $0xb8;
	[tilespmem:$0x1E400] =	vst v63  }
0x22: {  	_ = 	snop  }
0x23: {  	[tilespmem:s18], [sflag:$0x5] =	stream.linear.gather [hbm4b:s17+s4], $0x180, $0x38;
	[tilespmem:$0x1E400] =	vst v63  }
0x24: {  	_ =	swait.ge [sflag:s11], $0x180  }
0x25: {  	[sflag:s11] =	ssyncset.done $0x0  }
0x26: {  	[sflag:s11] =	ssyncadd.s32 $0xFFFFFE80  }
0x27: {  	[tilespmem:s19], [sflag:$0x2] =	stream.indirect.gather [hbm4b:s1+s13], $0x80, s18, s13, $0xb8;
	[tilespmem:$0x1E400] =	vst v63  }
0x28: {  	s0 =	simm.s32 $0x0  }
0x29: {  	[tilespmem:s21], [sflag:$0x4] =	stream.indirect.gather [hbm4b:s5+s13], $0x80, s20, s13, $0xb8;
	[tilespmem:$0x1E400] =	vst v63  }
.LBB2_2:
0x2a: {  	_ =	swait.ge [sflag:s24], $0x2800  }
0x2b: {  	[sflag:s24] =	ssyncset.done $0x0  }
0x2c: {  	[sflag:s24] =	ssyncadd.s32 $0xFFFFD800  }
0x2d: {  	_ =	swait.ge [sflag:s25], $0x2800  }
0x2e: {  	[sflag:s25] =	ssyncset.done $0x0  }
0x2f: {  	s2 =	simm.s32 $0x0;
	[sflag:s25] =	ssyncadd.s32 $0xFFFFD800  }
0x30: {  	v7 =	vld [tilespmem:s2+$0x5400]  }
0x31: {  	v11 =	vld [tilespmem:s2+$0x5410]  }
0x32: {  	v5 =	vld [tilespmem:s2+$0x5420]  }
0x33: {  	v4 =	vld [tilespmem:s2+$0x5430]  }
0x34: {  	v3 =	vld [tilespmem:s2+$0x5440]  }
0x35: {  	v2 =	vld [tilespmem:s2+$0x5450]  }
0x36: {  	v1 =	vld [tilespmem:s2+$0x5460]  }
0x37: {  	v0 =	vld [tilespmem:s2+$0x5470]  }
0x38: {  	v12 =	vld [tilespmem:s2+$0x400]  }
0x39: {  	v13 =	vld [tilespmem:s2+$0x410]  }
0x3a: {  	v10 =	vld [tilespmem:s2+$0x420]  }
0x3b: {  	v9 =	vld [tilespmem:s2+$0x430]  }
0x3c: {  	v8 =	vld [tilespmem:s2+$0x440]  }
0x3d: {  	v6 =	vld [tilespmem:s2+$0x450];
	v12 =	vmul.f32 v7, v12  }
0x3e: {  	s6 =	simm.s32 $0x200;
	v11 =	vmul.f32 v11, v13;
	v7 =	vld [tilespmem:s2+$0x460]  }
.LBB2_3:
0x3f: {  	s8 =	sshra.s32 s6, $0x2;
	p0 =	sne.s32 s6, $0x9E00;
	[tilespmem:s2+$0x400] =	vst v12;
	v5 =	vmul.f32 v5, v10;
	v10 =	vld [tilespmem:s2+$0x470]  }
0x40: {  	v12 =	vld [tilespmem:s8+$0x5400];
	[tilespmem:s2+$0x410] =	vst v11;
	v4 =	vmul.f32 v4, v9  }
0x41: {  	v11 =	vld [tilespmem:s8+$0x5410];
	[tilespmem:s2+$0x420] =	vst v5;
	v3 =	vmul.f32 v3, v8  }
0x42: {  	v5 =	vld [tilespmem:s8+$0x5420];
	[tilespmem:s2+$0x430] =	vst v4;
	v2 =	vmul.f32 v2, v6  }
0x43: {  	v4 =	vld [tilespmem:s8+$0x5430];
	[tilespmem:s2+$0x440] =	vst v3;
	v1 =	vmul.f32 v1, v7  }
0x44: {  	v3 =	vld [tilespmem:s8+$0x5440];
	[tilespmem:s2+$0x450] =	vst v2;
	v0 =	vmul.f32 v0, v10  }
0x45: {  	v2 =	vld [tilespmem:s8+$0x5450];
	[tilespmem:s2+$0x460] =	vst v1  }
0x46: {  	v1 =	vld [tilespmem:s8+$0x5460];
	[tilespmem:s2+$0x470] =	vst v0;
	s2 =	smov.u32 s8  }
0x47: {  	v0 =	vld [tilespmem:s2+$0x5470]  }
0x48: {  	v6 =	vld [tilespmem:s2+$0x400]  }
0x49: {  	v7 =	vld [tilespmem:s2+$0x410]  }
.Ltmp0:
0x4a: {  	v10 =	vld [tilespmem:s2+$0x420];
	(pc) =	sbr.rel @p0 .LBB2_3-.Ltmp0, $4  }
0x4b: {  	v9 =	vld [tilespmem:s2+$0x430]  }
0x4c: {  	v8 =	vld [tilespmem:s2+$0x440]  }
0x4d: {  	v12 =	vmul.f32 v12, v6;
	v6 =	vld [tilespmem:s2+$0x450]  }
0x4e: {  	s6 =	sadd.s32 $0x200, s6;
	v11 =	vmul.f32 v11, v7;
	v7 =	vld [tilespmem:s2+$0x460]  }
0x4f: {  	[tilespmem:s2+$0x400] =	vst v12;
	v5 =	vmul.f32 v5, v10;
	v10 =	vld [tilespmem:s2+$0x470]  }
0x50: {  	[tilespmem:s2+$0x410] =	vst v11;
	v4 =	vmul.f32 v4, v9  }
0x51: {  	[tilespmem:s2+$0x420] =	vst v5;
	v3 =	vmul.f32 v3, v8  }
0x52: {  	[tilespmem:s2+$0x430] =	vst v4;
	v2 =	vmul.f32 v2, v6  }
0x53: {  	[tilespmem:s2+$0x440] =	vst v3;
	v1 =	vmul.f32 v1, v7  }
0x54: {  	[tilespmem:s2+$0x450] =	vst v2;
	v0 =	vmul.f32 v0, v10  }
0x55: {  	[tilespmem:s2+$0x460] =	vst v1  }
0x56: {  	[tilespmem:s2+$0x470] =	vst v0  }
0x57: {  	[spmem:s3] =	stream.indirect.scatter.add.f32 [tilespmem:s14], [sflag:$0x5], $0x80, s26, s13, $0xb8;
	[tilespmem:$0x1E400] =	vst v63  }
0x58: {  	_ =	swait.ge [sflag:s11], $0x2800  }
0x59: {  	s2 =	sshll.u32 s0, $0x7;
	[sflag:s11] =	ssyncset.done $0x0  }
0x5a: {  	s8 =	simm.s32 $0x0;
	s6 =	sadd.s32 s2, s22;
	[sflag:s11] =	ssyncadd.s32 $0xFFFFD800  }
0x5b: {  	[tilespmem:s8], [sflag:$0x5] =	stream.linear.gather [hbm4b:s6+s8], $0x180, $0x38;
	[tilespmem:$0x1E400] =	vst v63  }
0x5c: {  	_ =	swait.ge [sflag:s11], $0x180  }
0x5d: {  	[sflag:s11] =	ssyncset.done $0x0  }
0x5e: {  	[sflag:s11] =	ssyncadd.s32 $0xFFFFFE80  }
0x5f: {  	[tilespmem:s14], [sflag:$0x1] =	stream.indirect.gather [hbm4b:s1+s13], $0x80, s8, s13, $0xb8;
	[tilespmem:$0x1E400] =	vst v63  }
0x60: {  	_ = 	snop  }
0x61: {  	[tilespmem:s16], [sflag:$0x3] =	stream.indirect.gather [hbm4b:s5+s13], $0x80, s15, s13, $0xb8;
	[tilespmem:$0x1E400] =	vst v63  }
0x62: {  	_ =	swait.ge [sflag:s28], $0x2800  }
0x63: {  	[sflag:s28] =	ssyncset.done $0x0  }
0x64: {  	[sflag:s28] =	ssyncadd.s32 $0xFFFFD800  }
0x65: {  	_ =	swait.ge [sflag:s29], $0x2800  }
0x66: {  	[sflag:s29] =	ssyncset.done $0x0  }
0x67: {  	s6 =	simm.s32 $0x0;
	[sflag:s29] =	ssyncadd.s32 $0xFFFFD800  }
0x68: {  	v7 =	vld [tilespmem:s6+$0x7C00]  }
0x69: {  	v11 =	vld [tilespmem:s6+$0x7C10]  }
0x6a: {  	v5 =	vld [tilespmem:s6+$0x7C20]  }
0x6b: {  	v4 =	vld [tilespmem:s6+$0x7C30]  }
0x6c: {  	v3 =	vld [tilespmem:s6+$0x7C40]  }
0x6d: {  	v2 =	vld [tilespmem:s6+$0x7C50]  }
0x6e: {  	v1 =	vld [tilespmem:s6+$0x7C60]  }
0x6f: {  	v0 =	vld [tilespmem:s6+$0x7C70]  }
0x70: {  	v12 =	vld [tilespmem:s6+$0x2C00]  }
0x71: {  	v13 =	vld [tilespmem:s6+$0x2C10]  }
0x72: {  	v10 =	vld [tilespmem:s6+$0x2C20]  }
0x73: {  	v9 =	vld [tilespmem:s6+$0x2C30]  }
0x74: {  	v8 =	vld [tilespmem:s6+$0x2C40]  }
0x75: {  	v6 =	vld [tilespmem:s6+$0x2C50];
	v12 =	vmul.f32 v7, v12  }
0x76: {  	s8 =	simm.s32 $0x200;
	v11 =	vmul.f32 v11, v13;
	v7 =	vld [tilespmem:s6+$0x2C60]  }
.LBB2_5:
0x77: {  	s9 =	sshra.s32 s8, $0x2;
	p0 =	sne.s32 s8, $0x9E00;
	[tilespmem:s6+$0x2C00] =	vst v12;
	v5 =	vmul.f32 v5, v10;
	v10 =	vld [tilespmem:s6+$0x2C70]  }
0x78: {  	v12 =	vld [tilespmem:s9+$0x7C00];
	[tilespmem:s6+$0x2C10] =	vst v11;
	v4 =	vmul.f32 v4, v9  }
0x79: {  	v11 =	vld [tilespmem:s9+$0x7C10];
	[tilespmem:s6+$0x2C20] =	vst v5;
	v3 =	vmul.f32 v3, v8  }
0x7a: {  	v5 =	vld [tilespmem:s9+$0x7C20];
	[tilespmem:s6+$0x2C30] =	vst v4;
	v2 =	vmul.f32 v2, v6  }
0x7b: {  	v4 =	vld [tilespmem:s9+$0x7C30];
	[tilespmem:s6+$0x2C40] =	vst v3;
	v1 =	vmul.f32 v1, v7  }
0x7c: {  	v3 =	vld [tilespmem:s9+$0x7C40];
	[tilespmem:s6+$0x2C50] =	vst v2;
	v0 =	vmul.f32 v0, v10  }
0x7d: {  	v2 =	vld [tilespmem:s9+$0x7C50];
	[tilespmem:s6+$0x2C60] =	vst v1  }
0x7e: {  	v1 =	vld [tilespmem:s9+$0x7C60];
	[tilespmem:s6+$0x2C70] =	vst v0;
	s6 =	smov.u32 s9  }
0x7f: {  	v0 =	vld [tilespmem:s6+$0x7C70]  }
0x80: {  	v6 =	vld [tilespmem:s6+$0x2C00]  }
0x81: {  	v7 =	vld [tilespmem:s6+$0x2C10]  }
.Ltmp1:
0x82: {  	v10 =	vld [tilespmem:s6+$0x2C20];
	(pc) =	sbr.rel @p0 .LBB2_5-.Ltmp1, $4  }
0x83: {  	v9 =	vld [tilespmem:s6+$0x2C30]  }
0x84: {  	v8 =	vld [tilespmem:s6+$0x2C40]  }
0x85: {  	v12 =	vmul.f32 v12, v6;
	v6 =	vld [tilespmem:s6+$0x2C50]  }
0x86: {  	s8 =	sadd.s32 $0x200, s8;
	v11 =	vmul.f32 v11, v7;
	v7 =	vld [tilespmem:s6+$0x2C60]  }
0x87: {  	[tilespmem:s6+$0x2C00] =	vst v12;
	v5 =	vmul.f32 v5, v10;
	v63 =	vld [tilespmem:s6+$0x2C70]  }
0x88: {  	[tilespmem:s6+$0x2C10] =	vst v11;
	v4 =	vmul.f32 v4, v9  }
0x89: {  	[tilespmem:s6+$0x2C20] =	vst v5;
	v3 =	vmul.f32 v3, v8  }
0x8a: {  	[tilespmem:s6+$0x2C30] =	vst v4;
	v2 =	vmul.f32 v2, v6  }
0x8b: {  	[tilespmem:s6+$0x2C40] =	vst v3;
	v1 =	vmul.f32 v1, v7  }
0x8c: {  	[tilespmem:s6+$0x2C50] =	vst v2;
	v0 =	vmul.f32 v0, v63  }
0x8d: {  	[tilespmem:s6+$0x2C60] =	vst v1  }
0x8e: {  	[tilespmem:s6+$0x2C70] =	vst v0  }
0x8f: {  	[spmem:s3] =	stream.indirect.scatter.add.f32 [tilespmem:s19], [sflag:$0x5], $0x80, s30, s13, $0xb8;
	[tilespmem:$0x1E400] =	vst v63  }
0x90: {  	_ =	swait.ge [sflag:s11], $0x2800  }
0x91: {  	[sflag:s11] =	ssyncset.done $0x0  }
0x92: {  	s2 =	sadd.s32 s2, s23;
	s0 =	sadd.s32 $0x1, s0;
	[sflag:s11] =	ssyncadd.s32 $0xFFFFD800  }
0x93: {  	[tilespmem:s18], [sflag:$0x5] =	stream.linear.gather [hbm4b:s2+s4], $0x180, $0x38;
	[tilespmem:$0x1E400] =	vst v63  }
0x94: {  	p0 =	sne.s32 s0, $0x3F;
	_ =	swait.ge [sflag:s11], $0x180  }
.Ltmp2:
0x95: {  	[sflag:s11] =	ssyncset.done $0x0;
	(pc) =	sbr.rel @p0 .LBB2_2-.Ltmp2, $4  }
0x96: {  	[sflag:s11] =	ssyncadd.s32 $0xFFFFFE80  }
0x97: {  	[tilespmem:s19], [sflag:$0x2] =	stream.indirect.gather [hbm4b:s1+s13], $0x80, s18, s13, $0xb8;
	[tilespmem:$0x1E400] =	vst v63  }
0x98: {  	_ = 	snop  }
0x99: {  	[tilespmem:s21], [sflag:$0x4] =	stream.indirect.gather [hbm4b:s5+s13], $0x80, s20, s13, $0xb8;
	[tilespmem:$0x1E400] =	vst v63  }
0x9a: {  	_ =	swait.ge [sflag:s24], $0x2800  }
0x9b: {  	[sflag:s24] =	ssyncset.done $0x0  }
0x9c: {  	[sflag:s24] =	ssyncadd.s32 $0xFFFFD800  }
0x9d: {  	_ =	swait.ge [sflag:s25], $0x2800  }
0x9e: {  	[sflag:s25] =	ssyncset.done $0x0  }
0x9f: {  	[sflag:s25] =	ssyncadd.s32 $0xFFFFD800  }
0xa0: {  	_ =	swait.ge [sflag:s28], $0x2800  }
0xa1: {  	[sflag:s28] =	ssyncset.done $0x0  }
0xa2: {  	[sflag:s28] =	ssyncadd.s32 $0xFFFFD800  }
0xa3: {  	_ =	swait.ge [sflag:s29], $0x2800  }
0xa4: {  	[sflag:s29] =	ssyncset.done $0x0  }
0xa5: {  	[sflag:s29] =	ssyncadd.s32 $0xFFFFD800  }
0xa6: {  	[bflag:$0x0] =	sbarrier.arrive $0xFFFF  }
0xa7: {  	s0 =	rddreg [dreg:$0x5]  }
0xa8: {  	[hbm:s0], [sflag:s7] =	dma.local [spmem:s10], $0x2800  }
0xa9: {  	_ =	swait.ge [sflag:s11], $0x2800  }
0xaa: {  	s31 =	sadd.s32 $0x1, s31;
	s9 =	rddreg [dreg:$0x6]  }
0xab: {  	p0 =	sne.s32 s31, s9  }
.Ltmp3:
0xac: {  	_ = 	snop;
	(pc) =	sbr.rel @p0 .LBB2_1-.Ltmp3, $3  }
0xad: {  	_ =	sdelay $0x1  }
0xae: {  	[sflag:s11] =	ssyncset.done $0x0  }
0xaf: {  	[sflag:s11] =	ssyncadd.s32 $0xFFFFD800  }
0xb0: {  	_ =	sfence.sel $0x180000  }
0xb1: {  	[bflag:$0x0] =	sbarrier.arrive $0xFFFF  }
0xb2: {  	_ =	strace $0x90000047  }
0xb3: {  	s0 =	stileid.u32;
	[bflag:$0x2] =	sbarrier.arrive $0xFFFF  }
0xb4: {  	p0 =	sne.s32 s0, $0x0;
	s0 =	rddreg [dreg:$0x3]  }
0xb5: {  	s0 =	sadd.s32 @!p0 $0x100000, s0  }
0xb6: {  	[sflag:s0] =	ssyncadd.tile.s32 @!p0 $0x1;
	_ =	shalt  }
.Lfunc_end2:
_tile_overlayer_lowered:
.L_overlay_start_2:
0xb7: {  	(tag) =	ssettag $0x2  }
0xb8: {  	s0 =	rddreg [dreg:$0x0];
	s2 =	stileid.u32  }
0xb9: {  	s1 =	rddreg [dreg:$0x1];
	p0 =	sne.s32 s2, $0x0  }
0xba: {  	s3 =	rddreg [dreg:$0x2];
	[bflag:$0x3] =	sbarrier.arrive $0xFFFF;
	s2 =	simm.s32 @!p0 $0x1C05  }
0xbb: {  	[timem:s3], [sflag:s2] =	dma.local @!p0 [hbm:s0], s1  }
0xbc: {  	s0 =	simm.s32 @!p0 $0x5  }
0xbd: {  	_ =	swait.ge @!p0 [sflag:s0], s1  }
0xbe: {  	s1 =	ssub.s32 @!p0 $0x0, s1;
	[sflag:s0] =	ssyncset.done @!p0 $0x0  }
0xbf: {  	[sflag:s0] =	ssyncadd.s32 @!p0 s1  }
0xc0: {  	[bflag:$0x3] =	sbarrier.arrive $0xFFFF  }
0xc1: {  	_ =	shalt  }

// kernel: kernel.13.cloned.1.call-start
scs
__scs_entry_jumppad:
0x0: {  	(pc) =	sbr.rel $0x88, $3  }
0x1: {  	(tag) =	ssettag $0x0;
	lr =	simm.s32 $0x1  }
0x2: {  	[smem:$0x3F94] =	sst lr;
	_ =	strace $0xD0000000  }
0x3: {  	_ = 	snop  }
0x4: {  	_ = 	snop  }
0x5: {  	_ = 	snop  }
0x6: {  	_ = 	snop  }
0x7: {  	_ = 	snop  }
__scs_overlays_trampoline_lowered:
0x8: {  	[smem:$0x3FA3] =	sst s0  }
0x9: {  	[smem:$0x3FA4] =	sst s1  }
0xa: {  	[smem:$0x3FA5] =	sst s2  }
0xb: {  	[smem:$0x3FA6] =	sst s3  }
0xc: {  	[smem:$0x3FA7] =	sst s4  }
0xd: {  	[smem:$0x3FA8] =	sst s5  }
0xe: {  	[smem:$0x3FA9] =	sst s6  }
0xf: {  	[smem:$0x3FAA] =	sst s7  }
0x10: {  	[smem:$0x3FAB] =	sst s8  }
0x11: {  	[smem:$0x3FAC] =	sst s9;
	s0 =	simm.s32 @!p0 $0x0  }
0x12: {  	s1 =	sld [smem:$0x3F92];
	s0 =	simm.s32 @p0 $0x1  }
0x13: {  	[smem:$0x3FAD] =	sst s0;
	s0 =	simm.s32 @!p1 $0x0  }
0x14: {  	s2 =	sld [smem:$0x3F91];
	s0 =	simm.s32 @p1 $0x1  }
0x15: {  	[smem:$0x3FAE] =	sst s0;
	s0 =	simm.s32 @!p2 $0x0  }
0x16: {  	s3 =	sld [smem:$0x3FDB];
	s0 =	simm.s32 @p2 $0x1  }
0x17: {  	s4 =	simm.s32 $0x1BF5;
	[smem:$0x3FB0] =	sst s0  }
0x18: {  	s0 =	sld [smem:$0x3F93];
	_ =	swait.ge [sflag:s4], $0x0  }
0x19: {  	s7 =	sld [smem:$0x3F94]  }
0x1a: {  	s8 =	sadd.s32 $0xFFFFE003, lr  }
0x1b: {  	s9 =	sadd.s32 $0xFFFFFEF7, lr;
	s5 =	simm.s32 $0xFFFFFFFF;
	p2 =	slt.u32 s8, $0xFFFFF086  }
0x1c: {  	p1 =	slt.u32 s9, $0xF7A;
	s5 =	simm.s32 @!p2 $0x0  }
0x1d: {  	s5 =	simm.s32 @p1 $0x1;
	p0 =	seq.s32 s7, s2  }
0x1e: {  	s7 =	smul.u32 @!p0 $0xF7A, s2;
	p2 =	seq.s32 @!p0 s5, $0x0  }
0x1f: {  	s9 =	smul.u32 $0xF7A, s1;
	s8 =	simm.s32 @!p0 $0x1BF5;
	p2 =	por !p2, p0  }
0x20: {  	[sflag:s8] =	ssyncset.s32 @!p0 $0xFFFFF086;
	s6 =	sadd.s32 @!p0 s3, s7;
	s7 =	simm.s32 @!p0 $0x108  }
0x21: {  	s3 =	sadd.s32 s3, s9;
	s6 =	sadd.s32 @!p0 $0x88, s6;
	s7 =	simm.s32 @p2 $0x1082  }
0x22: {  	[simem:s7], [sflag:s8] =	dma.local @!p0 [hbm:s6], $0xF7A  }
0x23: {  	s9 =	sor.u32 $0xD0000000, s2;
	s6 =	simm.s32 $0x108;
	_ =	swait.ge @!p0 [sflag:s8], $0x0  }
0x24: {  	s3 =	sadd.s32 $0x88, s3;
	s6 =	simm.s32 @!p1 $0x1082;
	[sflag:s4] =	ssyncset.s32 $0xFFFFF086  }
0x25: {  	[simem:s6], [sflag:s4] =	dma.local [hbm:s3], $0xF7A  }
0x26: {  	[smem:$0x3F94] =	sst s1;
	(tag) =	ssettag s2;
	_ =	strace s9  }
0x27: {  	s1 =	sld [smem:$0x3FA4]  }
0x28: {  	s2 =	sld [smem:$0x3FA5]  }
0x29: {  	s4 =	sld [smem:$0x3FA7]  }
0x2a: {  	p0 =	seq.s32 s5, $0x0;
	s5 =	sld [smem:$0x3FA8]  }
0x2b: {  	s6 =	sld [smem:$0x3FA9]  }
0x2c: {  	s7 =	sld [smem:$0x3FAA]  }
0x2d: {  	s3 =	simm.s32 $0x108;
	s8 =	sld [smem:$0x3FAB]  }
0x2e: {  	s3 =	simm.s32 @!p0 $0x1082;
	s9 =	sld [smem:$0x3FAC]  }
0x2f: {  	lr =	sadd.s32 s0, s3;
	s0 =	sld [smem:$0x3FA3]  }
0x30: {  	s3 =	sld [smem:$0x3FA6]  }
0x31: {  	[smem:$0x3FAF] =	sst s10  }
0x32: {  	s10 =	sld [smem:$0x3FAD];
	_ =	sdelay $0x3  }
0x33: {  	p0 =	seq.s32 s10, $0x1;
	s10 =	sld [smem:$0x3FAF];
	_ =	sdelay $0x3  }
0x34: {  	[smem:$0x3FAF] =	sst s10  }
0x35: {  	s10 =	sld [smem:$0x3FAE];
	_ =	sdelay $0x3  }
0x36: {  	p1 =	seq.s32 s10, $0x1;
	s10 =	sld [smem:$0x3FAF];
	_ =	sdelay $0x3  }
0x37: {  	[smem:$0x3FAF] =	sst s10  }
0x38: {  	s10 =	sld [smem:$0x3FB0]  }
0x39: {  	_ = 	snop;
	(pc) =	sbr.ind lr, $3  }
0x3a: {  	_ = 	snop  }
0x3b: {  	_ = 	snop  }
0x3c: {  	p2 =	seq.s32 s10, $0x1;
	s10 =	sld [smem:$0x3FAF]  }
0x3d: {  	_ =	shalt  }
0x3e: {  	_ =	shalt  }
0x3f: {  	_ =	shalt  }
0x40: {  	_ =	shalt  }
0x41: {  	_ =	shalt  }
0x42: {  	_ =	shalt  }
0x43: {  	_ =	shalt  }
0x44: {  	_ =	shalt  }
0x45: {  	_ =	shalt  }
0x46: {  	_ =	shalt  }
0x47: {  	_ =	shalt  }
0x48: {  	_ =	shalt  }
0x49: {  	_ =	shalt  }
0x4a: {  	_ =	shalt  }
0x4b: {  	_ =	shalt  }
0x4c: {  	_ =	shalt  }
0x4d: {  	_ =	shalt  }
0x4e: {  	_ =	shalt  }
0x4f: {  	_ =	shalt  }
0x50: {  	_ =	shalt  }
0x51: {  	_ =	shalt  }
0x52: {  	_ =	shalt  }
0x53: {  	_ =	shalt  }
0x54: {  	_ =	shalt  }
0x55: {  	_ =	shalt  }
0x56: {  	_ =	shalt  }
0x57: {  	_ =	shalt  }
0x58: {  	_ =	shalt  }
0x59: {  	_ =	shalt  }
0x5a: {  	_ =	shalt  }
0x5b: {  	_ =	shalt  }
0x5c: {  	_ =	shalt  }
0x5d: {  	_ =	shalt  }
0x5e: {  	_ =	shalt  }
0x5f: {  	_ =	shalt  }
0x60: {  	_ =	shalt  }
0x61: {  	_ =	shalt  }
0x62: {  	_ =	shalt  }
0x63: {  	_ =	shalt  }
0x64: {  	_ =	shalt  }
0x65: {  	_ =	shalt  }
0x66: {  	_ =	shalt  }
0x67: {  	_ =	shalt  }
0x68: {  	_ =	shalt  }
0x69: {  	_ =	shalt  }
0x6a: {  	_ =	shalt  }
0x6b: {  	_ =	shalt  }
0x6c: {  	_ =	shalt  }
0x6d: {  	_ =	shalt  }
0x6e: {  	_ =	shalt  }
0x6f: {  	_ =	shalt  }
0x70: {  	_ =	shalt  }
0x71: {  	_ =	shalt  }
0x72: {  	_ =	shalt  }
0x73: {  	_ =	shalt  }
0x74: {  	_ =	shalt  }
0x75: {  	_ =	shalt  }
0x76: {  	_ =	shalt  }
0x77: {  	_ =	shalt  }
0x78: {  	_ =	shalt  }
0x79: {  	_ =	shalt  }
0x7a: {  	_ =	shalt  }
0x7b: {  	_ =	shalt  }
0x7c: {  	_ =	shalt  }
0x7d: {  	_ =	shalt  }
0x7e: {  	_ =	shalt  }
0x7f: {  	_ =	shalt  }
0x80: {  	_ =	shalt  }
0x81: {  	_ =	shalt  }
0x82: {  	_ =	shalt  }
0x83: {  	_ =	shalt  }
0x84: {  	_ =	shalt  }
0x85: {  	_ =	shalt  }
0x86: {  	_ =	shalt  }
0x87: {  	_ =	shalt  }
.Lfunc_end0:
.L_simem_size_0:
called_computation.2_lowered:
.L_overlay_start_0:
0x88: {  	s2 =	sld [smem:$0x3FD9]  }
0x89: {  	s3 =	sld [smem:$0x3FFE];
	_ =	sdelay $0x1  }
0x8a: {  	s1 =	srdreg.scid  }
0x8b: {  	s0 =	sand.u32 $0x1, s1  }
0x8c: {  	s17 =	sshll.u32 s0, $0xA;
	s2 =	sadd.s32 s3, s2  }
0x8d: {  	s2 =	sadd.s32 s2, s17  }
0x8e: {  	[smem:$0x3FBB] =	sst s2  }
0x8f: {  	_ = 	snop  }
0x90: {  	s2 =	sld [smem:$0x3FD0];
	(tm) =	ssettm $0x1  }
0x91: {  	s18 =	sld [smem:$0x3FFB];
	_ =	sdelay $0x3  }
0x92: {  	_ =	strace s18  }
0x93: {  	s3 =	sld [smem:$0x3FFC];
	_ =	sdelay $0x3  }
0x94: {  	_ =	strace s3  }
0x95: {  	s3 =	sld [smem:$0x3FFD];
	_ =	sdelay $0x3  }
0x96: {  	_ =	strace s3  }
0x97: {  	_ =	strace $0x8FFFFFFF  }
0x98: {  	s19 =	sld [smem:$0x3FDB];
	_ =	sdelay $0x1  }
0x99: {  	s4 =	simm.s32 $_scs_section_size  }
0x9a: {  	s5 =	simm.s32 $_size__tile_overlayer_lowered;
	s6 =	simm.s32 $_tile_overlayer_lowered  }
0x9b: {  	s22 =	simm.s32 $0x1BFF;
	s21 =	sshll.u32 s6, $0x1;
	s3 =	sadd.s32 s4, s19  }
0x9c: {  	s7 =	simm.s32 $0x0;
	s20 =	sshll.u32 s5, $0x1;
	s5 =	sadd.s32 s21, s3  }
0x9d: {  	[timem:s7], [sflag:s22] =	dma.local [hbm:s5], s20  }
0x9e: {  	_ =	swait.ge [sflag:s22], s20  }
0x9f: {  	s4 =	ssub.s32 $0x0, s20;
	[sflag:s22] =	ssyncset.done $0x0  }
0xa0: {  	[sflag:s22] =	ssyncadd.s32 s4;
	_ =	sdelay $0x1  }
0xa1: {  	s23 =	simm.s32 $0x1B8B  }
0xa2: {  	_ =	swait.ge [sflag:s23], $0x1  }
0xa3: {  	[sflag:s23] =	ssyncset.done $0x0  }
0xa4: {  	s25 =	simm.s32 $0x1B8E;
	s24 =	sld [smem:$0x3FFE];
	[sflag:s23] =	ssyncadd.s32 $0xFFFFFFFF  }
0xa5: {  	s26 =	simm.s32 $execute0_lowered;
	[smem:$0x3FD2] =	sst s25  }
0xa6: {  	s5 =	sshll.u32 s26, $0x1;
	_ =	strace $0x8000004C;
	[dreg:$0x1] =	wrdreg $0xFFFFFFFF  }
0xa7: {  	s28 =	simm.s32 $_size_execute0_lowered;
	s3 =	sadd.s32 s3, s5;
	[dreg:$0x0] =	wrdreg $0x0  }
0xa8: {  	s5 =	sshll.u32 s28, $0x1;
	[dreg:$0x2] =	wrdreg s3  }
0xa9: {  	[dreg:$0x3] =	wrdreg s5  }
0xaa: {  	[dreg:$0x4] =	wrdreg $0xC0  }
0xab: {  	_ =	task [dreg:s7], $0x5FFFF  }
0xac: {  	[dreg:$0x1] =	wrdreg $0xFFFFFFFF  }
0xad: {  	[dreg:$0x0] =	wrdreg $0x60  }
0xae: {  	[dreg:$0x2] =	wrdreg s2  }
0xaf: {  	[dreg:$0x3] =	wrdreg s24  }
0xb0: {  	[dreg:$0x4] =	wrdreg $0xA4000  }
0xb1: {  	[dreg:$0x5] =	wrdreg $0x9  }
0xb2: {  	_ =	task.clear_ibuf [dreg:s7], $0x6FFFF;
	_ =	strace $0x9000004C  }
0xb3: {  	s29 =	simm.s32 $0x9;
	_ =	strace $0x8000004E  }
0xb4: {  	_ =	swait.ge [sflag:s29], $0x1  }
0xb5: {  	[sflag:s29] =	ssyncadd.s32 $0xFFFFFFFF  }
0xb6: {  	_ =	strace $0x9000004E  }
0xb7: {  	_ =	sfence  }
0xb8: {  	s30 =	sld [smem:$0x0];
	_ =	sdelay $0x2  }
0xb9: {  	s31 =	sshll.u32 s1, $0xD;
	s1 =	sshrl.u32 s1, $0x2  }
0xba: {  	s3 =	sand.u32 $0x4000, s31;
	s1 =	sadd.s32 s1, s30  }
0xbb: {  	s0 =	sor.u32 s3, s0;
	s1 =	sshll.u32 s1, $0x11  }
0xbc: {  	s0 =	sor.u32 s1, s0  }
0xbd: {  	s0 =	sadd.s32 $0x8F2B, s0  }
0xbe: {  	[sflag:s0] =	ssyncadd.remote.s32 $0x1  }
0xbf: {  	_ =	sfence.sel $0xFFFF  }
0xc0: {  	[dreg:$0x0] =	wrdreg $0xFFFFFFFF;
	(pc) =	sbr.abs _section_cstart, $3  }
0xc1: {  	[dreg:$0x1] =	wrdreg $0xFFFFFFFF  }
0xc2: {  	_ =	task.clear_ibuf [dreg:s7], $0x2FFFF;
	_ =	strace $0x9FFFFFFF  }
0xc3: {  	(tm) =	ssettm $0x7FFFFFFF  }
tec
execute0_lowered:
.L_overlay_start_1:
0x0: {  	(tag) =	ssettag $0x1  }
0x1: {  	s1 =	rddreg [dreg:$0x0]  }
0x2: {  	s0 =	rddreg [dreg:$0x1]  }
0x3: {  	s3 =	rddreg [dreg:$0x2]  }
0x4: {  	s4 =	simm.s32 $0x0;
	s2 =	srdreg.scid;
	s11 =	stileid.u32  }
0x5: {  	s13 =	simm.s32 $0x50;
	s14 =	simm.s32 $0x400;
	s15 =	simm.s32 $0x80  }
0x6: {  	s16 =	simm.s32 $0x5400;
	s18 =	simm.s32 $0x200;
	s19 =	simm.s32 $0x2C00  }
0x7: {  	s28 =	simm.s32 $0x2;
	s29 =	simm.s32 $0x4;
	s30 =	simm.s32 $0x300  }
0x8: {  	s31 =	simm.s32 $0x0;
	[smem:$0x7FF] =	sst s4;
	s6 =	smul.u32 $0x2800, s11  }
0x9: {  	s2 =	sand.u32 $0x1, s2;
	s5 =	sadd.s32 $0x11D600, s0;
	s20 =	smul.u32 $0x50000, s11  }
0xa: {  	s23 =	sshll.u32 s11, $0x6;
	s12 =	sshll.u32 s11, $0xD;
	s11 =	simm.s32 $0x5  }
0xb: {  	_ =	strace $0x8000004D;
	s7 =	sshll.u32 s2, $0x11;
	s8 =	smul.u32 $0x28000, s2  }
0xc: {  	s2 =	ssub.s32 $0x2, s2;
	s9 =	sadd.s32 s7, s0;
	s10 =	sadd.s32 s6, s0  }
0xd: {  	s21 =	sshrl.u32 s2, $0x1;
	s7 =	sshrl.u32 s20, $0x2;
	s20 =	simm.s32 $0x280  }
0xe: {  	s6 =	sadd.s32 s6, s8;
	s2 =	ssub.s32 s2, s21;
	s22 =	sadd.s32 s7, s3  }
0xf: {  	s24 =	sadd.s32 $0x45000, s10;
	s7 =	sor.u32 $0x1C05, s23;
	s25 =	sadd.s32 $0x3600, s9  }
0x10: {  	s21 =	simm.s32 $0x7C00;
	s0 =	sadd.s32 s6, s0;
	[dreg:$0x4] =	wrdreg s24  }
0x11: {  	s26 =	smax.u32 s2, $0x1;
	s10 =	sshrl.u32 s22, $0x3;
	s12 =	sadd.s32 s12, s25  }
0x12: {  	s24 =	simm.s32 $0x1;
	s25 =	simm.s32 $0x3;
	s0 =	sadd.s32 $0x6D000, s0  }
0x13: {  	[dreg:$0x6] =	wrdreg s26;
	s17 =	sadd.s32 $0x40, s12;
	s22 =	sadd.s32 $0x80, s12  }
0x14: {  	s23 =	sadd.s32 $0xC0, s12;
	s26 =	simm.s32 $0x100;
	[dreg:$0x5] =	wrdreg s0  }
.LBB2_1:
0x15: {  	s0 =	rddreg [dreg:$0x4]  }
0x16: {  	[spmem:s10], [sflag:s7] =	dma.local [hbm:s0], $0x2800  }
0x17: {  	_ =	swait.ge [sflag:s11], $0x2800  }
0x18: {  	[sflag:s11] =	ssyncset.done $0x0  }
0x19: {  	[sflag:s11] =	ssyncadd.s32 $0xFFFFD800  }
0x1a: {  	[bflag:$0x0] =	sbarrier.arrive $0xFFFF  }
0x1b: {  	[tilespmem:s4], [sflag:$0x5] =	stream.linear.gather [hbm4b:s12+s4], $0x180, $0x38;
	[tilespmem:$0x1E400] =	vst v63  }
0x1c: {  	_ =	swait.ge [sflag:s11], $0x180  }
0x1d: {  	[sflag:s11] =	ssyncset.done $0x0  }
0x1e: {  	[sflag:s11] =	ssyncadd.s32 $0xFFFFFE80  }
0x1f: {  	[tilespmem:s14], [sflag:$0x1] =	stream.indirect.gather [hbm4b:s1+s13], $0x80, s4, s13, $0xb8;
	[tilespmem:$0x1E400] =	vst v63  }
0x20: {  	_ = 	snop  }
0x21: {  	[tilespmem:s16], [sflag:$0x3] =	stream.indirect.gather [hbm4b:s5+s13], $0x80, s15, s13, $0xb8;
	[tilespmem:$0x1E400] =	vst v63  }
0x22: {  	_ = 	snop  }
0x23: {  	[tilespmem:s18], [sflag:$0x5] =	stream.linear.gather [hbm4b:s17+s4], $0x180, $0x38;
	[tilespmem:$0x1E400] =	vst v63  }
0x24: {  	_ =	swait.ge [sflag:s11], $0x180  }
0x25: {  	[sflag:s11] =	ssyncset.done $0x0  }
0x26: {  	[sflag:s11] =	ssyncadd.s32 $0xFFFFFE80  }
0x27: {  	[tilespmem:s19], [sflag:$0x2] =	stream.indirect.gather [hbm4b:s1+s13], $0x80, s18, s13, $0xb8;
	[tilespmem:$0x1E400] =	vst v63  }
0x28: {  	s0 =	simm.s32 $0x0  }
0x29: {  	[tilespmem:s21], [sflag:$0x4] =	stream.indirect.gather [hbm4b:s5+s13], $0x80, s20, s13, $0xb8;
	[tilespmem:$0x1E400] =	vst v63  }
.LBB2_2:
0x2a: {  	_ =	swait.ge [sflag:s24], $0x2800  }
0x2b: {  	[sflag:s24] =	ssyncset.done $0x0  }
0x2c: {  	[sflag:s24] =	ssyncadd.s32 $0xFFFFD800  }
0x2d: {  	_ =	swait.ge [sflag:s25], $0x2800  }
0x2e: {  	[sflag:s25] =	ssyncset.done $0x0  }
0x2f: {  	s2 =	simm.s32 $0x0;
	[sflag:s25] =	ssyncadd.s32 $0xFFFFD800  }
0x30: {  	v7 =	vld [tilespmem:s2+$0x5400]  }
0x31: {  	v11 =	vld [tilespmem:s2+$0x5410]  }
0x32: {  	v5 =	vld [tilespmem:s2+$0x5420]  }
0x33: {  	v4 =	vld [tilespmem:s2+$0x5430]  }
0x34: {  	v3 =	vld [tilespmem:s2+$0x5440]  }
0x35: {  	v2 =	vld [tilespmem:s2+$0x5450]  }
0x36: {  	v1 =	vld [tilespmem:s2+$0x5460]  }
0x37: {  	v0 =	vld [tilespmem:s2+$0x5470]  }
0x38: {  	v12 =	vld [tilespmem:s2+$0x400]  }
0x39: {  	v13 =	vld [tilespmem:s2+$0x410]  }
0x3a: {  	v10 =	vld [tilespmem:s2+$0x420]  }
0x3b: {  	v9 =	vld [tilespmem:s2+$0x430]  }
0x3c: {  	v8 =	vld [tilespmem:s2+$0x440]  }
0x3d: {  	v6 =	vld [tilespmem:s2+$0x450];
	v12 =	vmul.f32 v7, v12  }
0x3e: {  	s6 =	simm.s32 $0x200;
	v11 =	vmul.f32 v11, v13;
	v7 =	vld [tilespmem:s2+$0x460]  }
.LBB2_3:
0x3f: {  	s8 =	sshra.s32 s6, $0x2;
	p0 =	sne.s32 s6, $0x9E00;
	[tilespmem:s2+$0x400] =	vst v12;
	v5 =	vmul.f32 v5, v10;
	v10 =	vld [tilespmem:s2+$0x470]  }
0x40: {  	v12 =	vld [tilespmem:s8+$0x5400];
	[tilespmem:s2+$0x410] =	vst v11;
	v4 =	vmul.f32 v4, v9  }
0x41: {  	v11 =	vld [tilespmem:s8+$0x5410];
	[tilespmem:s2+$0x420] =	vst v5;
	v3 =	vmul.f32 v3, v8  }
0x42: {  	v5 =	vld [tilespmem:s8+$0x5420];
	[tilespmem:s2+$0x430] =	vst v4;
	v2 =	vmul.f32 v2, v6  }
0x43: {  	v4 =	vld [tilespmem:s8+$0x5430];
	[tilespmem:s2+$0x440] =	vst v3;
	v1 =	vmul.f32 v1, v7  }
0x44: {  	v3 =	vld [tilespmem:s8+$0x5440];
	[tilespmem:s2+$0x450] =	vst v2;
	v0 =	vmul.f32 v0, v10  }
0x45: {  	v2 =	vld [tilespmem:s8+$0x5450];
	[tilespmem:s2+$0x460] =	vst v1  }
0x46: {  	v1 =	vld [tilespmem:s8+$0x5460];
	[tilespmem:s2+$0x470] =	vst v0;
	s2 =	smov.u32 s8  }
0x47: {  	v0 =	vld [tilespmem:s2+$0x5470]  }
0x48: {  	v6 =	vld [tilespmem:s2+$0x400]  }
0x49: {  	v7 =	vld [tilespmem:s2+$0x410]  }
.Ltmp0:
0x4a: {  	v10 =	vld [tilespmem:s2+$0x420];
	(pc) =	sbr.rel @p0 .LBB2_3-.Ltmp0, $4  }
0x4b: {  	v9 =	vld [tilespmem:s2+$0x430]  }
0x4c: {  	v8 =	vld [tilespmem:s2+$0x440]  }
0x4d: {  	v12 =	vmul.f32 v12, v6;
	v6 =	vld [tilespmem:s2+$0x450]  }
0x4e: {  	s6 =	sadd.s32 $0x200, s6;
	v11 =	vmul.f32 v11, v7;
	v7 =	vld [tilespmem:s2+$0x460]  }
0x4f: {  	[tilespmem:s2+$0x400] =	vst v12;
	v5 =	vmul.f32 v5, v10;
	v10 =	vld [tilespmem:s2+$0x470]  }
0x50: {  	[tilespmem:s2+$0x410] =	vst v11;
	v4 =	vmul.f32 v4, v9  }
0x51: {  	[tilespmem:s2+$0x420] =	vst v5;
	v3 =	vmul.f32 v3, v8  }
0x52: {  	[tilespmem:s2+$0x430] =	vst v4;
	v2 =	vmul.f32 v2, v6  }
0x53: {  	[tilespmem:s2+$0x440] =	vst v3;
	v1 =	vmul.f32 v1, v7  }
0x54: {  	[tilespmem:s2+$0x450] =	vst v2;
	v0 =	vmul.f32 v0, v10  }
0x55: {  	[tilespmem:s2+$0x460] =	vst v1  }
0x56: {  	[tilespmem:s2+$0x470] =	vst v0  }
0x57: {  	[spmem:s3] =	stream.indirect.scatter.add.f32 [tilespmem:s14], [sflag:$0x5], $0x80, s26, s13, $0xb8;
	[tilespmem:$0x1E400] =	vst v63  }
0x58: {  	_ =	swait.ge [sflag:s11], $0x2800  }
0x59: {  	s2 =	sshll.u32 s0, $0x7;
	[sflag:s11] =	ssyncset.done $0x0  }
0x5a: {  	s8 =	simm.s32 $0x0;
	s6 =	sadd.s32 s2, s22;
	[sflag:s11] =	ssyncadd.s32 $0xFFFFD800  }
0x5b: {  	[tilespmem:s8], [sflag:$0x5] =	stream.linear.gather [hbm4b:s6+s8], $0x180, $0x38;
	[tilespmem:$0x1E400] =	vst v63  }
0x5c: {  	_ =	swait.ge [sflag:s11], $0x180  }
0x5d: {  	[sflag:s11] =	ssyncset.done $0x0  }
0x5e: {  	[sflag:s11] =	ssyncadd.s32 $0xFFFFFE80  }
0x5f: {  	[tilespmem:s14], [sflag:$0x1] =	stream.indirect.gather [hbm4b:s1+s13], $0x80, s8, s13, $0xb8;
	[tilespmem:$0x1E400] =	vst v63  }
0x60: {  	_ = 	snop  }
0x61: {  	[tilespmem:s16], [sflag:$0x3] =	stream.indirect.gather [hbm4b:s5+s13], $0x80, s15, s13, $0xb8;
	[tilespmem:$0x1E400] =	vst v63  }
0x62: {  	_ =	swait.ge [sflag:s28], $0x2800  }
0x63: {  	[sflag:s28] =	ssyncset.done $0x0  }
0x64: {  	[sflag:s28] =	ssyncadd.s32 $0xFFFFD800  }
0x65: {  	_ =	swait.ge [sflag:s29], $0x2800  }
0x66: {  	[sflag:s29] =	ssyncset.done $0x0  }
0x67: {  	s6 =	simm.s32 $0x0;
	[sflag:s29] =	ssyncadd.s32 $0xFFFFD800  }
0x68: {  	v7 =	vld [tilespmem:s6+$0x7C00]  }
0x69: {  	v11 =	vld [tilespmem:s6+$0x7C10]  }
0x6a: {  	v5 =	vld [tilespmem:s6+$0x7C20]  }
0x6b: {  	v4 =	vld [tilespmem:s6+$0x7C30]  }
0x6c: {  	v3 =	vld [tilespmem:s6+$0x7C40]  }
0x6d: {  	v2 =	vld [tilespmem:s6+$0x7C50]  }
0x6e: {  	v1 =	vld [tilespmem:s6+$0x7C60]  }
0x6f: {  	v0 =	vld [tilespmem:s6+$0x7C70]  }
0x70: {  	v12 =	vld [tilespmem:s6+$0x2C00]  }
0x71: {  	v13 =	vld [tilespmem:s6+$0x2C10]  }
0x72: {  	v10 =	vld [tilespmem:s6+$0x2C20]  }
0x73: {  	v9 =	vld [tilespmem:s6+$0x2C30]  }
0x74: {  	v8 =	vld [tilespmem:s6+$0x2C40]  }
0x75: {  	v6 =	vld [tilespmem:s6+$0x2C50];
	v12 =	vmul.f32 v7, v12  }
0x76: {  	s8 =	simm.s32 $0x200;
	v11 =	vmul.f32 v11, v13;
	v7 =	vld [tilespmem:s6+$0x2C60]  }
.LBB2_5:
0x77: {  	s9 =	sshra.s32 s8, $0x2;
	p0 =	sne.s32 s8, $0x9E00;
	[tilespmem:s6+$0x2C00] =	vst v12;
	v5 =	vmul.f32 v5, v10;
	v10 =	vld [tilespmem:s6+$0x2C70]  }
0x78: {  	v12 =	vld [tilespmem:s9+$0x7C00];
	[tilespmem:s6+$0x2C10] =	vst v11;
	v4 =	vmul.f32 v4, v9  }
0x79: {  	v11 =	vld [tilespmem:s9+$0x7C10];
	[tilespmem:s6+$0x2C20] =	vst v5;
	v3 =	vmul.f32 v3, v8  }
0x7a: {  	v5 =	vld [tilespmem:s9+$0x7C20];
	[tilespmem:s6+$0x2C30] =	vst v4;
	v2 =	vmul.f32 v2, v6  }
0x7b: {  	v4 =	vld [tilespmem:s9+$0x7C30];
	[tilespmem:s6+$0x2C40] =	vst v3;
	v1 =	vmul.f32 v1, v7  }
0x7c: {  	v3 =	vld [tilespmem:s9+$0x7C40];
	[tilespmem:s6+$0x2C50] =	vst v2;
	v0 =	vmul.f32 v0, v10  }
0x7d: {  	v2 =	vld [tilespmem:s9+$0x7C50];
	[tilespmem:s6+$0x2C60] =	vst v1  }
0x7e: {  	v1 =	vld [tilespmem:s9+$0x7C60];
	[tilespmem:s6+$0x2C70] =	vst v0;
	s6 =	smov.u32 s9  }
0x7f: {  	v0 =	vld [tilespmem:s6+$0x7C70]  }
0x80: {  	v6 =	vld [tilespmem:s6+$0x2C00]  }
0x81: {  	v7 =	vld [tilespmem:s6+$0x2C10]  }
.Ltmp1:
0x82: {  	v10 =	vld [tilespmem:s6+$0x2C20];
	(pc) =	sbr.rel @p0 .LBB2_5-.Ltmp1, $4  }
0x83: {  	v9 =	vld [tilespmem:s6+$0x2C30]  }
0x84: {  	v8 =	vld [tilespmem:s6+$0x2C40]  }
0x85: {  	v12 =	vmul.f32 v12, v6;
	v6 =	vld [tilespmem:s6+$0x2C50]  }
0x86: {  	s8 =	sadd.s32 $0x200, s8;
	v11 =	vmul.f32 v11, v7;
	v7 =	vld [tilespmem:s6+$0x2C60]  }
0x87: {  	[tilespmem:s6+$0x2C00] =	vst v12;
	v5 =	vmul.f32 v5, v10;
	v63 =	vld [tilespmem:s6+$0x2C70]  }
0x88: {  	[tilespmem:s6+$0x2C10] =	vst v11;
	v4 =	vmul.f32 v4, v9  }
0x89: {  	[tilespmem:s6+$0x2C20] =	vst v5;
	v3 =	vmul.f32 v3, v8  }
0x8a: {  	[tilespmem:s6+$0x2C30] =	vst v4;
	v2 =	vmul.f32 v2, v6  }
0x8b: {  	[tilespmem:s6+$0x2C40] =	vst v3;
	v1 =	vmul.f32 v1, v7  }
0x8c: {  	[tilespmem:s6+$0x2C50] =	vst v2;
	v0 =	vmul.f32 v0, v63  }
0x8d: {  	[tilespmem:s6+$0x2C60] =	vst v1  }
0x8e: {  	[tilespmem:s6+$0x2C70] =	vst v0  }
0x8f: {  	[spmem:s3] =	stream.indirect.scatter.add.f32 [tilespmem:s19], [sflag:$0x5], $0x80, s30, s13, $0xb8;
	[tilespmem:$0x1E400] =	vst v63  }
0x90: {  	_ =	swait.ge [sflag:s11], $0x2800  }
0x91: {  	[sflag:s11] =	ssyncset.done $0x0  }
0x92: {  	s2 =	sadd.s32 s2, s23;
	s0 =	sadd.s32 $0x1, s0;
	[sflag:s11] =	ssyncadd.s32 $0xFFFFD800  }
0x93: {  	[tilespmem:s18], [sflag:$0x5] =	stream.linear.gather [hbm4b:s2+s4], $0x180, $0x38;
	[tilespmem:$0x1E400] =	vst v63  }
0x94: {  	p0 =	sne.s32 s0, $0x3F;
	_ =	swait.ge [sflag:s11], $0x180  }
.Ltmp2:
0x95: {  	[sflag:s11] =	ssyncset.done $0x0;
	(pc) =	sbr.rel @p0 .LBB2_2-.Ltmp2, $4  }
0x96: {  	[sflag:s11] =	ssyncadd.s32 $0xFFFFFE80  }
0x97: {  	[tilespmem:s19], [sflag:$0x2] =	stream.indirect.gather [hbm4b:s1+s13], $0x80, s18, s13, $0xb8;
	[tilespmem:$0x1E400] =	vst v63  }
0x98: {  	_ = 	snop  }
0x99: {  	[tilespmem:s21], [sflag:$0x4] =	stream.indirect.gather [hbm4b:s5+s13], $0x80, s20, s13, $0xb8;
	[tilespmem:$0x1E400] =	vst v63  }
0x9a: {  	_ =	swait.ge [sflag:s24], $0x2800  }
0x9b: {  	[sflag:s24] =	ssyncset.done $0x0  }
0x9c: {  	[sflag:s24] =	ssyncadd.s32 $0xFFFFD800  }
0x9d: {  	_ =	swait.ge [sflag:s25], $0x2800  }
0x9e: {  	[sflag:s25] =	ssyncset.done $0x0  }
0x9f: {  	[sflag:s25] =	ssyncadd.s32 $0xFFFFD800  }
0xa0: {  	_ =	swait.ge [sflag:s28], $0x2800  }
0xa1: {  	[sflag:s28] =	ssyncset.done $0x0  }
0xa2: {  	[sflag:s28] =	ssyncadd.s32 $0xFFFFD800  }
0xa3: {  	_ =	swait.ge [sflag:s29], $0x2800  }
0xa4: {  	[sflag:s29] =	ssyncset.done $0x0  }
0xa5: {  	[sflag:s29] =	ssyncadd.s32 $0xFFFFD800  }
0xa6: {  	[bflag:$0x0] =	sbarrier.arrive $0xFFFF  }
0xa7: {  	s0 =	rddreg [dreg:$0x5]  }
0xa8: {  	[hbm:s0], [sflag:s7] =	dma.local [spmem:s10], $0x2800  }
0xa9: {  	_ =	swait.ge [sflag:s11], $0x2800  }
0xaa: {  	s31 =	sadd.s32 $0x1, s31;
	s9 =	rddreg [dreg:$0x6]  }
0xab: {  	p0 =	sne.s32 s31, s9  }
.Ltmp3:
0xac: {  	_ = 	snop;
	(pc) =	sbr.rel @p0 .LBB2_1-.Ltmp3, $3  }
0xad: {  	_ =	sdelay $0x1  }
0xae: {  	[sflag:s11] =	ssyncset.done $0x0  }
0xaf: {  	[sflag:s11] =	ssyncadd.s32 $0xFFFFD800  }
0xb0: {  	_ =	sfence.sel $0x180000  }
0xb1: {  	[bflag:$0x0] =	sbarrier.arrive $0xFFFF  }
0xb2: {  	_ =	strace $0x9000004D  }
0xb3: {  	s0 =	stileid.u32;
	[bflag:$0x2] =	sbarrier.arrive $0xFFFF  }
0xb4: {  	p0 =	sne.s32 s0, $0x0;
	s0 =	rddreg [dreg:$0x3]  }
0xb5: {  	s0 =	sadd.s32 @!p0 $0x100000, s0  }
0xb6: {  	[sflag:s0] =	ssyncadd.tile.s32 @!p0 $0x1;
	_ =	shalt  }
.Lfunc_end2:
_tile_overlayer_lowered:
.L_overlay_start_2:
0xb7: {  	(tag) =	ssettag $0x2  }
0xb8: {  	s0 =	rddreg [dreg:$0x0];
	s2 =	stileid.u32  }
0xb9: {  	s1 =	rddreg [dreg:$0x1];
	p0 =	sne.s32 s2, $0x0  }
0xba: {  	s3 =	rddreg [dreg:$0x2];
	[bflag:$0x3] =	sbarrier.arrive $0xFFFF;
	s2 =	simm.s32 @!p0 $0x1C05  }
0xbb: {  	[timem:s3], [sflag:s2] =	dma.local @!p0 [hbm:s0], s1  }
0xbc: {  	s0 =	simm.s32 @!p0 $0x5  }
0xbd: {  	_ =	swait.ge @!p0 [sflag:s0], s1  }
0xbe: {  	s1 =	ssub.s32 @!p0 $0x0, s1;
	[sflag:s0] =	ssyncset.done @!p0 $0x0  }
0xbf: {  	[sflag:s0] =	ssyncadd.s32 @!p0 s1  }
0xc0: {  	[bflag:$0x3] =	sbarrier.arrive $0xFFFF  }
0xc1: {  	_ =	shalt  }

// kernel: kernel.7.cloned.1.call-start
scs
__scs_entry_jumppad:
0x0: {  	(pc) =	sbr.rel $0x88, $3  }
0x1: {  	(tag) =	ssettag $0x0;
	lr =	simm.s32 $0x1  }
0x2: {  	[smem:$0x3F94] =	sst lr;
	_ =	strace $0xD0000000  }
0x3: {  	_ = 	snop  }
0x4: {  	_ = 	snop  }
0x5: {  	_ = 	snop  }
0x6: {  	_ = 	snop  }
0x7: {  	_ = 	snop  }
__scs_overlays_trampoline_lowered:
0x8: {  	[smem:$0x3FA3] =	sst s0  }
0x9: {  	[smem:$0x3FA4] =	sst s1  }
0xa: {  	[smem:$0x3FA5] =	sst s2  }
0xb: {  	[smem:$0x3FA6] =	sst s3  }
0xc: {  	[smem:$0x3FA7] =	sst s4  }
0xd: {  	[smem:$0x3FA8] =	sst s5  }
0xe: {  	[smem:$0x3FA9] =	sst s6  }
0xf: {  	[smem:$0x3FAA] =	sst s7  }
0x10: {  	[smem:$0x3FAB] =	sst s8  }
0x11: {  	[smem:$0x3FAC] =	sst s9;
	s0 =	simm.s32 @!p0 $0x0  }
0x12: {  	s1 =	sld [smem:$0x3F92];
	s0 =	simm.s32 @p0 $0x1  }
0x13: {  	[smem:$0x3FAD] =	sst s0;
	s0 =	simm.s32 @!p1 $0x0  }
0x14: {  	s2 =	sld [smem:$0x3F91];
	s0 =	simm.s32 @p1 $0x1  }
0x15: {  	[smem:$0x3FAE] =	sst s0;
	s0 =	simm.s32 @!p2 $0x0  }
0x16: {  	s3 =	sld [smem:$0x3FDB];
	s0 =	simm.s32 @p2 $0x1  }
0x17: {  	s4 =	simm.s32 $0x1BF5;
	[smem:$0x3FB0] =	sst s0  }
0x18: {  	s0 =	sld [smem:$0x3F93];
	_ =	swait.ge [sflag:s4], $0x0  }
0x19: {  	s7 =	sld [smem:$0x3F94]  }
0x1a: {  	s8 =	sadd.s32 $0xFFFFE003, lr  }
0x1b: {  	s9 =	sadd.s32 $0xFFFFFEF7, lr;
	s5 =	simm.s32 $0xFFFFFFFF;
	p2 =	slt.u32 s8, $0xFFFFF086  }
0x1c: {  	p1 =	slt.u32 s9, $0xF7A;
	s5 =	simm.s32 @!p2 $0x0  }
0x1d: {  	s5 =	simm.s32 @p1 $0x1;
	p0 =	seq.s32 s7, s2  }
0x1e: {  	s7 =	smul.u32 @!p0 $0xF7A, s2;
	p2 =	seq.s32 @!p0 s5, $0x0  }
0x1f: {  	s9 =	smul.u32 $0xF7A, s1;
	s8 =	simm.s32 @!p0 $0x1BF5;
	p2 =	por !p2, p0  }
0x20: {  	[sflag:s8] =	ssyncset.s32 @!p0 $0xFFFFF086;
	s6 =	sadd.s32 @!p0 s3, s7;
	s7 =	simm.s32 @!p0 $0x108  }
0x21: {  	s3 =	sadd.s32 s3, s9;
	s6 =	sadd.s32 @!p0 $0x88, s6;
	s7 =	simm.s32 @p2 $0x1082  }
0x22: {  	[simem:s7], [sflag:s8] =	dma.local @!p0 [hbm:s6], $0xF7A  }
0x23: {  	s9 =	sor.u32 $0xD0000000, s2;
	s6 =	simm.s32 $0x108;
	_ =	swait.ge @!p0 [sflag:s8], $0x0  }
0x24: {  	s3 =	sadd.s32 $0x88, s3;
	s6 =	simm.s32 @!p1 $0x1082;
	[sflag:s4] =	ssyncset.s32 $0xFFFFF086  }
0x25: {  	[simem:s6], [sflag:s4] =	dma.local [hbm:s3], $0xF7A  }
0x26: {  	[smem:$0x3F94] =	sst s1;
	(tag) =	ssettag s2;
	_ =	strace s9  }
0x27: {  	s1 =	sld [smem:$0x3FA4]  }
0x28: {  	s2 =	sld [smem:$0x3FA5]  }
0x29: {  	s4 =	sld [smem:$0x3FA7]  }
0x2a: {  	p0 =	seq.s32 s5, $0x0;
	s5 =	sld [smem:$0x3FA8]  }
0x2b: {  	s6 =	sld [smem:$0x3FA9]  }
0x2c: {  	s7 =	sld [smem:$0x3FAA]  }
0x2d: {  	s3 =	simm.s32 $0x108;
	s8 =	sld [smem:$0x3FAB]  }
0x2e: {  	s3 =	simm.s32 @!p0 $0x1082;
	s9 =	sld [smem:$0x3FAC]  }
0x2f: {  	lr =	sadd.s32 s0, s3;
	s0 =	sld [smem:$0x3FA3]  }
0x30: {  	s3 =	sld [smem:$0x3FA6]  }
0x31: {  	[smem:$0x3FAF] =	sst s10  }
0x32: {  	s10 =	sld [smem:$0x3FAD];
	_ =	sdelay $0x3  }
0x33: {  	p0 =	seq.s32 s10, $0x1;
	s10 =	sld [smem:$0x3FAF];
	_ =	sdelay $0x3  }
0x34: {  	[smem:$0x3FAF] =	sst s10  }
0x35: {  	s10 =	sld [smem:$0x3FAE];
	_ =	sdelay $0x3  }
0x36: {  	p1 =	seq.s32 s10, $0x1;
	s10 =	sld [smem:$0x3FAF];
	_ =	sdelay $0x3  }
0x37: {  	[smem:$0x3FAF] =	sst s10  }
0x38: {  	s10 =	sld [smem:$0x3FB0]  }
0x39: {  	_ = 	snop;
	(pc) =	sbr.ind lr, $3  }
0x3a: {  	_ = 	snop  }
0x3b: {  	_ = 	snop  }
0x3c: {  	p2 =	seq.s32 s10, $0x1;
	s10 =	sld [smem:$0x3FAF]  }
0x3d: {  	_ =	shalt  }
0x3e: {  	_ =	shalt  }
0x3f: {  	_ =	shalt  }
0x40: {  	_ =	shalt  }
0x41: {  	_ =	shalt  }
0x42: {  	_ =	shalt  }
0x43: {  	_ =	shalt  }
0x44: {  	_ =	shalt  }
0x45: {  	_ =	shalt  }
0x46: {  	_ =	shalt  }
0x47: {  	_ =	shalt  }
0x48: {  	_ =	shalt  }
0x49: {  	_ =	shalt  }
0x4a: {  	_ =	shalt  }
0x4b: {  	_ =	shalt  }
0x4c: {  	_ =	shalt  }
0x4d: {  	_ =	shalt  }
0x4e: {  	_ =	shalt  }
0x4f: {  	_ =	shalt  }
0x50: {  	_ =	shalt  }
0x51: {  	_ =	shalt  }
0x52: {  	_ =	shalt  }
0x53: {  	_ =	shalt  }
0x54: {  	_ =	shalt  }
0x55: {  	_ =	shalt  }
0x56: {  	_ =	shalt  }
0x57: {  	_ =	shalt  }
0x58: {  	_ =	shalt  }
0x59: {  	_ =	shalt  }
0x5a: {  	_ =	shalt  }
0x5b: {  	_ =	shalt  }
0x5c: {  	_ =	shalt  }
0x5d: {  	_ =	shalt  }
0x5e: {  	_ =	shalt  }
0x5f: {  	_ =	shalt  }
0x60: {  	_ =	shalt  }
0x61: {  	_ =	shalt  }
0x62: {  	_ =	shalt  }
0x63: {  	_ =	shalt  }
0x64: {  	_ =	shalt  }
0x65: {  	_ =	shalt  }
0x66: {  	_ =	shalt  }
0x67: {  	_ =	shalt  }
0x68: {  	_ =	shalt  }
0x69: {  	_ =	shalt  }
0x6a: {  	_ =	shalt  }
0x6b: {  	_ =	shalt  }
0x6c: {  	_ =	shalt  }
0x6d: {  	_ =	shalt  }
0x6e: {  	_ =	shalt  }
0x6f: {  	_ =	shalt  }
0x70: {  	_ =	shalt  }
0x71: {  	_ =	shalt  }
0x72: {  	_ =	shalt  }
0x73: {  	_ =	shalt  }
0x74: {  	_ =	shalt  }
0x75: {  	_ =	shalt  }
0x76: {  	_ =	shalt  }
0x77: {  	_ =	shalt  }
0x78: {  	_ =	shalt  }
0x79: {  	_ =	shalt  }
0x7a: {  	_ =	shalt  }
0x7b: {  	_ =	shalt  }
0x7c: {  	_ =	shalt  }
0x7d: {  	_ =	shalt  }
0x7e: {  	_ =	shalt  }
0x7f: {  	_ =	shalt  }
0x80: {  	_ =	shalt  }
0x81: {  	_ =	shalt  }
0x82: {  	_ =	shalt  }
0x83: {  	_ =	shalt  }
0x84: {  	_ =	shalt  }
0x85: {  	_ =	shalt  }
0x86: {  	_ =	shalt  }
0x87: {  	_ =	shalt  }
.Lfunc_end0:
.L_simem_size_0:
called_computation_lowered:
.L_overlay_start_0:
0x88: {  	s2 =	sld [smem:$0x3FD9]  }
0x89: {  	s3 =	sld [smem:$0x3FFE];
	_ =	sdelay $0x1  }
0x8a: {  	s1 =	srdreg.scid  }
0x8b: {  	s0 =	sand.u32 $0x1, s1  }
0x8c: {  	s17 =	sshll.u32 s0, $0xA;
	s2 =	sadd.s32 s3, s2  }
0x8d: {  	s2 =	sadd.s32 s2, s17  }
0x8e: {  	[smem:$0x3FBB] =	sst s2  }
0x8f: {  	_ = 	snop  }
0x90: {  	(tm) =	ssettm $0x1  }
0x91: {  	s18 =	sld [smem:$0x3FFB];
	_ =	sdelay $0x3  }
0x92: {  	_ =	strace s18  }
0x93: {  	s2 =	sld [smem:$0x3FFC];
	_ =	sdelay $0x3  }
0x94: {  	_ =	strace s2  }
0x95: {  	s2 =	sld [smem:$0x3FFD];
	_ =	sdelay $0x3  }
0x96: {  	_ =	strace s2  }
0x97: {  	_ =	strace $0x8FFFFFFF  }
0x98: {  	s19 =	sld [smem:$0x3FDB];
	_ =	sdelay $0x1  }
0x99: {  	s20 =	simm.s32 $_scs_section_size  }
0x9a: {  	s4 =	simm.s32 $_size__tile_overlayer_lowered;
	s5 =	simm.s32 $_tile_overlayer_lowered  }
0x9b: {  	s6 =	simm.s32 $0x1BFF;
	s21 =	sshll.u32 s5, $0x1;
	s3 =	sadd.s32 s20, s19  }
0x9c: {  	s22 =	simm.s32 $0x0;
	s4 =	sshll.u32 s4, $0x1;
	s5 =	sadd.s32 s21, s3  }
0x9d: {  	[timem:s22], [sflag:s6] =	dma.local [hbm:s5], s4  }
0x9e: {  	_ =	swait.ge [sflag:s6], s4  }
0x9f: {  	s4 =	ssub.s32 $0x0, s4;
	[sflag:s6] =	ssyncset.done $0x0  }
0xa0: {  	[sflag:s6] =	ssyncadd.s32 s4;
	_ =	sdelay $0x1  }
0xa1: {  	s23 =	simm.s32 $0x1B8B  }
0xa2: {  	_ =	swait.ge [sflag:s23], $0x1  }
0xa3: {  	[sflag:s23] =	ssyncset.done $0x0  }
0xa4: {  	[sflag:s23] =	ssyncadd.s32 $0xFFFFFFFF  }
0xa5: {  	s4 =	sld [smem:$0x0]  }
0xa6: {  	s5 =	sand.u32 $0xFFFFFFFE, s1  }
0xa7: {  	p0 =	sne.s32 s1, s5  }
0xa8: {  	s5 =	sshll.u32 @p0 s5, $0xE  }
0xa9: {  	s5 =	sadd.s32 @p0 $0x11B8D, s5;
	s6 =	sshll.u32 @p0 s4, $0x11  }
0xaa: {  	s5 =	sor.u32 @p0 s6, s5  }
0xab: {  	[sflag:s5] =	ssyncadd.remote.s32 @p0 $0x1;
	_ =	sdelay $0x1  }
0xac: {  	s5 =	simm.s32 @p0 $0x1B8D  }
0xad: {  	_ =	swait.eq @p0 [sflag:s5], $0x1  }
0xae: {  	[sflag:s5] =	ssyncadd.s32 @p0 $0xFFFFFFFF  }
0xaf: {  	s6 =	sshll.u32 @!p0 s1, $0xE  }
0xb0: {  	s6 =	sor.u32 @!p0 $0x4000, s6;
	s5 =	simm.s32 @!p0 $0x1B8D  }
0xb1: {  	s4 =	sshll.u32 @!p0 s4, $0x11;
	s6 =	sadd.s32 @!p0 $0x11B8D, s6;
	_ =	swait.eq @!p0 [sflag:s5], $0x1  }
0xb2: {  	s4 =	sor.u32 @!p0 s4, s6;
	[sflag:s5] =	ssyncadd.s32 @!p0 $0xFFFFFFFF  }
0xb3: {  	s25 =	simm.s32 $0x1B8E;
	s24 =	sld [smem:$0x3FFE];
	[sflag:s4] =	ssyncadd.remote.s32 @!p0 $0x1  }
0xb4: {  	s26 =	simm.s32 $execute0_lowered;
	[smem:$0x3FD2] =	sst s25  }
0xb5: {  	s5 =	sshll.u32 s26, $0x1;
	_ =	strace $0x80000049;
	[dreg:$0x1] =	wrdreg $0xFFFFFFFF  }
0xb6: {  	s28 =	simm.s32 $_size_execute0_lowered;
	s3 =	sadd.s32 s3, s5;
	[dreg:$0x0] =	wrdreg $0x0  }
0xb7: {  	s5 =	sshll.u32 s28, $0x1;
	[dreg:$0x2] =	wrdreg s3  }
0xb8: {  	[dreg:$0x3] =	wrdreg s5  }
0xb9: {  	[dreg:$0x4] =	wrdreg $0xC0  }
0xba: {  	_ =	task [dreg:s22], $0x5FFFF  }
0xbb: {  	[dreg:$0x1] =	wrdreg $0xFFFFFFFF  }
0xbc: {  	[dreg:$0x0] =	wrdreg $0x60  }
0xbd: {  	[dreg:$0x2] =	wrdreg s24  }
0xbe: {  	[dreg:$0x3] =	wrdreg $0x14800  }
0xbf: {  	[dreg:$0x4] =	wrdreg $0x9  }
0xc0: {  	_ =	task.clear_ibuf [dreg:s22], $0x5FFFF;
	_ =	strace $0x90000049  }
0xc1: {  	s29 =	simm.s32 $0x9;
	_ =	strace $0x8000004B  }
0xc2: {  	_ =	swait.ge [sflag:s29], $0x1  }
0xc3: {  	[sflag:s29] =	ssyncadd.s32 $0xFFFFFFFF  }
0xc4: {  	_ =	strace $0x9000004B  }
0xc5: {  	_ =	sfence  }
0xc6: {  	s30 =	sld [smem:$0x0];
	_ =	sdelay $0x2  }
0xc7: {  	s31 =	sshll.u32 s1, $0xD;
	s1 =	sshrl.u32 s1, $0x2  }
0xc8: {  	s4 =	sand.u32 $0x4000, s31;
	s1 =	sadd.s32 s1, s30  }
0xc9: {  	s0 =	sor.u32 s4, s0;
	s1 =	sshll.u32 s1, $0x11  }
0xca: {  	s0 =	sor.u32 s1, s0  }
0xcb: {  	s0 =	sadd.s32 $0x8F2B, s0  }
0xcc: {  	[sflag:s0] =	ssyncadd.remote.s32 $0x1  }
0xcd: {  	_ =	sfence.sel $0xFFFF  }
0xce: {  	[dreg:$0x0] =	wrdreg $0xFFFFFFFF;
	(pc) =	sbr.abs _section_cstart, $3  }
0xcf: {  	[dreg:$0x1] =	wrdreg $0xFFFFFFFF  }
0xd0: {  	_ =	task.clear_ibuf [dreg:s22], $0x2FFFF;
	_ =	strace $0x9FFFFFFF  }
0xd1: {  	(tm) =	ssettm $0x7FFFFFFF  }
tec
execute0_lowered:
.L_overlay_start_1:
0x0: {  	(tag) =	ssettag $0x1  }
0x1: {  	s5 =	rddreg [dreg:$0x0]  }
0x2: {  	s2 =	rddreg [dreg:$0x1]  }
0x3: {  	s0 =	rddreg [dreg:$0x2]  }
0x4: {  	s3 =	simm.s32 $0x0;
	s1 =	stileid.u32;
	s4 =	srdreg.scid  }
0x5: {  	s14 =	simm.s32 $0x0;
	[smem:$0x7FF] =	sst s3;
	s6 =	smul.u32 $0x2800, s1  }
0x6: {  	s7 =	sand.u32 $0x1, s4;
	s23 =	sshll.u32 s1, $0xB;
	s11 =	smul.u32 $0x50000, s1  }
0x7: {  	s4 =	sadd.s32 $0xCD000, s5;
	s30 =	sshll.u32 s1, $0x6;
	_ =	strace $0x8000004A  }
0x8: {  	s8 =	smul.u32 $0x28000, s7;
	s9 =	sadd.s32 s23, s5;
	s24 =	ssub.s32 $0x2, s7  }
0x9: {  	s29 =	sshll.u32 s7, $0xF;
	s10 =	sadd.s32 s6, s5;
	s25 =	sshrl.u32 s24, $0x1  }
0xa: {  	s26 =	sshrl.u32 s11, $0x2;
	s31 =	sadd.s32 s29, s9;
	s11 =	simm.s32 $0x1  }
0xb: {  	s6 =	sadd.s32 s6, s8;
	s28 =	ssub.s32 s24, s25;
	s13 =	sadd.s32 s26, s2  }
0xc: {  	s7 =	sadd.s32 $0xBD000, s31;
	s12 =	sadd.s32 s6, s5;
	s5 =	sadd.s32 $0x45000, s10  }
0xd: {  	s6 =	sor.u32 $0x1C01, s30;
	s9 =	smax.u32 s28, $0x1;
	s10 =	sshrl.u32 s13, $0x3  }
0xe: {  	s13 =	simm.s32 $0x28;
	s8 =	sadd.s32 $0xCD400, s12;
	s12 =	simm.s32 $0x80  }
.LBB2_1:
0xf: {  	[spmem:s10], [sflag:s6] =	dma.local [hbm:s5], $0x2800  }
0x10: {  	_ =	swait.ge [sflag:s11], $0x2800  }
0x11: {  	[sflag:s11] =	ssyncset.done $0x0  }
0x12: {  	[sflag:s11] =	ssyncadd.s32 $0xFFFFD800  }
0x13: {  	[tilespmem:s12], [sflag:$0x1] =	stream.linear.gather [hbm4b:s4+s3], $0x1400, $0x38;
	[tilespmem:$0x15480] =	vst v63  }
0x14: {  	_ =	swait.ge [sflag:s11], $0x1400  }
0x15: {  	[sflag:s11] =	ssyncset.done $0x0  }
0x16: {  	[sflag:s11] =	ssyncadd.s32 $0xFFFFEC00  }
0x17: {  	s15 =	sadd.s32 $0x0, s7;
	[bflag:$0x0] =	sbarrier.arrive $0xFFFF  }
0x18: {  	[tilespmem:s3], [sflag:$0x1] =	stream.linear.gather [hbm4b:s15+s3], $0x80, $0x38;
	[tilespmem:$0x15480] =	vst v63  }
0x19: {  	_ =	swait.ge [sflag:s11], $0x80  }
0x1a: {  	[sflag:s11] =	ssyncset.done $0x0  }
0x1b: {  	[sflag:s11] =	ssyncadd.s32 $0xFFFFFF80  }
0x1c: {  	[spmem:s2] =	stream.indirect.scatter.add.f32 [tilespmem:s12], [sflag:$0x1], $0x80, s3, s13, $0xb8;
	[tilespmem:$0x15480] =	vst v63  }
0x1d: {  	_ =	swait.ge [sflag:s11], $0x1400  }
0x1e: {  	s16 =	simm.s32 $0x20;
	s15 =	simm.s32 $0x10;
	[sflag:s11] =	ssyncset.done $0x0  }
.LBB2_2:
0x1f: {  	s17 =	sadd.s32 s15, s7  }
0x20: {  	[sflag:s11] =	ssyncadd.s32 $0xFFFFEC00;
	s15 =	smov.u32 s16;
	s18 =	sadd.s32 $0x10, s16  }
0x21: {  	[tilespmem:s3], [sflag:$0x1] =	stream.linear.gather [hbm4b:s17+s3], $0x80, $0x38;
	[tilespmem:$0x15480] =	vst v63  }
0x22: {  	p0 =	sne.s32 s16, $0x7C0;
	_ =	swait.ge [sflag:s11], $0x80  }
.Ltmp0:
0x23: {  	[sflag:s11] =	ssyncset.done $0x0;
	(pc) =	sbr.rel @p0 .LBB2_2-.Ltmp0, $4  }
0x24: {  	[sflag:s11] =	ssyncadd.s32 $0xFFFFFF80  }
0x25: {  	[spmem:s2] =	stream.indirect.scatter.add.f32 [tilespmem:s12], [sflag:$0x1], $0x80, s3, s13, $0xb8;
	[tilespmem:$0x15480] =	vst v63  }
0x26: {  	_ =	swait.ge [sflag:s11], $0x1400  }
0x27: {  	s16 =	smov.u32 s18;
	[sflag:s11] =	ssyncset.done $0x0  }
0x28: {  	s15 =	sadd.s32 s15, s7;
	[sflag:s11] =	ssyncadd.s32 $0xFFFFEC00  }
0x29: {  	[tilespmem:s3], [sflag:$0x1] =	stream.linear.gather [hbm4b:s15+s3], $0x80, $0x38;
	[tilespmem:$0x15480] =	vst v63  }
0x2a: {  	_ =	swait.ge [sflag:s11], $0x80  }
0x2b: {  	[sflag:s11] =	ssyncset.done $0x0  }
0x2c: {  	[sflag:s11] =	ssyncadd.s32 $0xFFFFFF80  }
0x2d: {  	[spmem:s2] =	stream.indirect.scatter.add.f32 [tilespmem:s12], [sflag:$0x1], $0x80, s3, s13, $0xb8;
	[tilespmem:$0x15480] =	vst v63  }
0x2e: {  	_ =	swait.ge [sflag:s11], $0x1400  }
0x2f: {  	s14 =	sadd.s32 $0x1, s14;
	[sflag:s11] =	ssyncset.done $0x0  }
0x30: {  	p0 =	sne.s32 s14, s9;
	[sflag:s11] =	ssyncadd.s32 $0xFFFFEC00  }
.Ltmp1:
0x31: {  	[bflag:$0x0] =	sbarrier.arrive $0xFFFF;
	(pc) =	sbr.rel @p0 .LBB2_1-.Ltmp1, $4  }
0x32: {  	[hbm:s8], [sflag:s6] =	dma.local [spmem:s10], $0x2800  }
0x33: {  	_ =	swait.ge [sflag:s11], $0x2800  }
0x34: {  	[sflag:s11] =	ssyncset.done $0x0  }
0x35: {  	[sflag:s11] =	ssyncadd.s32 $0xFFFFD800  }
0x36: {  	_ =	sfence.sel $0x180000  }
0x37: {  	[bflag:$0x0] =	sbarrier.arrive $0xFFFF  }
0x38: {  	p0 =	sne.s32 s1, $0x0;
	_ =	strace $0x9000004A  }
0x39: {  	s0 =	sadd.s32 @!p0 $0x100000, s0;
	[bflag:$0x2] =	sbarrier.arrive $0xFFFF  }
0x3a: {  	[sflag:s0] =	ssyncadd.tile.s32 @!p0 $0x1;
	_ =	shalt  }
.Lfunc_end2:
_tile_overlayer_lowered:
.L_overlay_start_2:
0x3b: {  	(tag) =	ssettag $0x2  }
0x3c: {  	s0 =	rddreg [dreg:$0x0];
	s2 =	stileid.u32  }
0x3d: {  	s1 =	rddreg [dreg:$0x1];
	p0 =	sne.s32 s2, $0x0  }
0x3e: {  	s3 =	rddreg [dreg:$0x2];
	[bflag:$0x3] =	sbarrier.arrive $0xFFFF;
	s2 =	simm.s32 @!p0 $0x1C01  }
0x3f: {  	[timem:s3], [sflag:s2] =	dma.local @!p0 [hbm:s0], s1  }
0x40: {  	s0 =	simm.s32 @!p0 $0x1  }
0x41: {  	_ =	swait.ge @!p0 [sflag:s0], s1  }
0x42: {  	s1 =	ssub.s32 @!p0 $0x0, s1;
	[sflag:s0] =	ssyncset.done @!p0 $0x0  }
0x43: {  	[sflag:s0] =	ssyncadd.s32 @!p0 s1  }
0x44: {  	[bflag:$0x3] =	sbarrier.arrive $0xFFFF  }
0x45: {  	_ =	shalt  }

</sc_bundles>
